<compile_context>
chip_gen: v7x
topology: tpu7x:2x2x1
jax: 0.10.2.dev20260603
libtpu: 0.0.44.dev20260713+nightly
codegen_flags: <defaults>
</compile_context>

<pallas_src>
import functools

import jax
import jax.numpy as jnp
from jax import lax
from jax.experimental import pallas as pl
from jax.experimental.pallas import tpu as pltpu
from jax.experimental.pallas import tpu_sc as plsc

VOCAB = 1000000
D = 64
B = 16384
L = 50
NUM_CLASS = 5

NC = 2
NS = 16
NW = NC * NS
BAGS_PER_W = B // NW
BAGS_PER_CHUNK = 2
ROWS_PER_CHUNK = BAGS_PER_CHUNK * L
NCHUNK = BAGS_PER_W // BAGS_PER_CHUNK
NBUF = 8

VBLK = 65536
N_VBLK = -(-VOCAB // VBLK)
PIECE = VBLK // 8
PACK_ROWS = N_VBLK * (VBLK // 8)


def _tc_proj_body(x_ref, w_ref, b_ref, o_ref):
    y = lax.dot_general(x_ref[...].astype(jnp.bfloat16),
                        w_ref[...].astype(jnp.bfloat16),
                        (((0,), (0,)), ((), ())),
                        preferred_element_type=jnp.float32)
    y = y + b_ref[...]
    lane = lax.broadcasted_iota(jnp.int32, (PIECE, 128), 1)
    slot = lax.shift_right_logical(lane, 4)
    acc = jnp.zeros((PIECE, 128), jnp.float32)
    for k in range(8):
        acc = acc + jnp.where(slot == k, y[PIECE * k:PIECE * (k + 1), :], 0.0)
    o_ref[...] = acc


def _tc_proj(table_t, w_pad, b_pad):
    return pl.pallas_call(
        _tc_proj_body,
        grid=(N_VBLK,),
        in_specs=[
            pl.BlockSpec((D, VBLK), lambda i: (0, i)),
            pl.BlockSpec((D, 128), lambda i: (0, 0)),
            pl.BlockSpec((1, 128), lambda i: (0, 0)),
        ],
        out_specs=pl.BlockSpec((VBLK // 8, 128), lambda i: (i, 0)),
        out_shape=jax.ShapeDtypeStruct((PACK_ROWS, 128), jnp.float32),
        compiler_params=pltpu.CompilerParams(
            fuse_transposed_lhs_in_matmul=True,
            vmem_limit_bytes=110 * 1024 * 1024),
    )(table_t, w_pad, b_pad)


def _sc_body(idx_hbm, proj_hbm, out_hbm, idx_v, gbuf, outb, sem0, sem1,
             sem2, sem3, sem4, sem5, sem6, sem7):
    wid = lax.axis_index("s") * NC + lax.axis_index("c")
    row0 = wid * NCHUNK
    pltpu.sync_copy(idx_hbm.at[pl.ds(row0, NCHUNK)], idx_v)

    sems = (sem0, sem1, sem2, sem3, sem4, sem5, sem6, sem7)

    def start(j, b):
        pltpu.async_copy(proj_hbm.at[idx_v.at[j]], gbuf.at[b], sems[b])

    def wait(b):
        pltpu.make_async_copy(proj_hbm.at[idx_v.at[0]], gbuf.at[b], sems[b]).wait()

    for b in range(NBUF):
        start(b, b)

    zeros = jnp.zeros((16,), jnp.float32)
    iota16 = lax.iota(jnp.int32, 16)
    lo_mask = iota16 < 8
    perm_idx = lax.rem(iota16, 8)

    @pl.loop(0, NCHUNK, step=NBUF)
    def _chunks(g):
        for b in range(NBUF):
            j = g + b
            wait(b)

            accs = []
            for bic in range(BAGS_PER_CHUNK):
                r0 = bic * L

                def body(r, acc):
                    return acc + gbuf[b, r0 + r, pl.ds(0, 16)]

                accs.append(lax.fori_loop(0, L, body, zeros, unroll=4))

            hi = lax.gather(
                accs[1], perm_idx[:, None],
                lax.GatherDimensionNumbers(offset_dims=(),
                                           collapsed_slice_dims=(0,),
                                           start_index_map=(0,)),
                slice_sizes=(1,),
                mode=lax.GatherScatterMode.PROMISE_IN_BOUNDS)
            combined = jnp.where(lo_mask, accs[0], hi)
            outb[lax.shift_right_logical(j, 3),
                 pl.ds(lax.bitwise_and(j, 7) * 16, 16)] = combined

            @pl.when(j + NBUF < NCHUNK)
            def _():
                start(j + NBUF, b)

    pltpu.sync_copy(outb, out_hbm.at[pl.ds(wid * (BAGS_PER_W // 16),
                                           BAGS_PER_W // 16)])


@functools.partial(
    pl.kernel,
    out_type=jax.ShapeDtypeStruct((B // 16, 128), jnp.float32),
    mesh=plsc.VectorSubcoreMesh(core_axis_name="c", subcore_axis_name="s",
                                num_cores=NC, num_subcores=NS),
    scratch_types=[
        pltpu.VMEM((NCHUNK, ROWS_PER_CHUNK), jnp.int32),
        pltpu.VMEM((NBUF, ROWS_PER_CHUNK, 16), jnp.float32),
        pltpu.VMEM((BAGS_PER_W // 16, 128), jnp.float32),
        pltpu.SemaphoreType.DMA,
        pltpu.SemaphoreType.DMA,
        pltpu.SemaphoreType.DMA,
        pltpu.SemaphoreType.DMA,
        pltpu.SemaphoreType.DMA,
        pltpu.SemaphoreType.DMA,
        pltpu.SemaphoreType.DMA,
        pltpu.SemaphoreType.DMA,
    ],
    compiler_params=pltpu.CompilerParams(use_tc_tiling_on_sc=False),
)
def _sc_bag_sums(idx_hbm, proj_hbm, out_hbm, idx_v, gbuf, outb, sem0, sem1,
                 sem2, sem3, sem4, sem5, sem6, sem7):
    _sc_body(idx_hbm, proj_hbm, out_hbm, idx_v, gbuf, outb, sem0, sem1,
             sem2, sem3, sem4, sem5, sem6, sem7)


def kernel(text, emb_table, fc_w, fc_b):
    t32 = text.astype(jnp.int32)
    hidx = (
        lax.bitwise_and(t32, -VBLK)
        + lax.bitwise_and(t32, PIECE - 1) * 8
        + lax.shift_right_logical(lax.bitwise_and(t32, VBLK - 1), 13)
    )
    hidx2d = hidx.reshape(NW * NCHUNK, ROWS_PER_CHUNK)

    w16 = jnp.zeros((D, 16), jnp.float32)
    w16 = w16.at[:, :NUM_CLASS].set(fc_w.T / L)
    w16 = w16.at[:, 8:8 + NUM_CLASS].set(fc_w.T / L)
    w_pad = jnp.tile(w16, (1, 8))
    b16 = jnp.zeros((1, 16), jnp.float32)
    b16 = b16.at[0, :NUM_CLASS].set(fc_b / L)
    b16 = b16.at[0, 8:8 + NUM_CLASS].set(fc_b / L)
    b_pad = jnp.tile(b16, (1, 8))

    proj = _tc_proj(emb_table.T, w_pad, b_pad)
    proj16 = proj.reshape(PACK_ROWS * 8, 16)

    packed = _sc_bag_sums(hidx2d, proj16)
    return packed.reshape(B, 8)[:, :NUM_CLASS]

# --- scband reference (transcript-rebuilt; emitter-appended) ---
"""Pipeline reference for scband-text-sentiment-1537598292391 (READ-ONLY COPY).

The authoritative reference and input builder live on the scoring server;
editing this copy changes nothing except your own understanding.
"""

import jax, jax.numpy as jnp
import numpy as np

VOCAB = 1000000
EMBED_DIM = 64
NUM_CLASS = 5
BATCH = 16384
SEQ = 50


def setup_inputs(seed: int = 0) -> dict:
    key = jax.random.key(seed)
    k1, k2, k3 = jax.random.split(key, 3)
    text = jax.random.randint(k1, (BATCH, SEQ), 0, VOCAB, dtype=jnp.int64 if jax.config.jax_enable_x64 else jnp.int32)
    emb_table = jax.random.uniform(k2, (VOCAB, EMBED_DIM), minval=-0.5, maxval=0.5, dtype=jnp.float32)
    fc_w = jax.random.uniform(k3, (NUM_CLASS, EMBED_DIM), minval=-0.5, maxval=0.5, dtype=jnp.float32)
    fc_b = jnp.zeros((NUM_CLASS,), dtype=jnp.float32)
    return {"text": text, "emb_table": emb_table, "fc_w": fc_w, "fc_b": fc_b}


def reference(text, emb_table, fc_w, fc_b):
    # EmbeddingBag(mode='mean') with 2D input: gather then mean over bag dim
    gathered = jnp.take(emb_table, text, axis=0)            # [B, L, D]
    embedded = jnp.mean(gathered, axis=1)                   # [B, D]
    # Linear layer
    return embedded @ fc_w.T + fc_b                         # [B, num_class]

if __name__ == "__main__":
    import jax
    _d = setup_inputs()
    print(jax.jit(kernel)(*tuple(_d.values())))

</pallas_src>

<mosaic_0001>
#map = affine_map<(d0, d1) -> (0, 0)>
module attributes {stable_mosaic.version = 14 : i64} {
  func.func @_sc_bag_sums(%arg0: i32, %arg1: i32, %arg2: memref<8192x100xi32, #tpu.memory_space<hbm>>, %arg3: memref<1048576x16xf32, #tpu.memory_space<hbm>>, %arg4: memref<1024x128xf32, #tpu.memory_space<hbm>>, %arg5: memref<256x100xi32, #tpu.memory_space<vmem>>, %arg6: memref<8x100x16xf32, #tpu.memory_space<vmem>>, %arg7: memref<32x128xf32, #tpu.memory_space<vmem>>, %arg8: memref<!tpu.dma_semaphore, #tpu.memory_space<semaphore_mem>>, %arg9: memref<!tpu.dma_semaphore, #tpu.memory_space<semaphore_mem>>, %arg10: memref<!tpu.dma_semaphore, #tpu.memory_space<semaphore_mem>>, %arg11: memref<!tpu.dma_semaphore, #tpu.memory_space<semaphore_mem>>, %arg12: memref<!tpu.dma_semaphore, #tpu.memory_space<semaphore_mem>>, %arg13: memref<!tpu.dma_semaphore, #tpu.memory_space<semaphore_mem>>, %arg14: memref<!tpu.dma_semaphore, #tpu.memory_space<semaphore_mem>>, %arg15: memref<!tpu.dma_semaphore, #tpu.memory_space<semaphore_mem>>) attributes {dimension_semantics = [#tpu.dimension_semantics<core_parallel>, #tpu.dimension_semantics<subcore_parallel>], iteration_bounds = array<i64: 2, 16>, scalar_prefetch = 0 : i64, scratch_operands = 11 : i64, tpu.core_type = #tpu.core_type<sc_vector_subcore>, window_params = [{transform_indices = #map}, {transform_indices = #map}, {transform_indices = #map}]} {
    %mul3A = arith.constant 2 : i32
    %mul3A_0 = arith.muli %arg1, %mul3A : i32
    %add3A = arith.addi %mul3A_0, %arg0 : i32
    %mul3A_1 = arith.constant 256 : i32
    %mul3A_2 = arith.muli %add3A, %mul3A_1 : i32
    "tpu.region"() ({
      %run_scoped3A = tpu.sem_alloc : memref<!tpu.dma_semaphore, #tpu.memory_space<semaphore_mem>>
      %dma_start3A_109 = arith.constant 0 : i32
      %dma_start3A_110 = tpu.memref_slice %arg2[%mul3A_2, %dma_start3A_109] : memref<8192x100xi32, #tpu.memory_space<hbm>> -> memref<256x100xi32, #tpu.memory_space<hbm>>
      %dma_start3A_111 = arith.constant 0 : i32
      %dma_start3A_112 = tpu.memref_slice %arg2[%mul3A_2, %dma_start3A_111] : memref<8192x100xi32, #tpu.memory_space<hbm>> -> memref<256x100xi32, #tpu.memory_space<hbm>>
      tpu.enqueue_dma source(%dma_start3A_112 : memref<256x100xi32, #tpu.memory_space<hbm>>) target(%arg5 : memref<256x100xi32, #tpu.memory_space<vmem>>) target_semaphore(%run_scoped3A : memref<!tpu.dma_semaphore, #tpu.memory_space<semaphore_mem>>)
      %dma_wait3A = arith.constant 0 : i32
      %dma_wait3A_113 = tpu.memref_slice %arg2[%mul3A_2, %dma_wait3A] : memref<8192x100xi32, #tpu.memory_space<hbm>> -> memref<256x100xi32, #tpu.memory_space<hbm>>
      %dma_wait3A_114 = arith.constant 0 : i32
      %dma_wait3A_115 = tpu.memref_slice %arg2[%mul3A_2, %dma_wait3A_114] : memref<8192x100xi32, #tpu.memory_space<hbm>> -> memref<256x100xi32, #tpu.memory_space<hbm>>
      tpu.wait_dma2 semaphore(%run_scoped3A : memref<!tpu.dma_semaphore, #tpu.memory_space<semaphore_mem>>) src(%dma_wait3A_115 : memref<256x100xi32, #tpu.memory_space<hbm>>) dst(%arg5 : memref<256x100xi32, #tpu.memory_space<vmem>>)
      tpu.yield
    }) : () -> ()
    %dma_start3A = arith.constant 0 : i32
    %dma_start3A_3 = arith.constant 0 : i32
    %dma_start3A_4 = arith.constant 0 : i32
    %dma_start3A_5 = arith.constant 0 : i32
    %dma_start3A_6 = tpu.memref_slice %arg6[%dma_start3A_3, %dma_start3A_4, %dma_start3A_5] : memref<8x100x16xf32, #tpu.memory_space<vmem>> -> memref<1x100x16xf32, #tpu.memory_space<vmem>>
    %dma_start3A_7 = tpu.memref_squeeze %dma_start3A_6 : memref<1x100x16xf32, #tpu.memory_space<vmem>> -> memref<100x16xf32, #tpu.memory_space<vmem>>
    %dma_start3A_8 = arith.constant 0 : i32
    %dma_start3A_9 = tpu.memref_slice %arg5[%dma_start3A, %dma_start3A_8] : memref<256x100xi32, #tpu.memory_space<vmem>> -> memref<1x100xi32, #tpu.memory_space<vmem>>
    %dma_start3A_10 = tpu.memref_squeeze %dma_start3A_9 : memref<1x100xi32, #tpu.memory_space<vmem>> -> memref<100xi32, #tpu.memory_space<vmem>>
    %dma_start3A_11 = arith.constant 0 : i32
    %dma_start3A_12 = arith.constant 0 : i32
    %dma_start3A_13 = tpu.memref_slice %arg3[%dma_start3A_11, %dma_start3A_12] : memref<1048576x16xf32, #tpu.memory_space<hbm>> -> memref<1048576x16xf32, #tpu.memory_space<hbm>>
    tpu.enqueue_indirect_dma source(%dma_start3A_13 : memref<1048576x16xf32, #tpu.memory_space<hbm>>) target(%dma_start3A_7 : memref<100x16xf32, #tpu.memory_space<vmem>>) offsets(%dma_start3A_10 : memref<100xi32, #tpu.memory_space<vmem>>) semaphore(%arg8 : memref<!tpu.dma_semaphore, #tpu.memory_space<semaphore_mem>>)
    %dma_start3A_14 = arith.constant 1 : i32
    %dma_start3A_15 = arith.constant 1 : i32
    %dma_start3A_16 = arith.constant 0 : i32
    %dma_start3A_17 = arith.constant 0 : i32
    %dma_start3A_18 = tpu.memref_slice %arg6[%dma_start3A_15, %dma_start3A_16, %dma_start3A_17] : memref<8x100x16xf32, #tpu.memory_space<vmem>> -> memref<1x100x16xf32, #tpu.memory_space<vmem>>
    %dma_start3A_19 = tpu.memref_squeeze %dma_start3A_18 : memref<1x100x16xf32, #tpu.memory_space<vmem>> -> memref<100x16xf32, #tpu.memory_space<vmem>>
    %dma_start3A_20 = arith.constant 0 : i32
    %dma_start3A_21 = tpu.memref_slice %arg5[%dma_start3A_14, %dma_start3A_20] : memref<256x100xi32, #tpu.memory_space<vmem>> -> memref<1x100xi32, #tpu.memory_space<vmem>>
    %dma_start3A_22 = tpu.memref_squeeze %dma_start3A_21 : memref<1x100xi32, #tpu.memory_space<vmem>> -> memref<100xi32, #tpu.memory_space<vmem>>
    %dma_start3A_23 = arith.constant 0 : i32
    %dma_start3A_24 = arith.constant 0 : i32
    %dma_start3A_25 = tpu.memref_slice %arg3[%dma_start3A_23, %dma_start3A_24] : memref<1048576x16xf32, #tpu.memory_space<hbm>> -> memref<1048576x16xf32, #tpu.memory_space<hbm>>
    tpu.enqueue_indirect_dma source(%dma_start3A_25 : memref<1048576x16xf32, #tpu.memory_space<hbm>>) target(%dma_start3A_19 : memref<100x16xf32, #tpu.memory_space<vmem>>) offsets(%dma_start3A_22 : memref<100xi32, #tpu.memory_space<vmem>>) semaphore(%arg9 : memref<!tpu.dma_semaphore, #tpu.memory_space<semaphore_mem>>)
    %dma_start3A_26 = arith.constant 2 : i32
    %dma_start3A_27 = arith.constant 2 : i32
    %dma_start3A_28 = arith.constant 0 : i32
    %dma_start3A_29 = arith.constant 0 : i32
    %dma_start3A_30 = tpu.memref_slice %arg6[%dma_start3A_27, %dma_start3A_28, %dma_start3A_29] : memref<8x100x16xf32, #tpu.memory_space<vmem>> -> memref<1x100x16xf32, #tpu.memory_space<vmem>>
    %dma_start3A_31 = tpu.memref_squeeze %dma_start3A_30 : memref<1x100x16xf32, #tpu.memory_space<vmem>> -> memref<100x16xf32, #tpu.memory_space<vmem>>
    %dma_start3A_32 = arith.constant 0 : i32
    %dma_start3A_33 = tpu.memref_slice %arg5[%dma_start3A_26, %dma_start3A_32] : memref<256x100xi32, #tpu.memory_space<vmem>> -> memref<1x100xi32, #tpu.memory_space<vmem>>
    %dma_start3A_34 = tpu.memref_squeeze %dma_start3A_33 : memref<1x100xi32, #tpu.memory_space<vmem>> -> memref<100xi32, #tpu.memory_space<vmem>>
    %dma_start3A_35 = arith.constant 0 : i32
    %dma_start3A_36 = arith.constant 0 : i32
    %dma_start3A_37 = tpu.memref_slice %arg3[%dma_start3A_35, %dma_start3A_36] : memref<1048576x16xf32, #tpu.memory_space<hbm>> -> memref<1048576x16xf32, #tpu.memory_space<hbm>>
    tpu.enqueue_indirect_dma source(%dma_start3A_37 : memref<1048576x16xf32, #tpu.memory_space<hbm>>) target(%dma_start3A_31 : memref<100x16xf32, #tpu.memory_space<vmem>>) offsets(%dma_start3A_34 : memref<100xi32, #tpu.memory_space<vmem>>) semaphore(%arg10 : memref<!tpu.dma_semaphore, #tpu.memory_space<semaphore_mem>>)
    %dma_start3A_38 = arith.constant 3 : i32
    %dma_start3A_39 = arith.constant 3 : i32
    %dma_start3A_40 = arith.constant 0 : i32
    %dma_start3A_41 = arith.constant 0 : i32
    %dma_start3A_42 = tpu.memref_slice %arg6[%dma_start3A_39, %dma_start3A_40, %dma_start3A_41] : memref<8x100x16xf32, #tpu.memory_space<vmem>> -> memref<1x100x16xf32, #tpu.memory_space<vmem>>
    %dma_start3A_43 = tpu.memref_squeeze %dma_start3A_42 : memref<1x100x16xf32, #tpu.memory_space<vmem>> -> memref<100x16xf32, #tpu.memory_space<vmem>>
    %dma_start3A_44 = arith.constant 0 : i32
    %dma_start3A_45 = tpu.memref_slice %arg5[%dma_start3A_38, %dma_start3A_44] : memref<256x100xi32, #tpu.memory_space<vmem>> -> memref<1x100xi32, #tpu.memory_space<vmem>>
    %dma_start3A_46 = tpu.memref_squeeze %dma_start3A_45 : memref<1x100xi32, #tpu.memory_space<vmem>> -> memref<100xi32, #tpu.memory_space<vmem>>
    %dma_start3A_47 = arith.constant 0 : i32
    %dma_start3A_48 = arith.constant 0 : i32
    %dma_start3A_49 = tpu.memref_slice %arg3[%dma_start3A_47, %dma_start3A_48] : memref<1048576x16xf32, #tpu.memory_space<hbm>> -> memref<1048576x16xf32, #tpu.memory_space<hbm>>
    tpu.enqueue_indirect_dma source(%dma_start3A_49 : memref<1048576x16xf32, #tpu.memory_space<hbm>>) target(%dma_start3A_43 : memref<100x16xf32, #tpu.memory_space<vmem>>) offsets(%dma_start3A_46 : memref<100xi32, #tpu.memory_space<vmem>>) semaphore(%arg11 : memref<!tpu.dma_semaphore, #tpu.memory_space<semaphore_mem>>)
    %dma_start3A_50 = arith.constant 4 : i32
    %dma_start3A_51 = arith.constant 4 : i32
    %dma_start3A_52 = arith.constant 0 : i32
    %dma_start3A_53 = arith.constant 0 : i32
    %dma_start3A_54 = tpu.memref_slice %arg6[%dma_start3A_51, %dma_start3A_52, %dma_start3A_53] : memref<8x100x16xf32, #tpu.memory_space<vmem>> -> memref<1x100x16xf32, #tpu.memory_space<vmem>>
    %dma_start3A_55 = tpu.memref_squeeze %dma_start3A_54 : memref<1x100x16xf32, #tpu.memory_space<vmem>> -> memref<100x16xf32, #tpu.memory_space<vmem>>
    %dma_start3A_56 = arith.constant 0 : i32
    %dma_start3A_57 = tpu.memref_slice %arg5[%dma_start3A_50, %dma_start3A_56] : memref<256x100xi32, #tpu.memory_space<vmem>> -> memref<1x100xi32, #tpu.memory_space<vmem>>
    %dma_start3A_58 = tpu.memref_squeeze %dma_start3A_57 : memref<1x100xi32, #tpu.memory_space<vmem>> -> memref<100xi32, #tpu.memory_space<vmem>>
    %dma_start3A_59 = arith.constant 0 : i32
    %dma_start3A_60 = arith.constant 0 : i32
    %dma_start3A_61 = tpu.memref_slice %arg3[%dma_start3A_59, %dma_start3A_60] : memref<1048576x16xf32, #tpu.memory_space<hbm>> -> memref<1048576x16xf32, #tpu.memory_space<hbm>>
    tpu.enqueue_indirect_dma source(%dma_start3A_61 : memref<1048576x16xf32, #tpu.memory_space<hbm>>) target(%dma_start3A_55 : memref<100x16xf32, #tpu.memory_space<vmem>>) offsets(%dma_start3A_58 : memref<100xi32, #tpu.memory_space<vmem>>) semaphore(%arg12 : memref<!tpu.dma_semaphore, #tpu.memory_space<semaphore_mem>>)
    %dma_start3A_62 = arith.constant 5 : i32
    %dma_start3A_63 = arith.constant 5 : i32
    %dma_start3A_64 = arith.constant 0 : i32
    %dma_start3A_65 = arith.constant 0 : i32
    %dma_start3A_66 = tpu.memref_slice %arg6[%dma_start3A_63, %dma_start3A_64, %dma_start3A_65] : memref<8x100x16xf32, #tpu.memory_space<vmem>> -> memref<1x100x16xf32, #tpu.memory_space<vmem>>
    %dma_start3A_67 = tpu.memref_squeeze %dma_start3A_66 : memref<1x100x16xf32, #tpu.memory_space<vmem>> -> memref<100x16xf32, #tpu.memory_space<vmem>>
    %dma_start3A_68 = arith.constant 0 : i32
    %dma_start3A_69 = tpu.memref_slice %arg5[%dma_start3A_62, %dma_start3A_68] : memref<256x100xi32, #tpu.memory_space<vmem>> -> memref<1x100xi32, #tpu.memory_space<vmem>>
    %dma_start3A_70 = tpu.memref_squeeze %dma_start3A_69 : memref<1x100xi32, #tpu.memory_space<vmem>> -> memref<100xi32, #tpu.memory_space<vmem>>
    %dma_start3A_71 = arith.constant 0 : i32
    %dma_start3A_72 = arith.constant 0 : i32
    %dma_start3A_73 = tpu.memref_slice %arg3[%dma_start3A_71, %dma_start3A_72] : memref<1048576x16xf32, #tpu.memory_space<hbm>> -> memref<1048576x16xf32, #tpu.memory_space<hbm>>
    tpu.enqueue_indirect_dma source(%dma_start3A_73 : memref<1048576x16xf32, #tpu.memory_space<hbm>>) target(%dma_start3A_67 : memref<100x16xf32, #tpu.memory_space<vmem>>) offsets(%dma_start3A_70 : memref<100xi32, #tpu.memory_space<vmem>>) semaphore(%arg13 : memref<!tpu.dma_semaphore, #tpu.memory_space<semaphore_mem>>)
    %dma_start3A_74 = arith.constant 6 : i32
    %dma_start3A_75 = arith.constant 6 : i32
    %dma_start3A_76 = arith.constant 0 : i32
    %dma_start3A_77 = arith.constant 0 : i32
    %dma_start3A_78 = tpu.memref_slice %arg6[%dma_start3A_75, %dma_start3A_76, %dma_start3A_77] : memref<8x100x16xf32, #tpu.memory_space<vmem>> -> memref<1x100x16xf32, #tpu.memory_space<vmem>>
    %dma_start3A_79 = tpu.memref_squeeze %dma_start3A_78 : memref<1x100x16xf32, #tpu.memory_space<vmem>> -> memref<100x16xf32, #tpu.memory_space<vmem>>
    %dma_start3A_80 = arith.constant 0 : i32
    %dma_start3A_81 = tpu.memref_slice %arg5[%dma_start3A_74, %dma_start3A_80] : memref<256x100xi32, #tpu.memory_space<vmem>> -> memref<1x100xi32, #tpu.memory_space<vmem>>
    %dma_start3A_82 = tpu.memref_squeeze %dma_start3A_81 : memref<1x100xi32, #tpu.memory_space<vmem>> -> memref<100xi32, #tpu.memory_space<vmem>>
    %dma_start3A_83 = arith.constant 0 : i32
    %dma_start3A_84 = arith.constant 0 : i32
    %dma_start3A_85 = tpu.memref_slice %arg3[%dma_start3A_83, %dma_start3A_84] : memref<1048576x16xf32, #tpu.memory_space<hbm>> -> memref<1048576x16xf32, #tpu.memory_space<hbm>>
    tpu.enqueue_indirect_dma source(%dma_start3A_85 : memref<1048576x16xf32, #tpu.memory_space<hbm>>) target(%dma_start3A_79 : memref<100x16xf32, #tpu.memory_space<vmem>>) offsets(%dma_start3A_82 : memref<100xi32, #tpu.memory_space<vmem>>) semaphore(%arg14 : memref<!tpu.dma_semaphore, #tpu.memory_space<semaphore_mem>>)
    %dma_start3A_86 = arith.constant 7 : i32
    %dma_start3A_87 = arith.constant 7 : i32
    %dma_start3A_88 = arith.constant 0 : i32
    %dma_start3A_89 = arith.constant 0 : i32
    %dma_start3A_90 = tpu.memref_slice %arg6[%dma_start3A_87, %dma_start3A_88, %dma_start3A_89] : memref<8x100x16xf32, #tpu.memory_space<vmem>> -> memref<1x100x16xf32, #tpu.memory_space<vmem>>
    %dma_start3A_91 = tpu.memref_squeeze %dma_start3A_90 : memref<1x100x16xf32, #tpu.memory_space<vmem>> -> memref<100x16xf32, #tpu.memory_space<vmem>>
    %dma_start3A_92 = arith.constant 0 : i32
    %dma_start3A_93 = tpu.memref_slice %arg5[%dma_start3A_86, %dma_start3A_92] : memref<256x100xi32, #tpu.memory_space<vmem>> -> memref<1x100xi32, #tpu.memory_space<vmem>>
    %dma_start3A_94 = tpu.memref_squeeze %dma_start3A_93 : memref<1x100xi32, #tpu.memory_space<vmem>> -> memref<100xi32, #tpu.memory_space<vmem>>
    %dma_start3A_95 = arith.constant 0 : i32
    %dma_start3A_96 = arith.constant 0 : i32
    %dma_start3A_97 = tpu.memref_slice %arg3[%dma_start3A_95, %dma_start3A_96] : memref<1048576x16xf32, #tpu.memory_space<hbm>> -> memref<1048576x16xf32, #tpu.memory_space<hbm>>
    tpu.enqueue_indirect_dma source(%dma_start3A_97 : memref<1048576x16xf32, #tpu.memory_space<hbm>>) target(%dma_start3A_91 : memref<100x16xf32, #tpu.memory_space<vmem>>) offsets(%dma_start3A_94 : memref<100xi32, #tpu.memory_space<vmem>>) semaphore(%arg15 : memref<!tpu.dma_semaphore, #tpu.memory_space<semaphore_mem>>)
    %broadcast_in_dim3A = arith.constant 0.000000e+00 : f32
    %broadcast_in_dim3A_98 = vector.broadcast %broadcast_in_dim3A : f32 to vector<16xf32>
    %iota3A = tpu.iota {dimensions = array<i32: 0>} : vector<16xi32>
    %lt3A = arith.constant 8 : i32
    %lt3A_99 = vector.broadcast %lt3A : i32 to vector<16xi32>
    %lt3A_100 = arith.cmpi slt, %iota3A, %lt3A_99 : vector<16xi32>
    %rem3A = arith.constant 8 : i32
    %rem3A_101 = vector.broadcast %rem3A : i32 to vector<16xi32>
    %rem3A_102 = arith.remsi %iota3A, %rem3A_101 : vector<16xi32>
    %scan3A = arith.constant 0 : i32
    %scan3A_103 = arith.constant 32 : i32
    %scan3A_104 = arith.addi %scan3A, %scan3A_103 : i32
    %scan3A_105 = arith.constant 1 : i32
    scf.for %scan3A_109 = %scan3A to %scan3A_104 step %scan3A_105  : i32 {
      %mul3A_110 = arith.constant 8 : i32
      %mul3A_111 = arith.muli %scan3A_109, %mul3A_110 : i32
      %add3A_112 = arith.constant 0 : i32
      %add3A_113 = arith.addi %add3A_112, %mul3A_111 : i32
      %add3A_114 = arith.constant 0 : i32
      %add3A_115 = arith.addi %add3A_113, %add3A_114 : i32
      %dma_wait3A = arith.constant 0 : i32
      %dma_wait3A_116 = arith.constant 0 : i32
      %dma_wait3A_117 = arith.constant 0 : i32
      %dma_wait3A_118 = arith.constant 0 : i32
      %dma_wait3A_119 = tpu.memref_slice %arg6[%dma_wait3A_116, %dma_wait3A_117, %dma_wait3A_118] : memref<8x100x16xf32, #tpu.memory_space<vmem>> -> memref<1x100x16xf32, #tpu.memory_space<vmem>>
      %dma_wait3A_120 = tpu.memref_squeeze %dma_wait3A_119 : memref<1x100x16xf32, #tpu.memory_space<vmem>> -> memref<100x16xf32, #tpu.memory_space<vmem>>
      %dma_wait3A_121 = arith.constant 0 : i32
      %dma_wait3A_122 = tpu.memref_slice %arg5[%dma_wait3A, %dma_wait3A_121] : memref<256x100xi32, #tpu.memory_space<vmem>> -> memref<1x100xi32, #tpu.memory_space<vmem>>
      %dma_wait3A_123 = tpu.memref_squeeze %dma_wait3A_122 : memref<1x100xi32, #tpu.memory_space<vmem>> -> memref<100xi32, #tpu.memory_space<vmem>>
      %dma_wait3A_124 = arith.constant 0 : i32
      %dma_wait3A_125 = arith.constant 0 : i32
      %dma_wait3A_126 = tpu.memref_slice %arg3[%dma_wait3A_124, %dma_wait3A_125] : memref<1048576x16xf32, #tpu.memory_space<hbm>> -> memref<1048576x16xf32, #tpu.memory_space<hbm>>
      tpu.wait_indirect_dma semaphore(%arg8 : memref<!tpu.dma_semaphore, #tpu.memory_space<semaphore_mem>>) src(%dma_wait3A_126 : memref<1048576x16xf32, #tpu.memory_space<hbm>>) dst(%dma_wait3A_120 : memref<100x16xf32, #tpu.memory_space<vmem>>)
      %scan3A_127 = arith.constant 0 : i32
      %scan3A_128 = arith.constant 48 : i32
      %scan3A_129 = arith.addi %scan3A_127, %scan3A_128 : i32
      %scan3A_130 = arith.constant 4 : i32
      %scan3A_131 = scf.for %scan3A_841 = %scan3A_127 to %scan3A_129 step %scan3A_130 iter_args(%scan3A_842 = %broadcast_in_dim3A_98) -> (vector<16xf32>)  : i32 {
        %add3A_843 = arith.constant 0 : i32
        %add3A_844 = arith.addi %add3A_843, %scan3A_841 : i32
        %get3A_845 = arith.constant 0 : i32
        %get3A_846 = arith.index_cast %get3A_845 : i32 to index
        %get3A_847 = arith.index_cast %add3A_844 : i32 to index
        %get3A_848 = arith.constant 0 : index
        %get3A_849 = tpu.vector_load %arg6[%get3A_846, %get3A_847, %get3A_848] {strides = array<i32>} : memref<8x100x16xf32, #tpu.memory_space<vmem>>, vector<1x1x16xf32>,
        %get3A_850 = vector.shape_cast %get3A_849 : vector<1x1x16xf32> to vector<16xf32>
        %add3A_851 = arith.addf %scan3A_842, %get3A_850 : vector<16xf32>
        %scan3A_852 = arith.constant 1 : i32
        %scan3A_853 = arith.addi %scan3A_841, %scan3A_852 : i32
        %add3A_854 = arith.constant 0 : i32
        %add3A_855 = arith.addi %add3A_854, %scan3A_853 : i32
        %get3A_856 = arith.constant 0 : i32
        %get3A_857 = arith.index_cast %get3A_856 : i32 to index
        %get3A_858 = arith.index_cast %add3A_855 : i32 to index
        %get3A_859 = arith.constant 0 : index
        %get3A_860 = tpu.vector_load %arg6[%get3A_857, %get3A_858, %get3A_859] {strides = array<i32>} : memref<8x100x16xf32, #tpu.memory_space<vmem>>, vector<1x1x16xf32>,
        %get3A_861 = vector.shape_cast %get3A_860 : vector<1x1x16xf32> to vector<16xf32>
        %add3A_862 = arith.addf %add3A_851, %get3A_861 : vector<16xf32>
        %scan3A_863 = arith.constant 2 : i32
        %scan3A_864 = arith.addi %scan3A_841, %scan3A_863 : i32
        %add3A_865 = arith.constant 0 : i32
        %add3A_866 = arith.addi %add3A_865, %scan3A_864 : i32
        %get3A_867 = arith.constant 0 : i32
        %get3A_868 = arith.index_cast %get3A_867 : i32 to index
        %get3A_869 = arith.index_cast %add3A_866 : i32 to index
        %get3A_870 = arith.constant 0 : index
        %get3A_871 = tpu.vector_load %arg6[%get3A_868, %get3A_869, %get3A_870] {strides = array<i32>} : memref<8x100x16xf32, #tpu.memory_space<vmem>>, vector<1x1x16xf32>,
        %get3A_872 = vector.shape_cast %get3A_871 : vector<1x1x16xf32> to vector<16xf32>
        %add3A_873 = arith.addf %add3A_862, %get3A_872 : vector<16xf32>
        %scan3A_874 = arith.constant 3 : i32
        %scan3A_875 = arith.addi %scan3A_841, %scan3A_874 : i32
        %add3A_876 = arith.constant 0 : i32
        %add3A_877 = arith.addi %add3A_876, %scan3A_875 : i32
        %get3A_878 = arith.constant 0 : i32
        %get3A_879 = arith.index_cast %get3A_878 : i32 to index
        %get3A_880 = arith.index_cast %add3A_877 : i32 to index
        %get3A_881 = arith.constant 0 : index
        %get3A_882 = tpu.vector_load %arg6[%get3A_879, %get3A_880, %get3A_881] {strides = array<i32>} : memref<8x100x16xf32, #tpu.memory_space<vmem>>, vector<1x1x16xf32>,
        %get3A_883 = vector.shape_cast %get3A_882 : vector<1x1x16xf32> to vector<16xf32>
        %add3A_884 = arith.addf %add3A_873, %get3A_883 : vector<16xf32>
        scf.yield %add3A_884 : vector<16xf32>
      }
      %scan3A_132 = arith.constant 48 : i32
      %scan3A_133 = arith.addi %scan3A_127, %scan3A_132 : i32
      %add3A_134 = arith.constant 0 : i32
      %add3A_135 = arith.addi %add3A_134, %scan3A_133 : i32
      %get3A = arith.constant 0 : i32
      %get3A_136 = arith.index_cast %get3A : i32 to index
      %get3A_137 = arith.index_cast %add3A_135 : i32 to index
      %get3A_138 = arith.constant 0 : index
      %get3A_139 = tpu.vector_load %arg6[%get3A_136, %get3A_137, %get3A_138] {strides = array<i32>} : memref<8x100x16xf32, #tpu.memory_space<vmem>>, vector<1x1x16xf32>,
      %get3A_140 = vector.shape_cast %get3A_139 : vector<1x1x16xf32> to vector<16xf32>
      %add3A_141 = arith.addf %scan3A_131, %get3A_140 : vector<16xf32>
      %scan3A_142 = arith.constant 49 : i32
      %scan3A_143 = arith.addi %scan3A_127, %scan3A_142 : i32
      %add3A_144 = arith.constant 0 : i32
      %add3A_145 = arith.addi %add3A_144, %scan3A_143 : i32
      %get3A_146 = arith.constant 0 : i32
      %get3A_147 = arith.index_cast %get3A_146 : i32 to index
      %get3A_148 = arith.index_cast %add3A_145 : i32 to index
      %get3A_149 = arith.constant 0 : index
      %get3A_150 = tpu.vector_load %arg6[%get3A_147, %get3A_148, %get3A_149] {strides = array<i32>} : memref<8x100x16xf32, #tpu.memory_space<vmem>>, vector<1x1x16xf32>,
      %get3A_151 = vector.shape_cast %get3A_150 : vector<1x1x16xf32> to vector<16xf32>
      %add3A_152 = arith.addf %add3A_141, %get3A_151 : vector<16xf32>
      %scan3A_153 = arith.constant 50 : i32
      %scan3A_154 = arith.constant 0 : i32
      %scan3A_155 = arith.constant 48 : i32
      %scan3A_156 = arith.addi %scan3A_154, %scan3A_155 : i32
      %scan3A_157 = arith.constant 4 : i32
      %scan3A_158 = scf.for %scan3A_841 = %scan3A_154 to %scan3A_156 step %scan3A_157 iter_args(%scan3A_842 = %broadcast_in_dim3A_98) -> (vector<16xf32>)  : i32 {
        %add3A_843 = arith.constant 50 : i32
        %add3A_844 = arith.addi %add3A_843, %scan3A_841 : i32
        %get3A_845 = arith.constant 0 : i32
        %get3A_846 = arith.index_cast %get3A_845 : i32 to index
        %get3A_847 = arith.index_cast %add3A_844 : i32 to index
        %get3A_848 = arith.constant 0 : index
        %get3A_849 = tpu.vector_load %arg6[%get3A_846, %get3A_847, %get3A_848] {strides = array<i32>} : memref<8x100x16xf32, #tpu.memory_space<vmem>>, vector<1x1x16xf32>,
        %get3A_850 = vector.shape_cast %get3A_849 : vector<1x1x16xf32> to vector<16xf32>
        %add3A_851 = arith.addf %scan3A_842, %get3A_850 : vector<16xf32>
        %scan3A_852 = arith.constant 1 : i32
        %scan3A_853 = arith.addi %scan3A_841, %scan3A_852 : i32
        %add3A_854 = arith.constant 50 : i32
        %add3A_855 = arith.addi %add3A_854, %scan3A_853 : i32
        %get3A_856 = arith.constant 0 : i32
        %get3A_857 = arith.index_cast %get3A_856 : i32 to index
        %get3A_858 = arith.index_cast %add3A_855 : i32 to index
        %get3A_859 = arith.constant 0 : index
        %get3A_860 = tpu.vector_load %arg6[%get3A_857, %get3A_858, %get3A_859] {strides = array<i32>} : memref<8x100x16xf32, #tpu.memory_space<vmem>>, vector<1x1x16xf32>,
        %get3A_861 = vector.shape_cast %get3A_860 : vector<1x1x16xf32> to vector<16xf32>
        %add3A_862 = arith.addf %add3A_851, %get3A_861 : vector<16xf32>
        %scan3A_863 = arith.constant 2 : i32
        %scan3A_864 = arith.addi %scan3A_841, %scan3A_863 : i32
        %add3A_865 = arith.constant 50 : i32
        %add3A_866 = arith.addi %add3A_865, %scan3A_864 : i32
        %get3A_867 = arith.constant 0 : i32
        %get3A_868 = arith.index_cast %get3A_867 : i32 to index
        %get3A_869 = arith.index_cast %add3A_866 : i32 to index
        %get3A_870 = arith.constant 0 : index
        %get3A_871 = tpu.vector_load %arg6[%get3A_868, %get3A_869, %get3A_870] {strides = array<i32>} : memref<8x100x16xf32, #tpu.memory_space<vmem>>, vector<1x1x16xf32>,
        %get3A_872 = vector.shape_cast %get3A_871 : vector<1x1x16xf32> to vector<16xf32>
        %add3A_873 = arith.addf %add3A_862, %get3A_872 : vector<16xf32>
        %scan3A_874 = arith.constant 3 : i32
        %scan3A_875 = arith.addi %scan3A_841, %scan3A_874 : i32
        %add3A_876 = arith.constant 50 : i32
        %add3A_877 = arith.addi %add3A_876, %scan3A_875 : i32
        %get3A_878 = arith.constant 0 : i32
        %get3A_879 = arith.index_cast %get3A_878 : i32 to index
        %get3A_880 = arith.index_cast %add3A_877 : i32 to index
        %get3A_881 = arith.constant 0 : index
        %get3A_882 = tpu.vector_load %arg6[%get3A_879, %get3A_880, %get3A_881] {strides = array<i32>} : memref<8x100x16xf32, #tpu.memory_space<vmem>>, vector<1x1x16xf32>,
        %get3A_883 = vector.shape_cast %get3A_882 : vector<1x1x16xf32> to vector<16xf32>
        %add3A_884 = arith.addf %add3A_873, %get3A_883 : vector<16xf32>
        scf.yield %add3A_884 : vector<16xf32>
      }
      %scan3A_159 = arith.constant 48 : i32
      %scan3A_160 = arith.addi %scan3A_154, %scan3A_159 : i32
      %add3A_161 = arith.constant 50 : i32
      %add3A_162 = arith.addi %add3A_161, %scan3A_160 : i32
      %get3A_163 = arith.constant 0 : i32
      %get3A_164 = arith.index_cast %get3A_163 : i32 to index
      %get3A_165 = arith.index_cast %add3A_162 : i32 to index
      %get3A_166 = arith.constant 0 : index
      %get3A_167 = tpu.vector_load %arg6[%get3A_164, %get3A_165, %get3A_166] {strides = array<i32>} : memref<8x100x16xf32, #tpu.memory_space<vmem>>, vector<1x1x16xf32>,
      %get3A_168 = vector.shape_cast %get3A_167 : vector<1x1x16xf32> to vector<16xf32>
      %add3A_169 = arith.addf %scan3A_158, %get3A_168 : vector<16xf32>
      %scan3A_170 = arith.constant 49 : i32
      %scan3A_171 = arith.addi %scan3A_154, %scan3A_170 : i32
      %add3A_172 = arith.constant 50 : i32
      %add3A_173 = arith.addi %add3A_172, %scan3A_171 : i32
      %get3A_174 = arith.constant 0 : i32
      %get3A_175 = arith.index_cast %get3A_174 : i32 to index
      %get3A_176 = arith.index_cast %add3A_173 : i32 to index
      %get3A_177 = arith.constant 0 : index
      %get3A_178 = tpu.vector_load %arg6[%get3A_175, %get3A_176, %get3A_177] {strides = array<i32>} : memref<8x100x16xf32, #tpu.memory_space<vmem>>, vector<1x1x16xf32>,
      %get3A_179 = vector.shape_cast %get3A_178 : vector<1x1x16xf32> to vector<16xf32>
      %add3A_180 = arith.addf %add3A_169, %get3A_179 : vector<16xf32>
      %scan3A_181 = arith.constant 50 : i32
      %broadcast_in_dim3A_182 = vector.shape_cast %rem3A_102 : vector<16xi32> to vector<16x1xi32>
      %gather3A = vector.shape_cast %broadcast_in_dim3A_182 : vector<16x1xi32> to vector<16xi32>
      %gather3A_183 = tpu.dynamic_gather %add3A_180[%gather3A] in [0] : vector<16xf32>, vector<16xi32> -> vector<16xf32>
      %select_n3A = arith.select %lt3A_100, %add3A_152, %gather3A_183 : vector<16xi1>, vector<16xf32>
      %shift_right_logical3A = arith.constant 3 : i32
      %shift_right_logical3A_184 = arith.shrui %add3A_115, %shift_right_logical3A : i32
      %and3A = arith.constant 7 : i32
      %and3A_185 = arith.andi %add3A_115, %and3A : i32
      %mul3A_186 = arith.constant 16 : i32
      %mul3A_187 = arith.muli %and3A_185, %mul3A_186 : i32
      %swap3A = arith.index_cast %shift_right_logical3A_184 : i32 to index
      %swap3A_188 = arith.index_cast %mul3A_187 : i32 to index
      %swap3A_189 = tpu.vector_load %arg7[%swap3A, %swap3A_188] {strides = array<i32>} : memref<32x128xf32, #tpu.memory_space<vmem>>, vector<1x16xf32>,
      %swap3A_190 = vector.shape_cast %swap3A_189 : vector<1x16xf32> to vector<16xf32>
      %swap3A_191 = vector.shape_cast %select_n3A : vector<16xf32> to vector<1x16xf32>
      tpu.vector_store %arg7[%swap3A, %swap3A_188], %swap3A_191 {strides = array<i32>} : memref<32x128xf32, #tpu.memory_space<vmem>>, vector<1x16xf32>,
      %add3A_192 = arith.constant 8 : i32
      %add3A_193 = arith.addi %add3A_115, %add3A_192 : i32
      %lt3A_194 = arith.constant 256 : i32
      %lt3A_195 = arith.cmpi slt, %add3A_193, %lt3A_194 : i32
      %convert_element_type3A = arith.extui %lt3A_195 : i1 to i32
      %cond3A = arith.constant 0 : i32
      %cond3A_196 = arith.cmpi ne, %convert_element_type3A, %cond3A : i32
      scf.if %cond3A_196 {
        %add3A_841 = arith.constant 8 : i32
        %add3A_842 = arith.addi %add3A_115, %add3A_841 : i32
        %dma_start3A_843 = arith.constant 0 : i32
        %dma_start3A_844 = arith.constant 0 : i32
        %dma_start3A_845 = arith.constant 0 : i32
        %dma_start3A_846 = tpu.memref_slice %arg6[%dma_start3A_843, %dma_start3A_844, %dma_start3A_845] : memref<8x100x16xf32, #tpu.memory_space<vmem>> -> memref<1x100x16xf32, #tpu.memory_space<vmem>>
        %dma_start3A_847 = tpu.memref_squeeze %dma_start3A_846 : memref<1x100x16xf32, #tpu.memory_space<vmem>> -> memref<100x16xf32, #tpu.memory_space<vmem>>
        %dma_start3A_848 = arith.constant 0 : i32
        %dma_start3A_849 = tpu.memref_slice %arg5[%add3A_842, %dma_start3A_848] : memref<256x100xi32, #tpu.memory_space<vmem>> -> memref<1x100xi32, #tpu.memory_space<vmem>>
        %dma_start3A_850 = tpu.memref_squeeze %dma_start3A_849 : memref<1x100xi32, #tpu.memory_space<vmem>> -> memref<100xi32, #tpu.memory_space<vmem>>
        %dma_start3A_851 = arith.constant 0 : i32
        %dma_start3A_852 = arith.constant 0 : i32
        %dma_start3A_853 = tpu.memref_slice %arg3[%dma_start3A_851, %dma_start3A_852] : memref<1048576x16xf32, #tpu.memory_space<hbm>> -> memref<1048576x16xf32, #tpu.memory_space<hbm>>
        tpu.enqueue_indirect_dma source(%dma_start3A_853 : memref<1048576x16xf32, #tpu.memory_space<hbm>>) target(%dma_start3A_847 : memref<100x16xf32, #tpu.memory_space<vmem>>) offsets(%dma_start3A_850 : memref<100xi32, #tpu.memory_space<vmem>>) semaphore(%arg8 : memref<!tpu.dma_semaphore, #tpu.memory_space<semaphore_mem>>)
      } else {
      }
      %add3A_197 = arith.constant 1 : i32
      %add3A_198 = arith.addi %add3A_113, %add3A_197 : i32
      %dma_wait3A_199 = arith.constant 0 : i32
      %dma_wait3A_200 = arith.constant 1 : i32
      %dma_wait3A_201 = arith.constant 0 : i32
      %dma_wait3A_202 = arith.constant 0 : i32
      %dma_wait3A_203 = tpu.memref_slice %arg6[%dma_wait3A_200, %dma_wait3A_201, %dma_wait3A_202] : memref<8x100x16xf32, #tpu.memory_space<vmem>> -> memref<1x100x16xf32, #tpu.memory_space<vmem>>
      %dma_wait3A_204 = tpu.memref_squeeze %dma_wait3A_203 : memref<1x100x16xf32, #tpu.memory_space<vmem>> -> memref<100x16xf32, #tpu.memory_space<vmem>>
      %dma_wait3A_205 = arith.constant 0 : i32
      %dma_wait3A_206 = tpu.memref_slice %arg5[%dma_wait3A_199, %dma_wait3A_205] : memref<256x100xi32, #tpu.memory_space<vmem>> -> memref<1x100xi32, #tpu.memory_space<vmem>>
      %dma_wait3A_207 = tpu.memref_squeeze %dma_wait3A_206 : memref<1x100xi32, #tpu.memory_space<vmem>> -> memref<100xi32, #tpu.memory_space<vmem>>
      %dma_wait3A_208 = arith.constant 0 : i32
      %dma_wait3A_209 = arith.constant 0 : i32
      %dma_wait3A_210 = tpu.memref_slice %arg3[%dma_wait3A_208, %dma_wait3A_209] : memref<1048576x16xf32, #tpu.memory_space<hbm>> -> memref<1048576x16xf32, #tpu.memory_space<hbm>>
      tpu.wait_indirect_dma semaphore(%arg9 : memref<!tpu.dma_semaphore, #tpu.memory_space<semaphore_mem>>) src(%dma_wait3A_210 : memref<1048576x16xf32, #tpu.memory_space<hbm>>) dst(%dma_wait3A_204 : memref<100x16xf32, #tpu.memory_space<vmem>>)
      %scan3A_211 = arith.constant 0 : i32
      %scan3A_212 = arith.constant 48 : i32
      %scan3A_213 = arith.addi %scan3A_211, %scan3A_212 : i32
      %scan3A_214 = arith.constant 4 : i32
      %scan3A_215 = scf.for %scan3A_841 = %scan3A_211 to %scan3A_213 step %scan3A_214 iter_args(%scan3A_842 = %broadcast_in_dim3A_98) -> (vector<16xf32>)  : i32 {
        %add3A_843 = arith.constant 0 : i32
        %add3A_844 = arith.addi %add3A_843, %scan3A_841 : i32
        %get3A_845 = arith.constant 1 : i32
        %get3A_846 = arith.index_cast %get3A_845 : i32 to index
        %get3A_847 = arith.index_cast %add3A_844 : i32 to index
        %get3A_848 = arith.constant 0 : index
        %get3A_849 = tpu.vector_load %arg6[%get3A_846, %get3A_847, %get3A_848] {strides = array<i32>} : memref<8x100x16xf32, #tpu.memory_space<vmem>>, vector<1x1x16xf32>,
        %get3A_850 = vector.shape_cast %get3A_849 : vector<1x1x16xf32> to vector<16xf32>
        %add3A_851 = arith.addf %scan3A_842, %get3A_850 : vector<16xf32>
        %scan3A_852 = arith.constant 1 : i32
        %scan3A_853 = arith.addi %scan3A_841, %scan3A_852 : i32
        %add3A_854 = arith.constant 0 : i32
        %add3A_855 = arith.addi %add3A_854, %scan3A_853 : i32
        %get3A_856 = arith.constant 1 : i32
        %get3A_857 = arith.index_cast %get3A_856 : i32 to index
        %get3A_858 = arith.index_cast %add3A_855 : i32 to index
        %get3A_859 = arith.constant 0 : index
        %get3A_860 = tpu.vector_load %arg6[%get3A_857, %get3A_858, %get3A_859] {strides = array<i32>} : memref<8x100x16xf32, #tpu.memory_space<vmem>>, vector<1x1x16xf32>,
        %get3A_861 = vector.shape_cast %get3A_860 : vector<1x1x16xf32> to vector<16xf32>
        %add3A_862 = arith.addf %add3A_851, %get3A_861 : vector<16xf32>
        %scan3A_863 = arith.constant 2 : i32
        %scan3A_864 = arith.addi %scan3A_841, %scan3A_863 : i32
        %add3A_865 = arith.constant 0 : i32
        %add3A_866 = arith.addi %add3A_865, %scan3A_864 : i32
        %get3A_867 = arith.constant 1 : i32
        %get3A_868 = arith.index_cast %get3A_867 : i32 to index
        %get3A_869 = arith.index_cast %add3A_866 : i32 to index
        %get3A_870 = arith.constant 0 : index
        %get3A_871 = tpu.vector_load %arg6[%get3A_868, %get3A_869, %get3A_870] {strides = array<i32>} : memref<8x100x16xf32, #tpu.memory_space<vmem>>, vector<1x1x16xf32>,
        %get3A_872 = vector.shape_cast %get3A_871 : vector<1x1x16xf32> to vector<16xf32>
        %add3A_873 = arith.addf %add3A_862, %get3A_872 : vector<16xf32>
        %scan3A_874 = arith.constant 3 : i32
        %scan3A_875 = arith.addi %scan3A_841, %scan3A_874 : i32
        %add3A_876 = arith.constant 0 : i32
        %add3A_877 = arith.addi %add3A_876, %scan3A_875 : i32
        %get3A_878 = arith.constant 1 : i32
        %get3A_879 = arith.index_cast %get3A_878 : i32 to index
        %get3A_880 = arith.index_cast %add3A_877 : i32 to index
        %get3A_881 = arith.constant 0 : index
        %get3A_882 = tpu.vector_load %arg6[%get3A_879, %get3A_880, %get3A_881] {strides = array<i32>} : memref<8x100x16xf32, #tpu.memory_space<vmem>>, vector<1x1x16xf32>,
        %get3A_883 = vector.shape_cast %get3A_882 : vector<1x1x16xf32> to vector<16xf32>
        %add3A_884 = arith.addf %add3A_873, %get3A_883 : vector<16xf32>
        scf.yield %add3A_884 : vector<16xf32>
      }
      %scan3A_216 = arith.constant 48 : i32
      %scan3A_217 = arith.addi %scan3A_211, %scan3A_216 : i32
      %add3A_218 = arith.constant 0 : i32
      %add3A_219 = arith.addi %add3A_218, %scan3A_217 : i32
      %get3A_220 = arith.constant 1 : i32
      %get3A_221 = arith.index_cast %get3A_220 : i32 to index
      %get3A_222 = arith.index_cast %add3A_219 : i32 to index
      %get3A_223 = arith.constant 0 : index
      %get3A_224 = tpu.vector_load %arg6[%get3A_221, %get3A_222, %get3A_223] {strides = array<i32>} : memref<8x100x16xf32, #tpu.memory_space<vmem>>, vector<1x1x16xf32>,
      %get3A_225 = vector.shape_cast %get3A_224 : vector<1x1x16xf32> to vector<16xf32>
      %add3A_226 = arith.addf %scan3A_215, %get3A_225 : vector<16xf32>
      %scan3A_227 = arith.constant 49 : i32
      %scan3A_228 = arith.addi %scan3A_211, %scan3A_227 : i32
      %add3A_229 = arith.constant 0 : i32
      %add3A_230 = arith.addi %add3A_229, %scan3A_228 : i32
      %get3A_231 = arith.constant 1 : i32
      %get3A_232 = arith.index_cast %get3A_231 : i32 to index
      %get3A_233 = arith.index_cast %add3A_230 : i32 to index
      %get3A_234 = arith.constant 0 : index
      %get3A_235 = tpu.vector_load %arg6[%get3A_232, %get3A_233, %get3A_234] {strides = array<i32>} : memref<8x100x16xf32, #tpu.memory_space<vmem>>, vector<1x1x16xf32>,
      %get3A_236 = vector.shape_cast %get3A_235 : vector<1x1x16xf32> to vector<16xf32>
      %add3A_237 = arith.addf %add3A_226, %get3A_236 : vector<16xf32>
      %scan3A_238 = arith.constant 50 : i32
      %scan3A_239 = arith.constant 0 : i32
      %scan3A_240 = arith.constant 48 : i32
      %scan3A_241 = arith.addi %scan3A_239, %scan3A_240 : i32
      %scan3A_242 = arith.constant 4 : i32
      %scan3A_243 = scf.for %scan3A_841 = %scan3A_239 to %scan3A_241 step %scan3A_242 iter_args(%scan3A_842 = %broadcast_in_dim3A_98) -> (vector<16xf32>)  : i32 {
        %add3A_843 = arith.constant 50 : i32
        %add3A_844 = arith.addi %add3A_843, %scan3A_841 : i32
        %get3A_845 = arith.constant 1 : i32
        %get3A_846 = arith.index_cast %get3A_845 : i32 to index
        %get3A_847 = arith.index_cast %add3A_844 : i32 to index
        %get3A_848 = arith.constant 0 : index
        %get3A_849 = tpu.vector_load %arg6[%get3A_846, %get3A_847, %get3A_848] {strides = array<i32>} : memref<8x100x16xf32, #tpu.memory_space<vmem>>, vector<1x1x16xf32>,
        %get3A_850 = vector.shape_cast %get3A_849 : vector<1x1x16xf32> to vector<16xf32>
        %add3A_851 = arith.addf %scan3A_842, %get3A_850 : vector<16xf32>
        %scan3A_852 = arith.constant 1 : i32
        %scan3A_853 = arith.addi %scan3A_841, %scan3A_852 : i32
        %add3A_854 = arith.constant 50 : i32
        %add3A_855 = arith.addi %add3A_854, %scan3A_853 : i32
        %get3A_856 = arith.constant 1 : i32
        %get3A_857 = arith.index_cast %get3A_856 : i32 to index
        %get3A_858 = arith.index_cast %add3A_855 : i32 to index
        %get3A_859 = arith.constant 0 : index
        %get3A_860 = tpu.vector_load %arg6[%get3A_857, %get3A_858, %get3A_859] {strides = array<i32>} : memref<8x100x16xf32, #tpu.memory_space<vmem>>, vector<1x1x16xf32>,
        %get3A_861 = vector.shape_cast %get3A_860 : vector<1x1x16xf32> to vector<16xf32>
        %add3A_862 = arith.addf %add3A_851, %get3A_861 : vector<16xf32>
        %scan3A_863 = arith.constant 2 : i32
        %scan3A_864 = arith.addi %scan3A_841, %scan3A_863 : i32
        %add3A_865 = arith.constant 50 : i32
        %add3A_866 = arith.addi %add3A_865, %scan3A_864 : i32
        %get3A_867 = arith.constant 1 : i32
        %get3A_868 = arith.index_cast %get3A_867 : i32 to index
        %get3A_869 = arith.index_cast %add3A_866 : i32 to index
        %get3A_870 = arith.constant 0 : index
        %get3A_871 = tpu.vector_load %arg6[%get3A_868, %get3A_869, %get3A_870] {strides = array<i32>} : memref<8x100x16xf32, #tpu.memory_space<vmem>>, vector<1x1x16xf32>,
        %get3A_872 = vector.shape_cast %get3A_871 : vector<1x1x16xf32> to vector<16xf32>
        %add3A_873 = arith.addf %add3A_862, %get3A_872 : vector<16xf32>
        %scan3A_874 = arith.constant 3 : i32
        %scan3A_875 = arith.addi %scan3A_841, %scan3A_874 : i32
        %add3A_876 = arith.constant 50 : i32
        %add3A_877 = arith.addi %add3A_876, %scan3A_875 : i32
        %get3A_878 = arith.constant 1 : i32
        %get3A_879 = arith.index_cast %get3A_878 : i32 to index
        %get3A_880 = arith.index_cast %add3A_877 : i32 to index
        %get3A_881 = arith.constant 0 : index
        %get3A_882 = tpu.vector_load %arg6[%get3A_879, %get3A_880, %get3A_881] {strides = array<i32>} : memref<8x100x16xf32, #tpu.memory_space<vmem>>, vector<1x1x16xf32>,
        %get3A_883 = vector.shape_cast %get3A_882 : vector<1x1x16xf32> to vector<16xf32>
        %add3A_884 = arith.addf %add3A_873, %get3A_883 : vector<16xf32>
        scf.yield %add3A_884 : vector<16xf32>
      }
      %scan3A_244 = arith.constant 48 : i32
      %scan3A_245 = arith.addi %scan3A_239, %scan3A_244 : i32
      %add3A_246 = arith.constant 50 : i32
      %add3A_247 = arith.addi %add3A_246, %scan3A_245 : i32
      %get3A_248 = arith.constant 1 : i32
      %get3A_249 = arith.index_cast %get3A_248 : i32 to index
      %get3A_250 = arith.index_cast %add3A_247 : i32 to index
      %get3A_251 = arith.constant 0 : index
      %get3A_252 = tpu.vector_load %arg6[%get3A_249, %get3A_250, %get3A_251] {strides = array<i32>} : memref<8x100x16xf32, #tpu.memory_space<vmem>>, vector<1x1x16xf32>,
      %get3A_253 = vector.shape_cast %get3A_252 : vector<1x1x16xf32> to vector<16xf32>
      %add3A_254 = arith.addf %scan3A_243, %get3A_253 : vector<16xf32>
      %scan3A_255 = arith.constant 49 : i32
      %scan3A_256 = arith.addi %scan3A_239, %scan3A_255 : i32
      %add3A_257 = arith.constant 50 : i32
      %add3A_258 = arith.addi %add3A_257, %scan3A_256 : i32
      %get3A_259 = arith.constant 1 : i32
      %get3A_260 = arith.index_cast %get3A_259 : i32 to index
      %get3A_261 = arith.index_cast %add3A_258 : i32 to index
      %get3A_262 = arith.constant 0 : index
      %get3A_263 = tpu.vector_load %arg6[%get3A_260, %get3A_261, %get3A_262] {strides = array<i32>} : memref<8x100x16xf32, #tpu.memory_space<vmem>>, vector<1x1x16xf32>,
      %get3A_264 = vector.shape_cast %get3A_263 : vector<1x1x16xf32> to vector<16xf32>
      %add3A_265 = arith.addf %add3A_254, %get3A_264 : vector<16xf32>
      %scan3A_266 = arith.constant 50 : i32
      %broadcast_in_dim3A_267 = vector.shape_cast %rem3A_102 : vector<16xi32> to vector<16x1xi32>
      %gather3A_268 = vector.shape_cast %broadcast_in_dim3A_267 : vector<16x1xi32> to vector<16xi32>
      %gather3A_269 = tpu.dynamic_gather %add3A_265[%gather3A_268] in [0] : vector<16xf32>, vector<16xi32> -> vector<16xf32>
      %select_n3A_270 = arith.select %lt3A_100, %add3A_237, %gather3A_269 : vector<16xi1>, vector<16xf32>
      %shift_right_logical3A_271 = arith.constant 3 : i32
      %shift_right_logical3A_272 = arith.shrui %add3A_198, %shift_right_logical3A_271 : i32
      %and3A_273 = arith.constant 7 : i32
      %and3A_274 = arith.andi %add3A_198, %and3A_273 : i32
      %mul3A_275 = arith.constant 16 : i32
      %mul3A_276 = arith.muli %and3A_274, %mul3A_275 : i32
      %swap3A_277 = arith.index_cast %shift_right_logical3A_272 : i32 to index
      %swap3A_278 = arith.index_cast %mul3A_276 : i32 to index
      %swap3A_279 = tpu.vector_load %arg7[%swap3A_277, %swap3A_278] {strides = array<i32>} : memref<32x128xf32, #tpu.memory_space<vmem>>, vector<1x16xf32>,
      %swap3A_280 = vector.shape_cast %swap3A_279 : vector<1x16xf32> to vector<16xf32>
      %swap3A_281 = vector.shape_cast %select_n3A_270 : vector<16xf32> to vector<1x16xf32>
      tpu.vector_store %arg7[%swap3A_277, %swap3A_278], %swap3A_281 {strides = array<i32>} : memref<32x128xf32, #tpu.memory_space<vmem>>, vector<1x16xf32>,
      %add3A_282 = arith.constant 8 : i32
      %add3A_283 = arith.addi %add3A_198, %add3A_282 : i32
      %lt3A_284 = arith.constant 256 : i32
      %lt3A_285 = arith.cmpi slt, %add3A_283, %lt3A_284 : i32
      %convert_element_type3A_286 = arith.extui %lt3A_285 : i1 to i32
      %cond3A_287 = arith.constant 0 : i32
      %cond3A_288 = arith.cmpi ne, %convert_element_type3A_286, %cond3A_287 : i32
      scf.if %cond3A_288 {
        %add3A_841 = arith.constant 8 : i32
        %add3A_842 = arith.addi %add3A_198, %add3A_841 : i32
        %dma_start3A_843 = arith.constant 1 : i32
        %dma_start3A_844 = arith.constant 0 : i32
        %dma_start3A_845 = arith.constant 0 : i32
        %dma_start3A_846 = tpu.memref_slice %arg6[%dma_start3A_843, %dma_start3A_844, %dma_start3A_845] : memref<8x100x16xf32, #tpu.memory_space<vmem>> -> memref<1x100x16xf32, #tpu.memory_space<vmem>>
        %dma_start3A_847 = tpu.memref_squeeze %dma_start3A_846 : memref<1x100x16xf32, #tpu.memory_space<vmem>> -> memref<100x16xf32, #tpu.memory_space<vmem>>
        %dma_start3A_848 = arith.constant 0 : i32
        %dma_start3A_849 = tpu.memref_slice %arg5[%add3A_842, %dma_start3A_848] : memref<256x100xi32, #tpu.memory_space<vmem>> -> memref<1x100xi32, #tpu.memory_space<vmem>>
        %dma_start3A_850 = tpu.memref_squeeze %dma_start3A_849 : memref<1x100xi32, #tpu.memory_space<vmem>> -> memref<100xi32, #tpu.memory_space<vmem>>
        %dma_start3A_851 = arith.constant 0 : i32
        %dma_start3A_852 = arith.constant 0 : i32
        %dma_start3A_853 = tpu.memref_slice %arg3[%dma_start3A_851, %dma_start3A_852] : memref<1048576x16xf32, #tpu.memory_space<hbm>> -> memref<1048576x16xf32, #tpu.memory_space<hbm>>
        tpu.enqueue_indirect_dma source(%dma_start3A_853 : memref<1048576x16xf32, #tpu.memory_space<hbm>>) target(%dma_start3A_847 : memref<100x16xf32, #tpu.memory_space<vmem>>) offsets(%dma_start3A_850 : memref<100xi32, #tpu.memory_space<vmem>>) semaphore(%arg9 : memref<!tpu.dma_semaphore, #tpu.memory_space<semaphore_mem>>)
      } else {
      }
      %add3A_289 = arith.constant 2 : i32
      %add3A_290 = arith.addi %add3A_113, %add3A_289 : i32
      %dma_wait3A_291 = arith.constant 0 : i32
      %dma_wait3A_292 = arith.constant 2 : i32
      %dma_wait3A_293 = arith.constant 0 : i32
      %dma_wait3A_294 = arith.constant 0 : i32
      %dma_wait3A_295 = tpu.memref_slice %arg6[%dma_wait3A_292, %dma_wait3A_293, %dma_wait3A_294] : memref<8x100x16xf32, #tpu.memory_space<vmem>> -> memref<1x100x16xf32, #tpu.memory_space<vmem>>
      %dma_wait3A_296 = tpu.memref_squeeze %dma_wait3A_295 : memref<1x100x16xf32, #tpu.memory_space<vmem>> -> memref<100x16xf32, #tpu.memory_space<vmem>>
      %dma_wait3A_297 = arith.constant 0 : i32
      %dma_wait3A_298 = tpu.memref_slice %arg5[%dma_wait3A_291, %dma_wait3A_297] : memref<256x100xi32, #tpu.memory_space<vmem>> -> memref<1x100xi32, #tpu.memory_space<vmem>>
      %dma_wait3A_299 = tpu.memref_squeeze %dma_wait3A_298 : memref<1x100xi32, #tpu.memory_space<vmem>> -> memref<100xi32, #tpu.memory_space<vmem>>
      %dma_wait3A_300 = arith.constant 0 : i32
      %dma_wait3A_301 = arith.constant 0 : i32
      %dma_wait3A_302 = tpu.memref_slice %arg3[%dma_wait3A_300, %dma_wait3A_301] : memref<1048576x16xf32, #tpu.memory_space<hbm>> -> memref<1048576x16xf32, #tpu.memory_space<hbm>>
      tpu.wait_indirect_dma semaphore(%arg10 : memref<!tpu.dma_semaphore, #tpu.memory_space<semaphore_mem>>) src(%dma_wait3A_302 : memref<1048576x16xf32, #tpu.memory_space<hbm>>) dst(%dma_wait3A_296 : memref<100x16xf32, #tpu.memory_space<vmem>>)
      %scan3A_303 = arith.constant 0 : i32
      %scan3A_304 = arith.constant 48 : i32
      %scan3A_305 = arith.addi %scan3A_303, %scan3A_304 : i32
      %scan3A_306 = arith.constant 4 : i32
      %scan3A_307 = scf.for %scan3A_841 = %scan3A_303 to %scan3A_305 step %scan3A_306 iter_args(%scan3A_842 = %broadcast_in_dim3A_98) -> (vector<16xf32>)  : i32 {
        %add3A_843 = arith.constant 0 : i32
        %add3A_844 = arith.addi %add3A_843, %scan3A_841 : i32
        %get3A_845 = arith.constant 2 : i32
        %get3A_846 = arith.index_cast %get3A_845 : i32 to index
        %get3A_847 = arith.index_cast %add3A_844 : i32 to index
        %get3A_848 = arith.constant 0 : index
        %get3A_849 = tpu.vector_load %arg6[%get3A_846, %get3A_847, %get3A_848] {strides = array<i32>} : memref<8x100x16xf32, #tpu.memory_space<vmem>>, vector<1x1x16xf32>,
        %get3A_850 = vector.shape_cast %get3A_849 : vector<1x1x16xf32> to vector<16xf32>
        %add3A_851 = arith.addf %scan3A_842, %get3A_850 : vector<16xf32>
        %scan3A_852 = arith.constant 1 : i32
        %scan3A_853 = arith.addi %scan3A_841, %scan3A_852 : i32
        %add3A_854 = arith.constant 0 : i32
        %add3A_855 = arith.addi %add3A_854, %scan3A_853 : i32
        %get3A_856 = arith.constant 2 : i32
        %get3A_857 = arith.index_cast %get3A_856 : i32 to index
        %get3A_858 = arith.index_cast %add3A_855 : i32 to index
        %get3A_859 = arith.constant 0 : index
        %get3A_860 = tpu.vector_load %arg6[%get3A_857, %get3A_858, %get3A_859] {strides = array<i32>} : memref<8x100x16xf32, #tpu.memory_space<vmem>>, vector<1x1x16xf32>,
        %get3A_861 = vector.shape_cast %get3A_860 : vector<1x1x16xf32> to vector<16xf32>
        %add3A_862 = arith.addf %add3A_851, %get3A_861 : vector<16xf32>
        %scan3A_863 = arith.constant 2 : i32
        %scan3A_864 = arith.addi %scan3A_841, %scan3A_863 : i32
        %add3A_865 = arith.constant 0 : i32
        %add3A_866 = arith.addi %add3A_865, %scan3A_864 : i32
        %get3A_867 = arith.constant 2 : i32
        %get3A_868 = arith.index_cast %get3A_867 : i32 to index
        %get3A_869 = arith.index_cast %add3A_866 : i32 to index
        %get3A_870 = arith.constant 0 : index
        %get3A_871 = tpu.vector_load %arg6[%get3A_868, %get3A_869, %get3A_870] {strides = array<i32>} : memref<8x100x16xf32, #tpu.memory_space<vmem>>, vector<1x1x16xf32>,
        %get3A_872 = vector.shape_cast %get3A_871 : vector<1x1x16xf32> to vector<16xf32>
        %add3A_873 = arith.addf %add3A_862, %get3A_872 : vector<16xf32>
        %scan3A_874 = arith.constant 3 : i32
        %scan3A_875 = arith.addi %scan3A_841, %scan3A_874 : i32
        %add3A_876 = arith.constant 0 : i32
        %add3A_877 = arith.addi %add3A_876, %scan3A_875 : i32
        %get3A_878 = arith.constant 2 : i32
        %get3A_879 = arith.index_cast %get3A_878 : i32 to index
        %get3A_880 = arith.index_cast %add3A_877 : i32 to index
        %get3A_881 = arith.constant 0 : index
        %get3A_882 = tpu.vector_load %arg6[%get3A_879, %get3A_880, %get3A_881] {strides = array<i32>} : memref<8x100x16xf32, #tpu.memory_space<vmem>>, vector<1x1x16xf32>,
        %get3A_883 = vector.shape_cast %get3A_882 : vector<1x1x16xf32> to vector<16xf32>
        %add3A_884 = arith.addf %add3A_873, %get3A_883 : vector<16xf32>
        scf.yield %add3A_884 : vector<16xf32>
      }
      %scan3A_308 = arith.constant 48 : i32
      %scan3A_309 = arith.addi %scan3A_303, %scan3A_308 : i32
      %add3A_310 = arith.constant 0 : i32
      %add3A_311 = arith.addi %add3A_310, %scan3A_309 : i32
      %get3A_312 = arith.constant 2 : i32
      %get3A_313 = arith.index_cast %get3A_312 : i32 to index
      %get3A_314 = arith.index_cast %add3A_311 : i32 to index
      %get3A_315 = arith.constant 0 : index
      %get3A_316 = tpu.vector_load %arg6[%get3A_313, %get3A_314, %get3A_315] {strides = array<i32>} : memref<8x100x16xf32, #tpu.memory_space<vmem>>, vector<1x1x16xf32>,
      %get3A_317 = vector.shape_cast %get3A_316 : vector<1x1x16xf32> to vector<16xf32>
      %add3A_318 = arith.addf %scan3A_307, %get3A_317 : vector<16xf32>
      %scan3A_319 = arith.constant 49 : i32
      %scan3A_320 = arith.addi %scan3A_303, %scan3A_319 : i32
      %add3A_321 = arith.constant 0 : i32
      %add3A_322 = arith.addi %add3A_321, %scan3A_320 : i32
      %get3A_323 = arith.constant 2 : i32
      %get3A_324 = arith.index_cast %get3A_323 : i32 to index
      %get3A_325 = arith.index_cast %add3A_322 : i32 to index
      %get3A_326 = arith.constant 0 : index
      %get3A_327 = tpu.vector_load %arg6[%get3A_324, %get3A_325, %get3A_326] {strides = array<i32>} : memref<8x100x16xf32, #tpu.memory_space<vmem>>, vector<1x1x16xf32>,
      %get3A_328 = vector.shape_cast %get3A_327 : vector<1x1x16xf32> to vector<16xf32>
      %add3A_329 = arith.addf %add3A_318, %get3A_328 : vector<16xf32>
      %scan3A_330 = arith.constant 50 : i32
      %scan3A_331 = arith.constant 0 : i32
      %scan3A_332 = arith.constant 48 : i32
      %scan3A_333 = arith.addi %scan3A_331, %scan3A_332 : i32
      %scan3A_334 = arith.constant 4 : i32
      %scan3A_335 = scf.for %scan3A_841 = %scan3A_331 to %scan3A_333 step %scan3A_334 iter_args(%scan3A_842 = %broadcast_in_dim3A_98) -> (vector<16xf32>)  : i32 {
        %add3A_843 = arith.constant 50 : i32
        %add3A_844 = arith.addi %add3A_843, %scan3A_841 : i32
        %get3A_845 = arith.constant 2 : i32
        %get3A_846 = arith.index_cast %get3A_845 : i32 to index
        %get3A_847 = arith.index_cast %add3A_844 : i32 to index
        %get3A_848 = arith.constant 0 : index
        %get3A_849 = tpu.vector_load %arg6[%get3A_846, %get3A_847, %get3A_848] {strides = array<i32>} : memref<8x100x16xf32, #tpu.memory_space<vmem>>, vector<1x1x16xf32>,
        %get3A_850 = vector.shape_cast %get3A_849 : vector<1x1x16xf32> to vector<16xf32>
        %add3A_851 = arith.addf %scan3A_842, %get3A_850 : vector<16xf32>
        %scan3A_852 = arith.constant 1 : i32
        %scan3A_853 = arith.addi %scan3A_841, %scan3A_852 : i32
        %add3A_854 = arith.constant 50 : i32
        %add3A_855 = arith.addi %add3A_854, %scan3A_853 : i32
        %get3A_856 = arith.constant 2 : i32
        %get3A_857 = arith.index_cast %get3A_856 : i32 to index
        %get3A_858 = arith.index_cast %add3A_855 : i32 to index
        %get3A_859 = arith.constant 0 : index
        %get3A_860 = tpu.vector_load %arg6[%get3A_857, %get3A_858, %get3A_859] {strides = array<i32>} : memref<8x100x16xf32, #tpu.memory_space<vmem>>, vector<1x1x16xf32>,
        %get3A_861 = vector.shape_cast %get3A_860 : vector<1x1x16xf32> to vector<16xf32>
        %add3A_862 = arith.addf %add3A_851, %get3A_861 : vector<16xf32>
        %scan3A_863 = arith.constant 2 : i32
        %scan3A_864 = arith.addi %scan3A_841, %scan3A_863 : i32
        %add3A_865 = arith.constant 50 : i32
        %add3A_866 = arith.addi %add3A_865, %scan3A_864 : i32
        %get3A_867 = arith.constant 2 : i32
        %get3A_868 = arith.index_cast %get3A_867 : i32 to index
        %get3A_869 = arith.index_cast %add3A_866 : i32 to index
        %get3A_870 = arith.constant 0 : index
        %get3A_871 = tpu.vector_load %arg6[%get3A_868, %get3A_869, %get3A_870] {strides = array<i32>} : memref<8x100x16xf32, #tpu.memory_space<vmem>>, vector<1x1x16xf32>,
        %get3A_872 = vector.shape_cast %get3A_871 : vector<1x1x16xf32> to vector<16xf32>
        %add3A_873 = arith.addf %add3A_862, %get3A_872 : vector<16xf32>
        %scan3A_874 = arith.constant 3 : i32
        %scan3A_875 = arith.addi %scan3A_841, %scan3A_874 : i32
        %add3A_876 = arith.constant 50 : i32
        %add3A_877 = arith.addi %add3A_876, %scan3A_875 : i32
        %get3A_878 = arith.constant 2 : i32
        %get3A_879 = arith.index_cast %get3A_878 : i32 to index
        %get3A_880 = arith.index_cast %add3A_877 : i32 to index
        %get3A_881 = arith.constant 0 : index
        %get3A_882 = tpu.vector_load %arg6[%get3A_879, %get3A_880, %get3A_881] {strides = array<i32>} : memref<8x100x16xf32, #tpu.memory_space<vmem>>, vector<1x1x16xf32>,
        %get3A_883 = vector.shape_cast %get3A_882 : vector<1x1x16xf32> to vector<16xf32>
        %add3A_884 = arith.addf %add3A_873, %get3A_883 : vector<16xf32>
        scf.yield %add3A_884 : vector<16xf32>
      }
      %scan3A_336 = arith.constant 48 : i32
      %scan3A_337 = arith.addi %scan3A_331, %scan3A_336 : i32
      %add3A_338 = arith.constant 50 : i32
      %add3A_339 = arith.addi %add3A_338, %scan3A_337 : i32
      %get3A_340 = arith.constant 2 : i32
      %get3A_341 = arith.index_cast %get3A_340 : i32 to index
      %get3A_342 = arith.index_cast %add3A_339 : i32 to index
      %get3A_343 = arith.constant 0 : index
      %get3A_344 = tpu.vector_load %arg6[%get3A_341, %get3A_342, %get3A_343] {strides = array<i32>} : memref<8x100x16xf32, #tpu.memory_space<vmem>>, vector<1x1x16xf32>,
      %get3A_345 = vector.shape_cast %get3A_344 : vector<1x1x16xf32> to vector<16xf32>
      %add3A_346 = arith.addf %scan3A_335, %get3A_345 : vector<16xf32>
      %scan3A_347 = arith.constant 49 : i32
      %scan3A_348 = arith.addi %scan3A_331, %scan3A_347 : i32
      %add3A_349 = arith.constant 50 : i32
      %add3A_350 = arith.addi %add3A_349, %scan3A_348 : i32
      %get3A_351 = arith.constant 2 : i32
      %get3A_352 = arith.index_cast %get3A_351 : i32 to index
      %get3A_353 = arith.index_cast %add3A_350 : i32 to index
      %get3A_354 = arith.constant 0 : index
      %get3A_355 = tpu.vector_load %arg6[%get3A_352, %get3A_353, %get3A_354] {strides = array<i32>} : memref<8x100x16xf32, #tpu.memory_space<vmem>>, vector<1x1x16xf32>,
      %get3A_356 = vector.shape_cast %get3A_355 : vector<1x1x16xf32> to vector<16xf32>
      %add3A_357 = arith.addf %add3A_346, %get3A_356 : vector<16xf32>
      %scan3A_358 = arith.constant 50 : i32
      %broadcast_in_dim3A_359 = vector.shape_cast %rem3A_102 : vector<16xi32> to vector<16x1xi32>
      %gather3A_360 = vector.shape_cast %broadcast_in_dim3A_359 : vector<16x1xi32> to vector<16xi32>
      %gather3A_361 = tpu.dynamic_gather %add3A_357[%gather3A_360] in [0] : vector<16xf32>, vector<16xi32> -> vector<16xf32>
      %select_n3A_362 = arith.select %lt3A_100, %add3A_329, %gather3A_361 : vector<16xi1>, vector<16xf32>
      %shift_right_logical3A_363 = arith.constant 3 : i32
      %shift_right_logical3A_364 = arith.shrui %add3A_290, %shift_right_logical3A_363 : i32
      %and3A_365 = arith.constant 7 : i32
      %and3A_366 = arith.andi %add3A_290, %and3A_365 : i32
      %mul3A_367 = arith.constant 16 : i32
      %mul3A_368 = arith.muli %and3A_366, %mul3A_367 : i32
      %swap3A_369 = arith.index_cast %shift_right_logical3A_364 : i32 to index
      %swap3A_370 = arith.index_cast %mul3A_368 : i32 to index
      %swap3A_371 = tpu.vector_load %arg7[%swap3A_369, %swap3A_370] {strides = array<i32>} : memref<32x128xf32, #tpu.memory_space<vmem>>, vector<1x16xf32>,
      %swap3A_372 = vector.shape_cast %swap3A_371 : vector<1x16xf32> to vector<16xf32>
      %swap3A_373 = vector.shape_cast %select_n3A_362 : vector<16xf32> to vector<1x16xf32>
      tpu.vector_store %arg7[%swap3A_369, %swap3A_370], %swap3A_373 {strides = array<i32>} : memref<32x128xf32, #tpu.memory_space<vmem>>, vector<1x16xf32>,
      %add3A_374 = arith.constant 8 : i32
      %add3A_375 = arith.addi %add3A_290, %add3A_374 : i32
      %lt3A_376 = arith.constant 256 : i32
      %lt3A_377 = arith.cmpi slt, %add3A_375, %lt3A_376 : i32
      %convert_element_type3A_378 = arith.extui %lt3A_377 : i1 to i32
      %cond3A_379 = arith.constant 0 : i32
      %cond3A_380 = arith.cmpi ne, %convert_element_type3A_378, %cond3A_379 : i32
      scf.if %cond3A_380 {
        %add3A_841 = arith.constant 8 : i32
        %add3A_842 = arith.addi %add3A_290, %add3A_841 : i32
        %dma_start3A_843 = arith.constant 2 : i32
        %dma_start3A_844 = arith.constant 0 : i32
        %dma_start3A_845 = arith.constant 0 : i32
        %dma_start3A_846 = tpu.memref_slice %arg6[%dma_start3A_843, %dma_start3A_844, %dma_start3A_845] : memref<8x100x16xf32, #tpu.memory_space<vmem>> -> memref<1x100x16xf32, #tpu.memory_space<vmem>>
        %dma_start3A_847 = tpu.memref_squeeze %dma_start3A_846 : memref<1x100x16xf32, #tpu.memory_space<vmem>> -> memref<100x16xf32, #tpu.memory_space<vmem>>
        %dma_start3A_848 = arith.constant 0 : i32
        %dma_start3A_849 = tpu.memref_slice %arg5[%add3A_842, %dma_start3A_848] : memref<256x100xi32, #tpu.memory_space<vmem>> -> memref<1x100xi32, #tpu.memory_space<vmem>>
        %dma_start3A_850 = tpu.memref_squeeze %dma_start3A_849 : memref<1x100xi32, #tpu.memory_space<vmem>> -> memref<100xi32, #tpu.memory_space<vmem>>
        %dma_start3A_851 = arith.constant 0 : i32
        %dma_start3A_852 = arith.constant 0 : i32
        %dma_start3A_853 = tpu.memref_slice %arg3[%dma_start3A_851, %dma_start3A_852] : memref<1048576x16xf32, #tpu.memory_space<hbm>> -> memref<1048576x16xf32, #tpu.memory_space<hbm>>
        tpu.enqueue_indirect_dma source(%dma_start3A_853 : memref<1048576x16xf32, #tpu.memory_space<hbm>>) target(%dma_start3A_847 : memref<100x16xf32, #tpu.memory_space<vmem>>) offsets(%dma_start3A_850 : memref<100xi32, #tpu.memory_space<vmem>>) semaphore(%arg10 : memref<!tpu.dma_semaphore, #tpu.memory_space<semaphore_mem>>)
      } else {
      }
      %add3A_381 = arith.constant 3 : i32
      %add3A_382 = arith.addi %add3A_113, %add3A_381 : i32
      %dma_wait3A_383 = arith.constant 0 : i32
      %dma_wait3A_384 = arith.constant 3 : i32
      %dma_wait3A_385 = arith.constant 0 : i32
      %dma_wait3A_386 = arith.constant 0 : i32
      %dma_wait3A_387 = tpu.memref_slice %arg6[%dma_wait3A_384, %dma_wait3A_385, %dma_wait3A_386] : memref<8x100x16xf32, #tpu.memory_space<vmem>> -> memref<1x100x16xf32, #tpu.memory_space<vmem>>
      %dma_wait3A_388 = tpu.memref_squeeze %dma_wait3A_387 : memref<1x100x16xf32, #tpu.memory_space<vmem>> -> memref<100x16xf32, #tpu.memory_space<vmem>>
      %dma_wait3A_389 = arith.constant 0 : i32
      %dma_wait3A_390 = tpu.memref_slice %arg5[%dma_wait3A_383, %dma_wait3A_389] : memref<256x100xi32, #tpu.memory_space<vmem>> -> memref<1x100xi32, #tpu.memory_space<vmem>>
      %dma_wait3A_391 = tpu.memref_squeeze %dma_wait3A_390 : memref<1x100xi32, #tpu.memory_space<vmem>> -> memref<100xi32, #tpu.memory_space<vmem>>
      %dma_wait3A_392 = arith.constant 0 : i32
      %dma_wait3A_393 = arith.constant 0 : i32
      %dma_wait3A_394 = tpu.memref_slice %arg3[%dma_wait3A_392, %dma_wait3A_393] : memref<1048576x16xf32, #tpu.memory_space<hbm>> -> memref<1048576x16xf32, #tpu.memory_space<hbm>>
      tpu.wait_indirect_dma semaphore(%arg11 : memref<!tpu.dma_semaphore, #tpu.memory_space<semaphore_mem>>) src(%dma_wait3A_394 : memref<1048576x16xf32, #tpu.memory_space<hbm>>) dst(%dma_wait3A_388 : memref<100x16xf32, #tpu.memory_space<vmem>>)
      %scan3A_395 = arith.constant 0 : i32
      %scan3A_396 = arith.constant 48 : i32
      %scan3A_397 = arith.addi %scan3A_395, %scan3A_396 : i32
      %scan3A_398 = arith.constant 4 : i32
      %scan3A_399 = scf.for %scan3A_841 = %scan3A_395 to %scan3A_397 step %scan3A_398 iter_args(%scan3A_842 = %broadcast_in_dim3A_98) -> (vector<16xf32>)  : i32 {
        %add3A_843 = arith.constant 0 : i32
        %add3A_844 = arith.addi %add3A_843, %scan3A_841 : i32
        %get3A_845 = arith.constant 3 : i32
        %get3A_846 = arith.index_cast %get3A_845 : i32 to index
        %get3A_847 = arith.index_cast %add3A_844 : i32 to index
        %get3A_848 = arith.constant 0 : index
        %get3A_849 = tpu.vector_load %arg6[%get3A_846, %get3A_847, %get3A_848] {strides = array<i32>} : memref<8x100x16xf32, #tpu.memory_space<vmem>>, vector<1x1x16xf32>,
        %get3A_850 = vector.shape_cast %get3A_849 : vector<1x1x16xf32> to vector<16xf32>
        %add3A_851 = arith.addf %scan3A_842, %get3A_850 : vector<16xf32>
        %scan3A_852 = arith.constant 1 : i32
        %scan3A_853 = arith.addi %scan3A_841, %scan3A_852 : i32
        %add3A_854 = arith.constant 0 : i32
        %add3A_855 = arith.addi %add3A_854, %scan3A_853 : i32
        %get3A_856 = arith.constant 3 : i32
        %get3A_857 = arith.index_cast %get3A_856 : i32 to index
        %get3A_858 = arith.index_cast %add3A_855 : i32 to index
        %get3A_859 = arith.constant 0 : index
        %get3A_860 = tpu.vector_load %arg6[%get3A_857, %get3A_858, %get3A_859] {strides = array<i32>} : memref<8x100x16xf32, #tpu.memory_space<vmem>>, vector<1x1x16xf32>,
        %get3A_861 = vector.shape_cast %get3A_860 : vector<1x1x16xf32> to vector<16xf32>
        %add3A_862 = arith.addf %add3A_851, %get3A_861 : vector<16xf32>
        %scan3A_863 = arith.constant 2 : i32
        %scan3A_864 = arith.addi %scan3A_841, %scan3A_863 : i32
        %add3A_865 = arith.constant 0 : i32
        %add3A_866 = arith.addi %add3A_865, %scan3A_864 : i32
        %get3A_867 = arith.constant 3 : i32
        %get3A_868 = arith.index_cast %get3A_867 : i32 to index
        %get3A_869 = arith.index_cast %add3A_866 : i32 to index
        %get3A_870 = arith.constant 0 : index
        %get3A_871 = tpu.vector_load %arg6[%get3A_868, %get3A_869, %get3A_870] {strides = array<i32>} : memref<8x100x16xf32, #tpu.memory_space<vmem>>, vector<1x1x16xf32>,
        %get3A_872 = vector.shape_cast %get3A_871 : vector<1x1x16xf32> to vector<16xf32>
        %add3A_873 = arith.addf %add3A_862, %get3A_872 : vector<16xf32>
        %scan3A_874 = arith.constant 3 : i32
        %scan3A_875 = arith.addi %scan3A_841, %scan3A_874 : i32
        %add3A_876 = arith.constant 0 : i32
        %add3A_877 = arith.addi %add3A_876, %scan3A_875 : i32
        %get3A_878 = arith.constant 3 : i32
        %get3A_879 = arith.index_cast %get3A_878 : i32 to index
        %get3A_880 = arith.index_cast %add3A_877 : i32 to index
        %get3A_881 = arith.constant 0 : index
        %get3A_882 = tpu.vector_load %arg6[%get3A_879, %get3A_880, %get3A_881] {strides = array<i32>} : memref<8x100x16xf32, #tpu.memory_space<vmem>>, vector<1x1x16xf32>,
        %get3A_883 = vector.shape_cast %get3A_882 : vector<1x1x16xf32> to vector<16xf32>
        %add3A_884 = arith.addf %add3A_873, %get3A_883 : vector<16xf32>
        scf.yield %add3A_884 : vector<16xf32>
      }
      %scan3A_400 = arith.constant 48 : i32
      %scan3A_401 = arith.addi %scan3A_395, %scan3A_400 : i32
      %add3A_402 = arith.constant 0 : i32
      %add3A_403 = arith.addi %add3A_402, %scan3A_401 : i32
      %get3A_404 = arith.constant 3 : i32
      %get3A_405 = arith.index_cast %get3A_404 : i32 to index
      %get3A_406 = arith.index_cast %add3A_403 : i32 to index
      %get3A_407 = arith.constant 0 : index
      %get3A_408 = tpu.vector_load %arg6[%get3A_405, %get3A_406, %get3A_407] {strides = array<i32>} : memref<8x100x16xf32, #tpu.memory_space<vmem>>, vector<1x1x16xf32>,
      %get3A_409 = vector.shape_cast %get3A_408 : vector<1x1x16xf32> to vector<16xf32>
      %add3A_410 = arith.addf %scan3A_399, %get3A_409 : vector<16xf32>
      %scan3A_411 = arith.constant 49 : i32
      %scan3A_412 = arith.addi %scan3A_395, %scan3A_411 : i32
      %add3A_413 = arith.constant 0 : i32
      %add3A_414 = arith.addi %add3A_413, %scan3A_412 : i32
      %get3A_415 = arith.constant 3 : i32
      %get3A_416 = arith.index_cast %get3A_415 : i32 to index
      %get3A_417 = arith.index_cast %add3A_414 : i32 to index
      %get3A_418 = arith.constant 0 : index
      %get3A_419 = tpu.vector_load %arg6[%get3A_416, %get3A_417, %get3A_418] {strides = array<i32>} : memref<8x100x16xf32, #tpu.memory_space<vmem>>, vector<1x1x16xf32>,
      %get3A_420 = vector.shape_cast %get3A_419 : vector<1x1x16xf32> to vector<16xf32>
      %add3A_421 = arith.addf %add3A_410, %get3A_420 : vector<16xf32>
      %scan3A_422 = arith.constant 50 : i32
      %scan3A_423 = arith.constant 0 : i32
      %scan3A_424 = arith.constant 48 : i32
      %scan3A_425 = arith.addi %scan3A_423, %scan3A_424 : i32
      %scan3A_426 = arith.constant 4 : i32
      %scan3A_427 = scf.for %scan3A_841 = %scan3A_423 to %scan3A_425 step %scan3A_426 iter_args(%scan3A_842 = %broadcast_in_dim3A_98) -> (vector<16xf32>)  : i32 {
        %add3A_843 = arith.constant 50 : i32
        %add3A_844 = arith.addi %add3A_843, %scan3A_841 : i32
        %get3A_845 = arith.constant 3 : i32
        %get3A_846 = arith.index_cast %get3A_845 : i32 to index
        %get3A_847 = arith.index_cast %add3A_844 : i32 to index
        %get3A_848 = arith.constant 0 : index
        %get3A_849 = tpu.vector_load %arg6[%get3A_846, %get3A_847, %get3A_848] {strides = array<i32>} : memref<8x100x16xf32, #tpu.memory_space<vmem>>, vector<1x1x16xf32>,
        %get3A_850 = vector.shape_cast %get3A_849 : vector<1x1x16xf32> to vector<16xf32>
        %add3A_851 = arith.addf %scan3A_842, %get3A_850 : vector<16xf32>
        %scan3A_852 = arith.constant 1 : i32
        %scan3A_853 = arith.addi %scan3A_841, %scan3A_852 : i32
        %add3A_854 = arith.constant 50 : i32
        %add3A_855 = arith.addi %add3A_854, %scan3A_853 : i32
        %get3A_856 = arith.constant 3 : i32
        %get3A_857 = arith.index_cast %get3A_856 : i32 to index
        %get3A_858 = arith.index_cast %add3A_855 : i32 to index
        %get3A_859 = arith.constant 0 : index
        %get3A_860 = tpu.vector_load %arg6[%get3A_857, %get3A_858, %get3A_859] {strides = array<i32>} : memref<8x100x16xf32, #tpu.memory_space<vmem>>, vector<1x1x16xf32>,
        %get3A_861 = vector.shape_cast %get3A_860 : vector<1x1x16xf32> to vector<16xf32>
        %add3A_862 = arith.addf %add3A_851, %get3A_861 : vector<16xf32>
        %scan3A_863 = arith.constant 2 : i32
        %scan3A_864 = arith.addi %scan3A_841, %scan3A_863 : i32
        %add3A_865 = arith.constant 50 : i32
        %add3A_866 = arith.addi %add3A_865, %scan3A_864 : i32
        %get3A_867 = arith.constant 3 : i32
        %get3A_868 = arith.index_cast %get3A_867 : i32 to index
        %get3A_869 = arith.index_cast %add3A_866 : i32 to index
        %get3A_870 = arith.constant 0 : index
        %get3A_871 = tpu.vector_load %arg6[%get3A_868, %get3A_869, %get3A_870] {strides = array<i32>} : memref<8x100x16xf32, #tpu.memory_space<vmem>>, vector<1x1x16xf32>,
        %get3A_872 = vector.shape_cast %get3A_871 : vector<1x1x16xf32> to vector<16xf32>
        %add3A_873 = arith.addf %add3A_862, %get3A_872 : vector<16xf32>
        %scan3A_874 = arith.constant 3 : i32
        %scan3A_875 = arith.addi %scan3A_841, %scan3A_874 : i32
        %add3A_876 = arith.constant 50 : i32
        %add3A_877 = arith.addi %add3A_876, %scan3A_875 : i32
        %get3A_878 = arith.constant 3 : i32
        %get3A_879 = arith.index_cast %get3A_878 : i32 to index
        %get3A_880 = arith.index_cast %add3A_877 : i32 to index
        %get3A_881 = arith.constant 0 : index
        %get3A_882 = tpu.vector_load %arg6[%get3A_879, %get3A_880, %get3A_881] {strides = array<i32>} : memref<8x100x16xf32, #tpu.memory_space<vmem>>, vector<1x1x16xf32>,
        %get3A_883 = vector.shape_cast %get3A_882 : vector<1x1x16xf32> to vector<16xf32>
        %add3A_884 = arith.addf %add3A_873, %get3A_883 : vector<16xf32>
        scf.yield %add3A_884 : vector<16xf32>
      }
      %scan3A_428 = arith.constant 48 : i32
      %scan3A_429 = arith.addi %scan3A_423, %scan3A_428 : i32
      %add3A_430 = arith.constant 50 : i32
      %add3A_431 = arith.addi %add3A_430, %scan3A_429 : i32
      %get3A_432 = arith.constant 3 : i32
      %get3A_433 = arith.index_cast %get3A_432 : i32 to index
      %get3A_434 = arith.index_cast %add3A_431 : i32 to index
      %get3A_435 = arith.constant 0 : index
      %get3A_436 = tpu.vector_load %arg6[%get3A_433, %get3A_434, %get3A_435] {strides = array<i32>} : memref<8x100x16xf32, #tpu.memory_space<vmem>>, vector<1x1x16xf32>,
      %get3A_437 = vector.shape_cast %get3A_436 : vector<1x1x16xf32> to vector<16xf32>
      %add3A_438 = arith.addf %scan3A_427, %get3A_437 : vector<16xf32>
      %scan3A_439 = arith.constant 49 : i32
      %scan3A_440 = arith.addi %scan3A_423, %scan3A_439 : i32
      %add3A_441 = arith.constant 50 : i32
      %add3A_442 = arith.addi %add3A_441, %scan3A_440 : i32
      %get3A_443 = arith.constant 3 : i32
      %get3A_444 = arith.index_cast %get3A_443 : i32 to index
      %get3A_445 = arith.index_cast %add3A_442 : i32 to index
      %get3A_446 = arith.constant 0 : index
      %get3A_447 = tpu.vector_load %arg6[%get3A_444, %get3A_445, %get3A_446] {strides = array<i32>} : memref<8x100x16xf32, #tpu.memory_space<vmem>>, vector<1x1x16xf32>,
      %get3A_448 = vector.shape_cast %get3A_447 : vector<1x1x16xf32> to vector<16xf32>
      %add3A_449 = arith.addf %add3A_438, %get3A_448 : vector<16xf32>
      %scan3A_450 = arith.constant 50 : i32
      %broadcast_in_dim3A_451 = vector.shape_cast %rem3A_102 : vector<16xi32> to vector<16x1xi32>
      %gather3A_452 = vector.shape_cast %broadcast_in_dim3A_451 : vector<16x1xi32> to vector<16xi32>
      %gather3A_453 = tpu.dynamic_gather %add3A_449[%gather3A_452] in [0] : vector<16xf32>, vector<16xi32> -> vector<16xf32>
      %select_n3A_454 = arith.select %lt3A_100, %add3A_421, %gather3A_453 : vector<16xi1>, vector<16xf32>
      %shift_right_logical3A_455 = arith.constant 3 : i32
      %shift_right_logical3A_456 = arith.shrui %add3A_382, %shift_right_logical3A_455 : i32
      %and3A_457 = arith.constant 7 : i32
      %and3A_458 = arith.andi %add3A_382, %and3A_457 : i32
      %mul3A_459 = arith.constant 16 : i32
      %mul3A_460 = arith.muli %and3A_458, %mul3A_459 : i32
      %swap3A_461 = arith.index_cast %shift_right_logical3A_456 : i32 to index
      %swap3A_462 = arith.index_cast %mul3A_460 : i32 to index
      %swap3A_463 = tpu.vector_load %arg7[%swap3A_461, %swap3A_462] {strides = array<i32>} : memref<32x128xf32, #tpu.memory_space<vmem>>, vector<1x16xf32>,
      %swap3A_464 = vector.shape_cast %swap3A_463 : vector<1x16xf32> to vector<16xf32>
      %swap3A_465 = vector.shape_cast %select_n3A_454 : vector<16xf32> to vector<1x16xf32>
      tpu.vector_store %arg7[%swap3A_461, %swap3A_462], %swap3A_465 {strides = array<i32>} : memref<32x128xf32, #tpu.memory_space<vmem>>, vector<1x16xf32>,
      %add3A_466 = arith.constant 8 : i32
      %add3A_467 = arith.addi %add3A_382, %add3A_466 : i32
      %lt3A_468 = arith.constant 256 : i32
      %lt3A_469 = arith.cmpi slt, %add3A_467, %lt3A_468 : i32
      %convert_element_type3A_470 = arith.extui %lt3A_469 : i1 to i32
      %cond3A_471 = arith.constant 0 : i32
      %cond3A_472 = arith.cmpi ne, %convert_element_type3A_470, %cond3A_471 : i32
      scf.if %cond3A_472 {
        %add3A_841 = arith.constant 8 : i32
        %add3A_842 = arith.addi %add3A_382, %add3A_841 : i32
        %dma_start3A_843 = arith.constant 3 : i32
        %dma_start3A_844 = arith.constant 0 : i32
        %dma_start3A_845 = arith.constant 0 : i32
        %dma_start3A_846 = tpu.memref_slice %arg6[%dma_start3A_843, %dma_start3A_844, %dma_start3A_845] : memref<8x100x16xf32, #tpu.memory_space<vmem>> -> memref<1x100x16xf32, #tpu.memory_space<vmem>>
        %dma_start3A_847 = tpu.memref_squeeze %dma_start3A_846 : memref<1x100x16xf32, #tpu.memory_space<vmem>> -> memref<100x16xf32, #tpu.memory_space<vmem>>
        %dma_start3A_848 = arith.constant 0 : i32
        %dma_start3A_849 = tpu.memref_slice %arg5[%add3A_842, %dma_start3A_848] : memref<256x100xi32, #tpu.memory_space<vmem>> -> memref<1x100xi32, #tpu.memory_space<vmem>>
        %dma_start3A_850 = tpu.memref_squeeze %dma_start3A_849 : memref<1x100xi32, #tpu.memory_space<vmem>> -> memref<100xi32, #tpu.memory_space<vmem>>
        %dma_start3A_851 = arith.constant 0 : i32
        %dma_start3A_852 = arith.constant 0 : i32
        %dma_start3A_853 = tpu.memref_slice %arg3[%dma_start3A_851, %dma_start3A_852] : memref<1048576x16xf32, #tpu.memory_space<hbm>> -> memref<1048576x16xf32, #tpu.memory_space<hbm>>
        tpu.enqueue_indirect_dma source(%dma_start3A_853 : memref<1048576x16xf32, #tpu.memory_space<hbm>>) target(%dma_start3A_847 : memref<100x16xf32, #tpu.memory_space<vmem>>) offsets(%dma_start3A_850 : memref<100xi32, #tpu.memory_space<vmem>>) semaphore(%arg11 : memref<!tpu.dma_semaphore, #tpu.memory_space<semaphore_mem>>)
      } else {
      }
      %add3A_473 = arith.constant 4 : i32
      %add3A_474 = arith.addi %add3A_113, %add3A_473 : i32
      %dma_wait3A_475 = arith.constant 0 : i32
      %dma_wait3A_476 = arith.constant 4 : i32
      %dma_wait3A_477 = arith.constant 0 : i32
      %dma_wait3A_478 = arith.constant 0 : i32
      %dma_wait3A_479 = tpu.memref_slice %arg6[%dma_wait3A_476, %dma_wait3A_477, %dma_wait3A_478] : memref<8x100x16xf32, #tpu.memory_space<vmem>> -> memref<1x100x16xf32, #tpu.memory_space<vmem>>
      %dma_wait3A_480 = tpu.memref_squeeze %dma_wait3A_479 : memref<1x100x16xf32, #tpu.memory_space<vmem>> -> memref<100x16xf32, #tpu.memory_space<vmem>>
      %dma_wait3A_481 = arith.constant 0 : i32
      %dma_wait3A_482 = tpu.memref_slice %arg5[%dma_wait3A_475, %dma_wait3A_481] : memref<256x100xi32, #tpu.memory_space<vmem>> -> memref<1x100xi32, #tpu.memory_space<vmem>>
      %dma_wait3A_483 = tpu.memref_squeeze %dma_wait3A_482 : memref<1x100xi32, #tpu.memory_space<vmem>> -> memref<100xi32, #tpu.memory_space<vmem>>
      %dma_wait3A_484 = arith.constant 0 : i32
      %dma_wait3A_485 = arith.constant 0 : i32
      %dma_wait3A_486 = tpu.memref_slice %arg3[%dma_wait3A_484, %dma_wait3A_485] : memref<1048576x16xf32, #tpu.memory_space<hbm>> -> memref<1048576x16xf32, #tpu.memory_space<hbm>>
      tpu.wait_indirect_dma semaphore(%arg12 : memref<!tpu.dma_semaphore, #tpu.memory_space<semaphore_mem>>) src(%dma_wait3A_486 : memref<1048576x16xf32, #tpu.memory_space<hbm>>) dst(%dma_wait3A_480 : memref<100x16xf32, #tpu.memory_space<vmem>>)
      %scan3A_487 = arith.constant 0 : i32
      %scan3A_488 = arith.constant 48 : i32
      %scan3A_489 = arith.addi %scan3A_487, %scan3A_488 : i32
      %scan3A_490 = arith.constant 4 : i32
      %scan3A_491 = scf.for %scan3A_841 = %scan3A_487 to %scan3A_489 step %scan3A_490 iter_args(%scan3A_842 = %broadcast_in_dim3A_98) -> (vector<16xf32>)  : i32 {
        %add3A_843 = arith.constant 0 : i32
        %add3A_844 = arith.addi %add3A_843, %scan3A_841 : i32
        %get3A_845 = arith.constant 4 : i32
        %get3A_846 = arith.index_cast %get3A_845 : i32 to index
        %get3A_847 = arith.index_cast %add3A_844 : i32 to index
        %get3A_848 = arith.constant 0 : index
        %get3A_849 = tpu.vector_load %arg6[%get3A_846, %get3A_847, %get3A_848] {strides = array<i32>} : memref<8x100x16xf32, #tpu.memory_space<vmem>>, vector<1x1x16xf32>,
        %get3A_850 = vector.shape_cast %get3A_849 : vector<1x1x16xf32> to vector<16xf32>
        %add3A_851 = arith.addf %scan3A_842, %get3A_850 : vector<16xf32>
        %scan3A_852 = arith.constant 1 : i32
        %scan3A_853 = arith.addi %scan3A_841, %scan3A_852 : i32
        %add3A_854 = arith.constant 0 : i32
        %add3A_855 = arith.addi %add3A_854, %scan3A_853 : i32
        %get3A_856 = arith.constant 4 : i32
        %get3A_857 = arith.index_cast %get3A_856 : i32 to index
        %get3A_858 = arith.index_cast %add3A_855 : i32 to index
        %get3A_859 = arith.constant 0 : index
        %get3A_860 = tpu.vector_load %arg6[%get3A_857, %get3A_858, %get3A_859] {strides = array<i32>} : memref<8x100x16xf32, #tpu.memory_space<vmem>>, vector<1x1x16xf32>,
        %get3A_861 = vector.shape_cast %get3A_860 : vector<1x1x16xf32> to vector<16xf32>
        %add3A_862 = arith.addf %add3A_851, %get3A_861 : vector<16xf32>
        %scan3A_863 = arith.constant 2 : i32
        %scan3A_864 = arith.addi %scan3A_841, %scan3A_863 : i32
        %add3A_865 = arith.constant 0 : i32
        %add3A_866 = arith.addi %add3A_865, %scan3A_864 : i32
        %get3A_867 = arith.constant 4 : i32
        %get3A_868 = arith.index_cast %get3A_867 : i32 to index
        %get3A_869 = arith.index_cast %add3A_866 : i32 to index
        %get3A_870 = arith.constant 0 : index
        %get3A_871 = tpu.vector_load %arg6[%get3A_868, %get3A_869, %get3A_870] {strides = array<i32>} : memref<8x100x16xf32, #tpu.memory_space<vmem>>, vector<1x1x16xf32>,
        %get3A_872 = vector.shape_cast %get3A_871 : vector<1x1x16xf32> to vector<16xf32>
        %add3A_873 = arith.addf %add3A_862, %get3A_872 : vector<16xf32>
        %scan3A_874 = arith.constant 3 : i32
        %scan3A_875 = arith.addi %scan3A_841, %scan3A_874 : i32
        %add3A_876 = arith.constant 0 : i32
        %add3A_877 = arith.addi %add3A_876, %scan3A_875 : i32
        %get3A_878 = arith.constant 4 : i32
        %get3A_879 = arith.index_cast %get3A_878 : i32 to index
        %get3A_880 = arith.index_cast %add3A_877 : i32 to index
        %get3A_881 = arith.constant 0 : index
        %get3A_882 = tpu.vector_load %arg6[%get3A_879, %get3A_880, %get3A_881] {strides = array<i32>} : memref<8x100x16xf32, #tpu.memory_space<vmem>>, vector<1x1x16xf32>,
        %get3A_883 = vector.shape_cast %get3A_882 : vector<1x1x16xf32> to vector<16xf32>
        %add3A_884 = arith.addf %add3A_873, %get3A_883 : vector<16xf32>
        scf.yield %add3A_884 : vector<16xf32>
      }
      %scan3A_492 = arith.constant 48 : i32
      %scan3A_493 = arith.addi %scan3A_487, %scan3A_492 : i32
      %add3A_494 = arith.constant 0 : i32
      %add3A_495 = arith.addi %add3A_494, %scan3A_493 : i32
      %get3A_496 = arith.constant 4 : i32
      %get3A_497 = arith.index_cast %get3A_496 : i32 to index
      %get3A_498 = arith.index_cast %add3A_495 : i32 to index
      %get3A_499 = arith.constant 0 : index
      %get3A_500 = tpu.vector_load %arg6[%get3A_497, %get3A_498, %get3A_499] {strides = array<i32>} : memref<8x100x16xf32, #tpu.memory_space<vmem>>, vector<1x1x16xf32>,
      %get3A_501 = vector.shape_cast %get3A_500 : vector<1x1x16xf32> to vector<16xf32>
      %add3A_502 = arith.addf %scan3A_491, %get3A_501 : vector<16xf32>
      %scan3A_503 = arith.constant 49 : i32
      %scan3A_504 = arith.addi %scan3A_487, %scan3A_503 : i32
      %add3A_505 = arith.constant 0 : i32
      %add3A_506 = arith.addi %add3A_505, %scan3A_504 : i32
      %get3A_507 = arith.constant 4 : i32
      %get3A_508 = arith.index_cast %get3A_507 : i32 to index
      %get3A_509 = arith.index_cast %add3A_506 : i32 to index
      %get3A_510 = arith.constant 0 : index
      %get3A_511 = tpu.vector_load %arg6[%get3A_508, %get3A_509, %get3A_510] {strides = array<i32>} : memref<8x100x16xf32, #tpu.memory_space<vmem>>, vector<1x1x16xf32>,
      %get3A_512 = vector.shape_cast %get3A_511 : vector<1x1x16xf32> to vector<16xf32>
      %add3A_513 = arith.addf %add3A_502, %get3A_512 : vector<16xf32>
      %scan3A_514 = arith.constant 50 : i32
      %scan3A_515 = arith.constant 0 : i32
      %scan3A_516 = arith.constant 48 : i32
      %scan3A_517 = arith.addi %scan3A_515, %scan3A_516 : i32
      %scan3A_518 = arith.constant 4 : i32
      %scan3A_519 = scf.for %scan3A_841 = %scan3A_515 to %scan3A_517 step %scan3A_518 iter_args(%scan3A_842 = %broadcast_in_dim3A_98) -> (vector<16xf32>)  : i32 {
        %add3A_843 = arith.constant 50 : i32
        %add3A_844 = arith.addi %add3A_843, %scan3A_841 : i32
        %get3A_845 = arith.constant 4 : i32
        %get3A_846 = arith.index_cast %get3A_845 : i32 to index
        %get3A_847 = arith.index_cast %add3A_844 : i32 to index
        %get3A_848 = arith.constant 0 : index
        %get3A_849 = tpu.vector_load %arg6[%get3A_846, %get3A_847, %get3A_848] {strides = array<i32>} : memref<8x100x16xf32, #tpu.memory_space<vmem>>, vector<1x1x16xf32>,
        %get3A_850 = vector.shape_cast %get3A_849 : vector<1x1x16xf32> to vector<16xf32>
        %add3A_851 = arith.addf %scan3A_842, %get3A_850 : vector<16xf32>
        %scan3A_852 = arith.constant 1 : i32
        %scan3A_853 = arith.addi %scan3A_841, %scan3A_852 : i32
        %add3A_854 = arith.constant 50 : i32
        %add3A_855 = arith.addi %add3A_854, %scan3A_853 : i32
        %get3A_856 = arith.constant 4 : i32
        %get3A_857 = arith.index_cast %get3A_856 : i32 to index
        %get3A_858 = arith.index_cast %add3A_855 : i32 to index
        %get3A_859 = arith.constant 0 : index
        %get3A_860 = tpu.vector_load %arg6[%get3A_857, %get3A_858, %get3A_859] {strides = array<i32>} : memref<8x100x16xf32, #tpu.memory_space<vmem>>, vector<1x1x16xf32>,
        %get3A_861 = vector.shape_cast %get3A_860 : vector<1x1x16xf32> to vector<16xf32>
        %add3A_862 = arith.addf %add3A_851, %get3A_861 : vector<16xf32>
        %scan3A_863 = arith.constant 2 : i32
        %scan3A_864 = arith.addi %scan3A_841, %scan3A_863 : i32
        %add3A_865 = arith.constant 50 : i32
        %add3A_866 = arith.addi %add3A_865, %scan3A_864 : i32
        %get3A_867 = arith.constant 4 : i32
        %get3A_868 = arith.index_cast %get3A_867 : i32 to index
        %get3A_869 = arith.index_cast %add3A_866 : i32 to index
        %get3A_870 = arith.constant 0 : index
        %get3A_871 = tpu.vector_load %arg6[%get3A_868, %get3A_869, %get3A_870] {strides = array<i32>} : memref<8x100x16xf32, #tpu.memory_space<vmem>>, vector<1x1x16xf32>,
        %get3A_872 = vector.shape_cast %get3A_871 : vector<1x1x16xf32> to vector<16xf32>
        %add3A_873 = arith.addf %add3A_862, %get3A_872 : vector<16xf32>
        %scan3A_874 = arith.constant 3 : i32
        %scan3A_875 = arith.addi %scan3A_841, %scan3A_874 : i32
        %add3A_876 = arith.constant 50 : i32
        %add3A_877 = arith.addi %add3A_876, %scan3A_875 : i32
        %get3A_878 = arith.constant 4 : i32
        %get3A_879 = arith.index_cast %get3A_878 : i32 to index
        %get3A_880 = arith.index_cast %add3A_877 : i32 to index
        %get3A_881 = arith.constant 0 : index
        %get3A_882 = tpu.vector_load %arg6[%get3A_879, %get3A_880, %get3A_881] {strides = array<i32>} : memref<8x100x16xf32, #tpu.memory_space<vmem>>, vector<1x1x16xf32>,
        %get3A_883 = vector.shape_cast %get3A_882 : vector<1x1x16xf32> to vector<16xf32>
        %add3A_884 = arith.addf %add3A_873, %get3A_883 : vector<16xf32>
        scf.yield %add3A_884 : vector<16xf32>
      }
      %scan3A_520 = arith.constant 48 : i32
      %scan3A_521 = arith.addi %scan3A_515, %scan3A_520 : i32
      %add3A_522 = arith.constant 50 : i32
      %add3A_523 = arith.addi %add3A_522, %scan3A_521 : i32
      %get3A_524 = arith.constant 4 : i32
      %get3A_525 = arith.index_cast %get3A_524 : i32 to index
      %get3A_526 = arith.index_cast %add3A_523 : i32 to index
      %get3A_527 = arith.constant 0 : index
      %get3A_528 = tpu.vector_load %arg6[%get3A_525, %get3A_526, %get3A_527] {strides = array<i32>} : memref<8x100x16xf32, #tpu.memory_space<vmem>>, vector<1x1x16xf32>,
      %get3A_529 = vector.shape_cast %get3A_528 : vector<1x1x16xf32> to vector<16xf32>
      %add3A_530 = arith.addf %scan3A_519, %get3A_529 : vector<16xf32>
      %scan3A_531 = arith.constant 49 : i32
      %scan3A_532 = arith.addi %scan3A_515, %scan3A_531 : i32
      %add3A_533 = arith.constant 50 : i32
      %add3A_534 = arith.addi %add3A_533, %scan3A_532 : i32
      %get3A_535 = arith.constant 4 : i32
      %get3A_536 = arith.index_cast %get3A_535 : i32 to index
      %get3A_537 = arith.index_cast %add3A_534 : i32 to index
      %get3A_538 = arith.constant 0 : index
      %get3A_539 = tpu.vector_load %arg6[%get3A_536, %get3A_537, %get3A_538] {strides = array<i32>} : memref<8x100x16xf32, #tpu.memory_space<vmem>>, vector<1x1x16xf32>,
      %get3A_540 = vector.shape_cast %get3A_539 : vector<1x1x16xf32> to vector<16xf32>
      %add3A_541 = arith.addf %add3A_530, %get3A_540 : vector<16xf32>
      %scan3A_542 = arith.constant 50 : i32
      %broadcast_in_dim3A_543 = vector.shape_cast %rem3A_102 : vector<16xi32> to vector<16x1xi32>
      %gather3A_544 = vector.shape_cast %broadcast_in_dim3A_543 : vector<16x1xi32> to vector<16xi32>
      %gather3A_545 = tpu.dynamic_gather %add3A_541[%gather3A_544] in [0] : vector<16xf32>, vector<16xi32> -> vector<16xf32>
      %select_n3A_546 = arith.select %lt3A_100, %add3A_513, %gather3A_545 : vector<16xi1>, vector<16xf32>
      %shift_right_logical3A_547 = arith.constant 3 : i32
      %shift_right_logical3A_548 = arith.shrui %add3A_474, %shift_right_logical3A_547 : i32
      %and3A_549 = arith.constant 7 : i32
      %and3A_550 = arith.andi %add3A_474, %and3A_549 : i32
      %mul3A_551 = arith.constant 16 : i32
      %mul3A_552 = arith.muli %and3A_550, %mul3A_551 : i32
      %swap3A_553 = arith.index_cast %shift_right_logical3A_548 : i32 to index
      %swap3A_554 = arith.index_cast %mul3A_552 : i32 to index
      %swap3A_555 = tpu.vector_load %arg7[%swap3A_553, %swap3A_554] {strides = array<i32>} : memref<32x128xf32, #tpu.memory_space<vmem>>, vector<1x16xf32>,
      %swap3A_556 = vector.shape_cast %swap3A_555 : vector<1x16xf32> to vector<16xf32>
      %swap3A_557 = vector.shape_cast %select_n3A_546 : vector<16xf32> to vector<1x16xf32>
      tpu.vector_store %arg7[%swap3A_553, %swap3A_554], %swap3A_557 {strides = array<i32>} : memref<32x128xf32, #tpu.memory_space<vmem>>, vector<1x16xf32>,
      %add3A_558 = arith.constant 8 : i32
      %add3A_559 = arith.addi %add3A_474, %add3A_558 : i32
      %lt3A_560 = arith.constant 256 : i32
      %lt3A_561 = arith.cmpi slt, %add3A_559, %lt3A_560 : i32
      %convert_element_type3A_562 = arith.extui %lt3A_561 : i1 to i32
      %cond3A_563 = arith.constant 0 : i32
      %cond3A_564 = arith.cmpi ne, %convert_element_type3A_562, %cond3A_563 : i32
      scf.if %cond3A_564 {
        %add3A_841 = arith.constant 8 : i32
        %add3A_842 = arith.addi %add3A_474, %add3A_841 : i32
        %dma_start3A_843 = arith.constant 4 : i32
        %dma_start3A_844 = arith.constant 0 : i32
        %dma_start3A_845 = arith.constant 0 : i32
        %dma_start3A_846 = tpu.memref_slice %arg6[%dma_start3A_843, %dma_start3A_844, %dma_start3A_845] : memref<8x100x16xf32, #tpu.memory_space<vmem>> -> memref<1x100x16xf32, #tpu.memory_space<vmem>>
        %dma_start3A_847 = tpu.memref_squeeze %dma_start3A_846 : memref<1x100x16xf32, #tpu.memory_space<vmem>> -> memref<100x16xf32, #tpu.memory_space<vmem>>
        %dma_start3A_848 = arith.constant 0 : i32
        %dma_start3A_849 = tpu.memref_slice %arg5[%add3A_842, %dma_start3A_848] : memref<256x100xi32, #tpu.memory_space<vmem>> -> memref<1x100xi32, #tpu.memory_space<vmem>>
        %dma_start3A_850 = tpu.memref_squeeze %dma_start3A_849 : memref<1x100xi32, #tpu.memory_space<vmem>> -> memref<100xi32, #tpu.memory_space<vmem>>
        %dma_start3A_851 = arith.constant 0 : i32
        %dma_start3A_852 = arith.constant 0 : i32
        %dma_start3A_853 = tpu.memref_slice %arg3[%dma_start3A_851, %dma_start3A_852] : memref<1048576x16xf32, #tpu.memory_space<hbm>> -> memref<1048576x16xf32, #tpu.memory_space<hbm>>
        tpu.enqueue_indirect_dma source(%dma_start3A_853 : memref<1048576x16xf32, #tpu.memory_space<hbm>>) target(%dma_start3A_847 : memref<100x16xf32, #tpu.memory_space<vmem>>) offsets(%dma_start3A_850 : memref<100xi32, #tpu.memory_space<vmem>>) semaphore(%arg12 : memref<!tpu.dma_semaphore, #tpu.memory_space<semaphore_mem>>)
      } else {
      }
      %add3A_565 = arith.constant 5 : i32
      %add3A_566 = arith.addi %add3A_113, %add3A_565 : i32
      %dma_wait3A_567 = arith.constant 0 : i32
      %dma_wait3A_568 = arith.constant 5 : i32
      %dma_wait3A_569 = arith.constant 0 : i32
      %dma_wait3A_570 = arith.constant 0 : i32
      %dma_wait3A_571 = tpu.memref_slice %arg6[%dma_wait3A_568, %dma_wait3A_569, %dma_wait3A_570] : memref<8x100x16xf32, #tpu.memory_space<vmem>> -> memref<1x100x16xf32, #tpu.memory_space<vmem>>
      %dma_wait3A_572 = tpu.memref_squeeze %dma_wait3A_571 : memref<1x100x16xf32, #tpu.memory_space<vmem>> -> memref<100x16xf32, #tpu.memory_space<vmem>>
      %dma_wait3A_573 = arith.constant 0 : i32
      %dma_wait3A_574 = tpu.memref_slice %arg5[%dma_wait3A_567, %dma_wait3A_573] : memref<256x100xi32, #tpu.memory_space<vmem>> -> memref<1x100xi32, #tpu.memory_space<vmem>>
      %dma_wait3A_575 = tpu.memref_squeeze %dma_wait3A_574 : memref<1x100xi32, #tpu.memory_space<vmem>> -> memref<100xi32, #tpu.memory_space<vmem>>
      %dma_wait3A_576 = arith.constant 0 : i32
      %dma_wait3A_577 = arith.constant 0 : i32
      %dma_wait3A_578 = tpu.memref_slice %arg3[%dma_wait3A_576, %dma_wait3A_577] : memref<1048576x16xf32, #tpu.memory_space<hbm>> -> memref<1048576x16xf32, #tpu.memory_space<hbm>>
      tpu.wait_indirect_dma semaphore(%arg13 : memref<!tpu.dma_semaphore, #tpu.memory_space<semaphore_mem>>) src(%dma_wait3A_578 : memref<1048576x16xf32, #tpu.memory_space<hbm>>) dst(%dma_wait3A_572 : memref<100x16xf32, #tpu.memory_space<vmem>>)
      %scan3A_579 = arith.constant 0 : i32
      %scan3A_580 = arith.constant 48 : i32
      %scan3A_581 = arith.addi %scan3A_579, %scan3A_580 : i32
      %scan3A_582 = arith.constant 4 : i32
      %scan3A_583 = scf.for %scan3A_841 = %scan3A_579 to %scan3A_581 step %scan3A_582 iter_args(%scan3A_842 = %broadcast_in_dim3A_98) -> (vector<16xf32>)  : i32 {
        %add3A_843 = arith.constant 0 : i32
        %add3A_844 = arith.addi %add3A_843, %scan3A_841 : i32
        %get3A_845 = arith.constant 5 : i32
        %get3A_846 = arith.index_cast %get3A_845 : i32 to index
        %get3A_847 = arith.index_cast %add3A_844 : i32 to index
        %get3A_848 = arith.constant 0 : index
        %get3A_849 = tpu.vector_load %arg6[%get3A_846, %get3A_847, %get3A_848] {strides = array<i32>} : memref<8x100x16xf32, #tpu.memory_space<vmem>>, vector<1x1x16xf32>,
        %get3A_850 = vector.shape_cast %get3A_849 : vector<1x1x16xf32> to vector<16xf32>
        %add3A_851 = arith.addf %scan3A_842, %get3A_850 : vector<16xf32>
        %scan3A_852 = arith.constant 1 : i32
        %scan3A_853 = arith.addi %scan3A_841, %scan3A_852 : i32
        %add3A_854 = arith.constant 0 : i32
        %add3A_855 = arith.addi %add3A_854, %scan3A_853 : i32
        %get3A_856 = arith.constant 5 : i32
        %get3A_857 = arith.index_cast %get3A_856 : i32 to index
        %get3A_858 = arith.index_cast %add3A_855 : i32 to index
        %get3A_859 = arith.constant 0 : index
        %get3A_860 = tpu.vector_load %arg6[%get3A_857, %get3A_858, %get3A_859] {strides = array<i32>} : memref<8x100x16xf32, #tpu.memory_space<vmem>>, vector<1x1x16xf32>,
        %get3A_861 = vector.shape_cast %get3A_860 : vector<1x1x16xf32> to vector<16xf32>
        %add3A_862 = arith.addf %add3A_851, %get3A_861 : vector<16xf32>
        %scan3A_863 = arith.constant 2 : i32
        %scan3A_864 = arith.addi %scan3A_841, %scan3A_863 : i32
        %add3A_865 = arith.constant 0 : i32
        %add3A_866 = arith.addi %add3A_865, %scan3A_864 : i32
        %get3A_867 = arith.constant 5 : i32
        %get3A_868 = arith.index_cast %get3A_867 : i32 to index
        %get3A_869 = arith.index_cast %add3A_866 : i32 to index
        %get3A_870 = arith.constant 0 : index
        %get3A_871 = tpu.vector_load %arg6[%get3A_868, %get3A_869, %get3A_870] {strides = array<i32>} : memref<8x100x16xf32, #tpu.memory_space<vmem>>, vector<1x1x16xf32>,
        %get3A_872 = vector.shape_cast %get3A_871 : vector<1x1x16xf32> to vector<16xf32>
        %add3A_873 = arith.addf %add3A_862, %get3A_872 : vector<16xf32>
        %scan3A_874 = arith.constant 3 : i32
        %scan3A_875 = arith.addi %scan3A_841, %scan3A_874 : i32
        %add3A_876 = arith.constant 0 : i32
        %add3A_877 = arith.addi %add3A_876, %scan3A_875 : i32
        %get3A_878 = arith.constant 5 : i32
        %get3A_879 = arith.index_cast %get3A_878 : i32 to index
        %get3A_880 = arith.index_cast %add3A_877 : i32 to index
        %get3A_881 = arith.constant 0 : index
        %get3A_882 = tpu.vector_load %arg6[%get3A_879, %get3A_880, %get3A_881] {strides = array<i32>} : memref<8x100x16xf32, #tpu.memory_space<vmem>>, vector<1x1x16xf32>,
        %get3A_883 = vector.shape_cast %get3A_882 : vector<1x1x16xf32> to vector<16xf32>
        %add3A_884 = arith.addf %add3A_873, %get3A_883 : vector<16xf32>
        scf.yield %add3A_884 : vector<16xf32>
      }
      %scan3A_584 = arith.constant 48 : i32
      %scan3A_585 = arith.addi %scan3A_579, %scan3A_584 : i32
      %add3A_586 = arith.constant 0 : i32
      %add3A_587 = arith.addi %add3A_586, %scan3A_585 : i32
      %get3A_588 = arith.constant 5 : i32
      %get3A_589 = arith.index_cast %get3A_588 : i32 to index
      %get3A_590 = arith.index_cast %add3A_587 : i32 to index
      %get3A_591 = arith.constant 0 : index
      %get3A_592 = tpu.vector_load %arg6[%get3A_589, %get3A_590, %get3A_591] {strides = array<i32>} : memref<8x100x16xf32, #tpu.memory_space<vmem>>, vector<1x1x16xf32>,
      %get3A_593 = vector.shape_cast %get3A_592 : vector<1x1x16xf32> to vector<16xf32>
      %add3A_594 = arith.addf %scan3A_583, %get3A_593 : vector<16xf32>
      %scan3A_595 = arith.constant 49 : i32
      %scan3A_596 = arith.addi %scan3A_579, %scan3A_595 : i32
      %add3A_597 = arith.constant 0 : i32
      %add3A_598 = arith.addi %add3A_597, %scan3A_596 : i32
      %get3A_599 = arith.constant 5 : i32
      %get3A_600 = arith.index_cast %get3A_599 : i32 to index
      %get3A_601 = arith.index_cast %add3A_598 : i32 to index
      %get3A_602 = arith.constant 0 : index
      %get3A_603 = tpu.vector_load %arg6[%get3A_600, %get3A_601, %get3A_602] {strides = array<i32>} : memref<8x100x16xf32, #tpu.memory_space<vmem>>, vector<1x1x16xf32>,
      %get3A_604 = vector.shape_cast %get3A_603 : vector<1x1x16xf32> to vector<16xf32>
      %add3A_605 = arith.addf %add3A_594, %get3A_604 : vector<16xf32>
      %scan3A_606 = arith.constant 50 : i32
      %scan3A_607 = arith.constant 0 : i32
      %scan3A_608 = arith.constant 48 : i32
      %scan3A_609 = arith.addi %scan3A_607, %scan3A_608 : i32
      %scan3A_610 = arith.constant 4 : i32
      %scan3A_611 = scf.for %scan3A_841 = %scan3A_607 to %scan3A_609 step %scan3A_610 iter_args(%scan3A_842 = %broadcast_in_dim3A_98) -> (vector<16xf32>)  : i32 {
        %add3A_843 = arith.constant 50 : i32
        %add3A_844 = arith.addi %add3A_843, %scan3A_841 : i32
        %get3A_845 = arith.constant 5 : i32
        %get3A_846 = arith.index_cast %get3A_845 : i32 to index
        %get3A_847 = arith.index_cast %add3A_844 : i32 to index
        %get3A_848 = arith.constant 0 : index
        %get3A_849 = tpu.vector_load %arg6[%get3A_846, %get3A_847, %get3A_848] {strides = array<i32>} : memref<8x100x16xf32, #tpu.memory_space<vmem>>, vector<1x1x16xf32>,
        %get3A_850 = vector.shape_cast %get3A_849 : vector<1x1x16xf32> to vector<16xf32>
        %add3A_851 = arith.addf %scan3A_842, %get3A_850 : vector<16xf32>
        %scan3A_852 = arith.constant 1 : i32
        %scan3A_853 = arith.addi %scan3A_841, %scan3A_852 : i32
        %add3A_854 = arith.constant 50 : i32
        %add3A_855 = arith.addi %add3A_854, %scan3A_853 : i32
        %get3A_856 = arith.constant 5 : i32
        %get3A_857 = arith.index_cast %get3A_856 : i32 to index
        %get3A_858 = arith.index_cast %add3A_855 : i32 to index
        %get3A_859 = arith.constant 0 : index
        %get3A_860 = tpu.vector_load %arg6[%get3A_857, %get3A_858, %get3A_859] {strides = array<i32>} : memref<8x100x16xf32, #tpu.memory_space<vmem>>, vector<1x1x16xf32>,
        %get3A_861 = vector.shape_cast %get3A_860 : vector<1x1x16xf32> to vector<16xf32>
        %add3A_862 = arith.addf %add3A_851, %get3A_861 : vector<16xf32>
        %scan3A_863 = arith.constant 2 : i32
        %scan3A_864 = arith.addi %scan3A_841, %scan3A_863 : i32
        %add3A_865 = arith.constant 50 : i32
        %add3A_866 = arith.addi %add3A_865, %scan3A_864 : i32
        %get3A_867 = arith.constant 5 : i32
        %get3A_868 = arith.index_cast %get3A_867 : i32 to index
        %get3A_869 = arith.index_cast %add3A_866 : i32 to index
        %get3A_870 = arith.constant 0 : index
        %get3A_871 = tpu.vector_load %arg6[%get3A_868, %get3A_869, %get3A_870] {strides = array<i32>} : memref<8x100x16xf32, #tpu.memory_space<vmem>>, vector<1x1x16xf32>,
        %get3A_872 = vector.shape_cast %get3A_871 : vector<1x1x16xf32> to vector<16xf32>
        %add3A_873 = arith.addf %add3A_862, %get3A_872 : vector<16xf32>
        %scan3A_874 = arith.constant 3 : i32
        %scan3A_875 = arith.addi %scan3A_841, %scan3A_874 : i32
        %add3A_876 = arith.constant 50 : i32
        %add3A_877 = arith.addi %add3A_876, %scan3A_875 : i32
        %get3A_878 = arith.constant 5 : i32
        %get3A_879 = arith.index_cast %get3A_878 : i32 to index
        %get3A_880 = arith.index_cast %add3A_877 : i32 to index
        %get3A_881 = arith.constant 0 : index
        %get3A_882 = tpu.vector_load %arg6[%get3A_879, %get3A_880, %get3A_881] {strides = array<i32>} : memref<8x100x16xf32, #tpu.memory_space<vmem>>, vector<1x1x16xf32>,
        %get3A_883 = vector.shape_cast %get3A_882 : vector<1x1x16xf32> to vector<16xf32>
        %add3A_884 = arith.addf %add3A_873, %get3A_883 : vector<16xf32>
        scf.yield %add3A_884 : vector<16xf32>
      }
      %scan3A_612 = arith.constant 48 : i32
      %scan3A_613 = arith.addi %scan3A_607, %scan3A_612 : i32
      %add3A_614 = arith.constant 50 : i32
      %add3A_615 = arith.addi %add3A_614, %scan3A_613 : i32
      %get3A_616 = arith.constant 5 : i32
      %get3A_617 = arith.index_cast %get3A_616 : i32 to index
      %get3A_618 = arith.index_cast %add3A_615 : i32 to index
      %get3A_619 = arith.constant 0 : index
      %get3A_620 = tpu.vector_load %arg6[%get3A_617, %get3A_618, %get3A_619] {strides = array<i32>} : memref<8x100x16xf32, #tpu.memory_space<vmem>>, vector<1x1x16xf32>,
      %get3A_621 = vector.shape_cast %get3A_620 : vector<1x1x16xf32> to vector<16xf32>
      %add3A_622 = arith.addf %scan3A_611, %get3A_621 : vector<16xf32>
      %scan3A_623 = arith.constant 49 : i32
      %scan3A_624 = arith.addi %scan3A_607, %scan3A_623 : i32
      %add3A_625 = arith.constant 50 : i32
      %add3A_626 = arith.addi %add3A_625, %scan3A_624 : i32
      %get3A_627 = arith.constant 5 : i32
      %get3A_628 = arith.index_cast %get3A_627 : i32 to index
      %get3A_629 = arith.index_cast %add3A_626 : i32 to index
      %get3A_630 = arith.constant 0 : index
      %get3A_631 = tpu.vector_load %arg6[%get3A_628, %get3A_629, %get3A_630] {strides = array<i32>} : memref<8x100x16xf32, #tpu.memory_space<vmem>>, vector<1x1x16xf32>,
      %get3A_632 = vector.shape_cast %get3A_631 : vector<1x1x16xf32> to vector<16xf32>
      %add3A_633 = arith.addf %add3A_622, %get3A_632 : vector<16xf32>
      %scan3A_634 = arith.constant 50 : i32
      %broadcast_in_dim3A_635 = vector.shape_cast %rem3A_102 : vector<16xi32> to vector<16x1xi32>
      %gather3A_636 = vector.shape_cast %broadcast_in_dim3A_635 : vector<16x1xi32> to vector<16xi32>
      %gather3A_637 = tpu.dynamic_gather %add3A_633[%gather3A_636] in [0] : vector<16xf32>, vector<16xi32> -> vector<16xf32>
      %select_n3A_638 = arith.select %lt3A_100, %add3A_605, %gather3A_637 : vector<16xi1>, vector<16xf32>
      %shift_right_logical3A_639 = arith.constant 3 : i32
      %shift_right_logical3A_640 = arith.shrui %add3A_566, %shift_right_logical3A_639 : i32
      %and3A_641 = arith.constant 7 : i32
      %and3A_642 = arith.andi %add3A_566, %and3A_641 : i32
      %mul3A_643 = arith.constant 16 : i32
      %mul3A_644 = arith.muli %and3A_642, %mul3A_643 : i32
      %swap3A_645 = arith.index_cast %shift_right_logical3A_640 : i32 to index
      %swap3A_646 = arith.index_cast %mul3A_644 : i32 to index
      %swap3A_647 = tpu.vector_load %arg7[%swap3A_645, %swap3A_646] {strides = array<i32>} : memref<32x128xf32, #tpu.memory_space<vmem>>, vector<1x16xf32>,
      %swap3A_648 = vector.shape_cast %swap3A_647 : vector<1x16xf32> to vector<16xf32>
      %swap3A_649 = vector.shape_cast %select_n3A_638 : vector<16xf32> to vector<1x16xf32>
      tpu.vector_store %arg7[%swap3A_645, %swap3A_646], %swap3A_649 {strides = array<i32>} : memref<32x128xf32, #tpu.memory_space<vmem>>, vector<1x16xf32>,
      %add3A_650 = arith.constant 8 : i32
      %add3A_651 = arith.addi %add3A_566, %add3A_650 : i32
      %lt3A_652 = arith.constant 256 : i32
      %lt3A_653 = arith.cmpi slt, %add3A_651, %lt3A_652 : i32
      %convert_element_type3A_654 = arith.extui %lt3A_653 : i1 to i32
      %cond3A_655 = arith.constant 0 : i32
      %cond3A_656 = arith.cmpi ne, %convert_element_type3A_654, %cond3A_655 : i32
      scf.if %cond3A_656 {
        %add3A_841 = arith.constant 8 : i32
        %add3A_842 = arith.addi %add3A_566, %add3A_841 : i32
        %dma_start3A_843 = arith.constant 5 : i32
        %dma_start3A_844 = arith.constant 0 : i32
        %dma_start3A_845 = arith.constant 0 : i32
        %dma_start3A_846 = tpu.memref_slice %arg6[%dma_start3A_843, %dma_start3A_844, %dma_start3A_845] : memref<8x100x16xf32, #tpu.memory_space<vmem>> -> memref<1x100x16xf32, #tpu.memory_space<vmem>>
        %dma_start3A_847 = tpu.memref_squeeze %dma_start3A_846 : memref<1x100x16xf32, #tpu.memory_space<vmem>> -> memref<100x16xf32, #tpu.memory_space<vmem>>
        %dma_start3A_848 = arith.constant 0 : i32
        %dma_start3A_849 = tpu.memref_slice %arg5[%add3A_842, %dma_start3A_848] : memref<256x100xi32, #tpu.memory_space<vmem>> -> memref<1x100xi32, #tpu.memory_space<vmem>>
        %dma_start3A_850 = tpu.memref_squeeze %dma_start3A_849 : memref<1x100xi32, #tpu.memory_space<vmem>> -> memref<100xi32, #tpu.memory_space<vmem>>
        %dma_start3A_851 = arith.constant 0 : i32
        %dma_start3A_852 = arith.constant 0 : i32
        %dma_start3A_853 = tpu.memref_slice %arg3[%dma_start3A_851, %dma_start3A_852] : memref<1048576x16xf32, #tpu.memory_space<hbm>> -> memref<1048576x16xf32, #tpu.memory_space<hbm>>
        tpu.enqueue_indirect_dma source(%dma_start3A_853 : memref<1048576x16xf32, #tpu.memory_space<hbm>>) target(%dma_start3A_847 : memref<100x16xf32, #tpu.memory_space<vmem>>) offsets(%dma_start3A_850 : memref<100xi32, #tpu.memory_space<vmem>>) semaphore(%arg13 : memref<!tpu.dma_semaphore, #tpu.memory_space<semaphore_mem>>)
      } else {
      }
      %add3A_657 = arith.constant 6 : i32
      %add3A_658 = arith.addi %add3A_113, %add3A_657 : i32
      %dma_wait3A_659 = arith.constant 0 : i32
      %dma_wait3A_660 = arith.constant 6 : i32
      %dma_wait3A_661 = arith.constant 0 : i32
      %dma_wait3A_662 = arith.constant 0 : i32
      %dma_wait3A_663 = tpu.memref_slice %arg6[%dma_wait3A_660, %dma_wait3A_661, %dma_wait3A_662] : memref<8x100x16xf32, #tpu.memory_space<vmem>> -> memref<1x100x16xf32, #tpu.memory_space<vmem>>
      %dma_wait3A_664 = tpu.memref_squeeze %dma_wait3A_663 : memref<1x100x16xf32, #tpu.memory_space<vmem>> -> memref<100x16xf32, #tpu.memory_space<vmem>>
      %dma_wait3A_665 = arith.constant 0 : i32
      %dma_wait3A_666 = tpu.memref_slice %arg5[%dma_wait3A_659, %dma_wait3A_665] : memref<256x100xi32, #tpu.memory_space<vmem>> -> memref<1x100xi32, #tpu.memory_space<vmem>>
      %dma_wait3A_667 = tpu.memref_squeeze %dma_wait3A_666 : memref<1x100xi32, #tpu.memory_space<vmem>> -> memref<100xi32, #tpu.memory_space<vmem>>
      %dma_wait3A_668 = arith.constant 0 : i32
      %dma_wait3A_669 = arith.constant 0 : i32
      %dma_wait3A_670 = tpu.memref_slice %arg3[%dma_wait3A_668, %dma_wait3A_669] : memref<1048576x16xf32, #tpu.memory_space<hbm>> -> memref<1048576x16xf32, #tpu.memory_space<hbm>>
      tpu.wait_indirect_dma semaphore(%arg14 : memref<!tpu.dma_semaphore, #tpu.memory_space<semaphore_mem>>) src(%dma_wait3A_670 : memref<1048576x16xf32, #tpu.memory_space<hbm>>) dst(%dma_wait3A_664 : memref<100x16xf32, #tpu.memory_space<vmem>>)
      %scan3A_671 = arith.constant 0 : i32
      %scan3A_672 = arith.constant 48 : i32
      %scan3A_673 = arith.addi %scan3A_671, %scan3A_672 : i32
      %scan3A_674 = arith.constant 4 : i32
      %scan3A_675 = scf.for %scan3A_841 = %scan3A_671 to %scan3A_673 step %scan3A_674 iter_args(%scan3A_842 = %broadcast_in_dim3A_98) -> (vector<16xf32>)  : i32 {
        %add3A_843 = arith.constant 0 : i32
        %add3A_844 = arith.addi %add3A_843, %scan3A_841 : i32
        %get3A_845 = arith.constant 6 : i32
        %get3A_846 = arith.index_cast %get3A_845 : i32 to index
        %get3A_847 = arith.index_cast %add3A_844 : i32 to index
        %get3A_848 = arith.constant 0 : index
        %get3A_849 = tpu.vector_load %arg6[%get3A_846, %get3A_847, %get3A_848] {strides = array<i32>} : memref<8x100x16xf32, #tpu.memory_space<vmem>>, vector<1x1x16xf32>,
        %get3A_850 = vector.shape_cast %get3A_849 : vector<1x1x16xf32> to vector<16xf32>
        %add3A_851 = arith.addf %scan3A_842, %get3A_850 : vector<16xf32>
        %scan3A_852 = arith.constant 1 : i32
        %scan3A_853 = arith.addi %scan3A_841, %scan3A_852 : i32
        %add3A_854 = arith.constant 0 : i32
        %add3A_855 = arith.addi %add3A_854, %scan3A_853 : i32
        %get3A_856 = arith.constant 6 : i32
        %get3A_857 = arith.index_cast %get3A_856 : i32 to index
        %get3A_858 = arith.index_cast %add3A_855 : i32 to index
        %get3A_859 = arith.constant 0 : index
        %get3A_860 = tpu.vector_load %arg6[%get3A_857, %get3A_858, %get3A_859] {strides = array<i32>} : memref<8x100x16xf32, #tpu.memory_space<vmem>>, vector<1x1x16xf32>,
        %get3A_861 = vector.shape_cast %get3A_860 : vector<1x1x16xf32> to vector<16xf32>
        %add3A_862 = arith.addf %add3A_851, %get3A_861 : vector<16xf32>
        %scan3A_863 = arith.constant 2 : i32
        %scan3A_864 = arith.addi %scan3A_841, %scan3A_863 : i32
        %add3A_865 = arith.constant 0 : i32
        %add3A_866 = arith.addi %add3A_865, %scan3A_864 : i32
        %get3A_867 = arith.constant 6 : i32
        %get3A_868 = arith.index_cast %get3A_867 : i32 to index
        %get3A_869 = arith.index_cast %add3A_866 : i32 to index
        %get3A_870 = arith.constant 0 : index
        %get3A_871 = tpu.vector_load %arg6[%get3A_868, %get3A_869, %get3A_870] {strides = array<i32>} : memref<8x100x16xf32, #tpu.memory_space<vmem>>, vector<1x1x16xf32>,
        %get3A_872 = vector.shape_cast %get3A_871 : vector<1x1x16xf32> to vector<16xf32>
        %add3A_873 = arith.addf %add3A_862, %get3A_872 : vector<16xf32>
        %scan3A_874 = arith.constant 3 : i32
        %scan3A_875 = arith.addi %scan3A_841, %scan3A_874 : i32
        %add3A_876 = arith.constant 0 : i32
        %add3A_877 = arith.addi %add3A_876, %scan3A_875 : i32
        %get3A_878 = arith.constant 6 : i32
        %get3A_879 = arith.index_cast %get3A_878 : i32 to index
        %get3A_880 = arith.index_cast %add3A_877 : i32 to index
        %get3A_881 = arith.constant 0 : index
        %get3A_882 = tpu.vector_load %arg6[%get3A_879, %get3A_880, %get3A_881] {strides = array<i32>} : memref<8x100x16xf32, #tpu.memory_space<vmem>>, vector<1x1x16xf32>,
        %get3A_883 = vector.shape_cast %get3A_882 : vector<1x1x16xf32> to vector<16xf32>
        %add3A_884 = arith.addf %add3A_873, %get3A_883 : vector<16xf32>
        scf.yield %add3A_884 : vector<16xf32>
      }
      %scan3A_676 = arith.constant 48 : i32
      %scan3A_677 = arith.addi %scan3A_671, %scan3A_676 : i32
      %add3A_678 = arith.constant 0 : i32
      %add3A_679 = arith.addi %add3A_678, %scan3A_677 : i32
      %get3A_680 = arith.constant 6 : i32
      %get3A_681 = arith.index_cast %get3A_680 : i32 to index
      %get3A_682 = arith.index_cast %add3A_679 : i32 to index
      %get3A_683 = arith.constant 0 : index
      %get3A_684 = tpu.vector_load %arg6[%get3A_681, %get3A_682, %get3A_683] {strides = array<i32>} : memref<8x100x16xf32, #tpu.memory_space<vmem>>, vector<1x1x16xf32>,
      %get3A_685 = vector.shape_cast %get3A_684 : vector<1x1x16xf32> to vector<16xf32>
      %add3A_686 = arith.addf %scan3A_675, %get3A_685 : vector<16xf32>
      %scan3A_687 = arith.constant 49 : i32
      %scan3A_688 = arith.addi %scan3A_671, %scan3A_687 : i32
      %add3A_689 = arith.constant 0 : i32
      %add3A_690 = arith.addi %add3A_689, %scan3A_688 : i32
      %get3A_691 = arith.constant 6 : i32
      %get3A_692 = arith.index_cast %get3A_691 : i32 to index
      %get3A_693 = arith.index_cast %add3A_690 : i32 to index
      %get3A_694 = arith.constant 0 : index
      %get3A_695 = tpu.vector_load %arg6[%get3A_692, %get3A_693, %get3A_694] {strides = array<i32>} : memref<8x100x16xf32, #tpu.memory_space<vmem>>, vector<1x1x16xf32>,
      %get3A_696 = vector.shape_cast %get3A_695 : vector<1x1x16xf32> to vector<16xf32>
      %add3A_697 = arith.addf %add3A_686, %get3A_696 : vector<16xf32>
      %scan3A_698 = arith.constant 50 : i32
      %scan3A_699 = arith.constant 0 : i32
      %scan3A_700 = arith.constant 48 : i32
      %scan3A_701 = arith.addi %scan3A_699, %scan3A_700 : i32
      %scan3A_702 = arith.constant 4 : i32
      %scan3A_703 = scf.for %scan3A_841 = %scan3A_699 to %scan3A_701 step %scan3A_702 iter_args(%scan3A_842 = %broadcast_in_dim3A_98) -> (vector<16xf32>)  : i32 {
        %add3A_843 = arith.constant 50 : i32
        %add3A_844 = arith.addi %add3A_843, %scan3A_841 : i32
        %get3A_845 = arith.constant 6 : i32
        %get3A_846 = arith.index_cast %get3A_845 : i32 to index
        %get3A_847 = arith.index_cast %add3A_844 : i32 to index
        %get3A_848 = arith.constant 0 : index
        %get3A_849 = tpu.vector_load %arg6[%get3A_846, %get3A_847, %get3A_848] {strides = array<i32>} : memref<8x100x16xf32, #tpu.memory_space<vmem>>, vector<1x1x16xf32>,
        %get3A_850 = vector.shape_cast %get3A_849 : vector<1x1x16xf32> to vector<16xf32>
        %add3A_851 = arith.addf %scan3A_842, %get3A_850 : vector<16xf32>
        %scan3A_852 = arith.constant 1 : i32
        %scan3A_853 = arith.addi %scan3A_841, %scan3A_852 : i32
        %add3A_854 = arith.constant 50 : i32
        %add3A_855 = arith.addi %add3A_854, %scan3A_853 : i32
        %get3A_856 = arith.constant 6 : i32
        %get3A_857 = arith.index_cast %get3A_856 : i32 to index
        %get3A_858 = arith.index_cast %add3A_855 : i32 to index
        %get3A_859 = arith.constant 0 : index
        %get3A_860 = tpu.vector_load %arg6[%get3A_857, %get3A_858, %get3A_859] {strides = array<i32>} : memref<8x100x16xf32, #tpu.memory_space<vmem>>, vector<1x1x16xf32>,
        %get3A_861 = vector.shape_cast %get3A_860 : vector<1x1x16xf32> to vector<16xf32>
        %add3A_862 = arith.addf %add3A_851, %get3A_861 : vector<16xf32>
        %scan3A_863 = arith.constant 2 : i32
        %scan3A_864 = arith.addi %scan3A_841, %scan3A_863 : i32
        %add3A_865 = arith.constant 50 : i32
        %add3A_866 = arith.addi %add3A_865, %scan3A_864 : i32
        %get3A_867 = arith.constant 6 : i32
        %get3A_868 = arith.index_cast %get3A_867 : i32 to index
        %get3A_869 = arith.index_cast %add3A_866 : i32 to index
        %get3A_870 = arith.constant 0 : index
        %get3A_871 = tpu.vector_load %arg6[%get3A_868, %get3A_869, %get3A_870] {strides = array<i32>} : memref<8x100x16xf32, #tpu.memory_space<vmem>>, vector<1x1x16xf32>,
        %get3A_872 = vector.shape_cast %get3A_871 : vector<1x1x16xf32> to vector<16xf32>
        %add3A_873 = arith.addf %add3A_862, %get3A_872 : vector<16xf32>
        %scan3A_874 = arith.constant 3 : i32
        %scan3A_875 = arith.addi %scan3A_841, %scan3A_874 : i32
        %add3A_876 = arith.constant 50 : i32
        %add3A_877 = arith.addi %add3A_876, %scan3A_875 : i32
        %get3A_878 = arith.constant 6 : i32
        %get3A_879 = arith.index_cast %get3A_878 : i32 to index
        %get3A_880 = arith.index_cast %add3A_877 : i32 to index
        %get3A_881 = arith.constant 0 : index
        %get3A_882 = tpu.vector_load %arg6[%get3A_879, %get3A_880, %get3A_881] {strides = array<i32>} : memref<8x100x16xf32, #tpu.memory_space<vmem>>, vector<1x1x16xf32>,
        %get3A_883 = vector.shape_cast %get3A_882 : vector<1x1x16xf32> to vector<16xf32>
        %add3A_884 = arith.addf %add3A_873, %get3A_883 : vector<16xf32>
        scf.yield %add3A_884 : vector<16xf32>
      }
      %scan3A_704 = arith.constant 48 : i32
      %scan3A_705 = arith.addi %scan3A_699, %scan3A_704 : i32
      %add3A_706 = arith.constant 50 : i32
      %add3A_707 = arith.addi %add3A_706, %scan3A_705 : i32
      %get3A_708 = arith.constant 6 : i32
      %get3A_709 = arith.index_cast %get3A_708 : i32 to index
      %get3A_710 = arith.index_cast %add3A_707 : i32 to index
      %get3A_711 = arith.constant 0 : index
      %get3A_712 = tpu.vector_load %arg6[%get3A_709, %get3A_710, %get3A_711] {strides = array<i32>} : memref<8x100x16xf32, #tpu.memory_space<vmem>>, vector<1x1x16xf32>,
      %get3A_713 = vector.shape_cast %get3A_712 : vector<1x1x16xf32> to vector<16xf32>
      %add3A_714 = arith.addf %scan3A_703, %get3A_713 : vector<16xf32>
      %scan3A_715 = arith.constant 49 : i32
      %scan3A_716 = arith.addi %scan3A_699, %scan3A_715 : i32
      %add3A_717 = arith.constant 50 : i32
      %add3A_718 = arith.addi %add3A_717, %scan3A_716 : i32
      %get3A_719 = arith.constant 6 : i32
      %get3A_720 = arith.index_cast %get3A_719 : i32 to index
      %get3A_721 = arith.index_cast %add3A_718 : i32 to index
      %get3A_722 = arith.constant 0 : index
      %get3A_723 = tpu.vector_load %arg6[%get3A_720, %get3A_721, %get3A_722] {strides = array<i32>} : memref<8x100x16xf32, #tpu.memory_space<vmem>>, vector<1x1x16xf32>,
      %get3A_724 = vector.shape_cast %get3A_723 : vector<1x1x16xf32> to vector<16xf32>
      %add3A_725 = arith.addf %add3A_714, %get3A_724 : vector<16xf32>
      %scan3A_726 = arith.constant 50 : i32
      %broadcast_in_dim3A_727 = vector.shape_cast %rem3A_102 : vector<16xi32> to vector<16x1xi32>
      %gather3A_728 = vector.shape_cast %broadcast_in_dim3A_727 : vector<16x1xi32> to vector<16xi32>
      %gather3A_729 = tpu.dynamic_gather %add3A_725[%gather3A_728] in [0] : vector<16xf32>, vector<16xi32> -> vector<16xf32>
      %select_n3A_730 = arith.select %lt3A_100, %add3A_697, %gather3A_729 : vector<16xi1>, vector<16xf32>
      %shift_right_logical3A_731 = arith.constant 3 : i32
      %shift_right_logical3A_732 = arith.shrui %add3A_658, %shift_right_logical3A_731 : i32
      %and3A_733 = arith.constant 7 : i32
      %and3A_734 = arith.andi %add3A_658, %and3A_733 : i32
      %mul3A_735 = arith.constant 16 : i32
      %mul3A_736 = arith.muli %and3A_734, %mul3A_735 : i32
      %swap3A_737 = arith.index_cast %shift_right_logical3A_732 : i32 to index
      %swap3A_738 = arith.index_cast %mul3A_736 : i32 to index
      %swap3A_739 = tpu.vector_load %arg7[%swap3A_737, %swap3A_738] {strides = array<i32>} : memref<32x128xf32, #tpu.memory_space<vmem>>, vector<1x16xf32>,
      %swap3A_740 = vector.shape_cast %swap3A_739 : vector<1x16xf32> to vector<16xf32>
      %swap3A_741 = vector.shape_cast %select_n3A_730 : vector<16xf32> to vector<1x16xf32>
      tpu.vector_store %arg7[%swap3A_737, %swap3A_738], %swap3A_741 {strides = array<i32>} : memref<32x128xf32, #tpu.memory_space<vmem>>, vector<1x16xf32>,
      %add3A_742 = arith.constant 8 : i32
      %add3A_743 = arith.addi %add3A_658, %add3A_742 : i32
      %lt3A_744 = arith.constant 256 : i32
      %lt3A_745 = arith.cmpi slt, %add3A_743, %lt3A_744 : i32
      %convert_element_type3A_746 = arith.extui %lt3A_745 : i1 to i32
      %cond3A_747 = arith.constant 0 : i32
      %cond3A_748 = arith.cmpi ne, %convert_element_type3A_746, %cond3A_747 : i32
      scf.if %cond3A_748 {
        %add3A_841 = arith.constant 8 : i32
        %add3A_842 = arith.addi %add3A_658, %add3A_841 : i32
        %dma_start3A_843 = arith.constant 6 : i32
        %dma_start3A_844 = arith.constant 0 : i32
        %dma_start3A_845 = arith.constant 0 : i32
        %dma_start3A_846 = tpu.memref_slice %arg6[%dma_start3A_843, %dma_start3A_844, %dma_start3A_845] : memref<8x100x16xf32, #tpu.memory_space<vmem>> -> memref<1x100x16xf32, #tpu.memory_space<vmem>>
        %dma_start3A_847 = tpu.memref_squeeze %dma_start3A_846 : memref<1x100x16xf32, #tpu.memory_space<vmem>> -> memref<100x16xf32, #tpu.memory_space<vmem>>
        %dma_start3A_848 = arith.constant 0 : i32
        %dma_start3A_849 = tpu.memref_slice %arg5[%add3A_842, %dma_start3A_848] : memref<256x100xi32, #tpu.memory_space<vmem>> -> memref<1x100xi32, #tpu.memory_space<vmem>>
        %dma_start3A_850 = tpu.memref_squeeze %dma_start3A_849 : memref<1x100xi32, #tpu.memory_space<vmem>> -> memref<100xi32, #tpu.memory_space<vmem>>
        %dma_start3A_851 = arith.constant 0 : i32
        %dma_start3A_852 = arith.constant 0 : i32
        %dma_start3A_853 = tpu.memref_slice %arg3[%dma_start3A_851, %dma_start3A_852] : memref<1048576x16xf32, #tpu.memory_space<hbm>> -> memref<1048576x16xf32, #tpu.memory_space<hbm>>
        tpu.enqueue_indirect_dma source(%dma_start3A_853 : memref<1048576x16xf32, #tpu.memory_space<hbm>>) target(%dma_start3A_847 : memref<100x16xf32, #tpu.memory_space<vmem>>) offsets(%dma_start3A_850 : memref<100xi32, #tpu.memory_space<vmem>>) semaphore(%arg14 : memref<!tpu.dma_semaphore, #tpu.memory_space<semaphore_mem>>)
      } else {
      }
      %add3A_749 = arith.constant 7 : i32
      %add3A_750 = arith.addi %add3A_113, %add3A_749 : i32
      %dma_wait3A_751 = arith.constant 0 : i32
      %dma_wait3A_752 = arith.constant 7 : i32
      %dma_wait3A_753 = arith.constant 0 : i32
      %dma_wait3A_754 = arith.constant 0 : i32
      %dma_wait3A_755 = tpu.memref_slice %arg6[%dma_wait3A_752, %dma_wait3A_753, %dma_wait3A_754] : memref<8x100x16xf32, #tpu.memory_space<vmem>> -> memref<1x100x16xf32, #tpu.memory_space<vmem>>
      %dma_wait3A_756 = tpu.memref_squeeze %dma_wait3A_755 : memref<1x100x16xf32, #tpu.memory_space<vmem>> -> memref<100x16xf32, #tpu.memory_space<vmem>>
      %dma_wait3A_757 = arith.constant 0 : i32
      %dma_wait3A_758 = tpu.memref_slice %arg5[%dma_wait3A_751, %dma_wait3A_757] : memref<256x100xi32, #tpu.memory_space<vmem>> -> memref<1x100xi32, #tpu.memory_space<vmem>>
      %dma_wait3A_759 = tpu.memref_squeeze %dma_wait3A_758 : memref<1x100xi32, #tpu.memory_space<vmem>> -> memref<100xi32, #tpu.memory_space<vmem>>
      %dma_wait3A_760 = arith.constant 0 : i32
      %dma_wait3A_761 = arith.constant 0 : i32
      %dma_wait3A_762 = tpu.memref_slice %arg3[%dma_wait3A_760, %dma_wait3A_761] : memref<1048576x16xf32, #tpu.memory_space<hbm>> -> memref<1048576x16xf32, #tpu.memory_space<hbm>>
      tpu.wait_indirect_dma semaphore(%arg15 : memref<!tpu.dma_semaphore, #tpu.memory_space<semaphore_mem>>) src(%dma_wait3A_762 : memref<1048576x16xf32, #tpu.memory_space<hbm>>) dst(%dma_wait3A_756 : memref<100x16xf32, #tpu.memory_space<vmem>>)
      %scan3A_763 = arith.constant 0 : i32
      %scan3A_764 = arith.constant 48 : i32
      %scan3A_765 = arith.addi %scan3A_763, %scan3A_764 : i32
      %scan3A_766 = arith.constant 4 : i32
      %scan3A_767 = scf.for %scan3A_841 = %scan3A_763 to %scan3A_765 step %scan3A_766 iter_args(%scan3A_842 = %broadcast_in_dim3A_98) -> (vector<16xf32>)  : i32 {
        %add3A_843 = arith.constant 0 : i32
        %add3A_844 = arith.addi %add3A_843, %scan3A_841 : i32
        %get3A_845 = arith.constant 7 : i32
        %get3A_846 = arith.index_cast %get3A_845 : i32 to index
        %get3A_847 = arith.index_cast %add3A_844 : i32 to index
        %get3A_848 = arith.constant 0 : index
        %get3A_849 = tpu.vector_load %arg6[%get3A_846, %get3A_847, %get3A_848] {strides = array<i32>} : memref<8x100x16xf32, #tpu.memory_space<vmem>>, vector<1x1x16xf32>,
        %get3A_850 = vector.shape_cast %get3A_849 : vector<1x1x16xf32> to vector<16xf32>
        %add3A_851 = arith.addf %scan3A_842, %get3A_850 : vector<16xf32>
        %scan3A_852 = arith.constant 1 : i32
        %scan3A_853 = arith.addi %scan3A_841, %scan3A_852 : i32
        %add3A_854 = arith.constant 0 : i32
        %add3A_855 = arith.addi %add3A_854, %scan3A_853 : i32
        %get3A_856 = arith.constant 7 : i32
        %get3A_857 = arith.index_cast %get3A_856 : i32 to index
        %get3A_858 = arith.index_cast %add3A_855 : i32 to index
        %get3A_859 = arith.constant 0 : index
        %get3A_860 = tpu.vector_load %arg6[%get3A_857, %get3A_858, %get3A_859] {strides = array<i32>} : memref<8x100x16xf32, #tpu.memory_space<vmem>>, vector<1x1x16xf32>,
        %get3A_861 = vector.shape_cast %get3A_860 : vector<1x1x16xf32> to vector<16xf32>
        %add3A_862 = arith.addf %add3A_851, %get3A_861 : vector<16xf32>
        %scan3A_863 = arith.constant 2 : i32
        %scan3A_864 = arith.addi %scan3A_841, %scan3A_863 : i32
        %add3A_865 = arith.constant 0 : i32
        %add3A_866 = arith.addi %add3A_865, %scan3A_864 : i32
        %get3A_867 = arith.constant 7 : i32
        %get3A_868 = arith.index_cast %get3A_867 : i32 to index
        %get3A_869 = arith.index_cast %add3A_866 : i32 to index
        %get3A_870 = arith.constant 0 : index
        %get3A_871 = tpu.vector_load %arg6[%get3A_868, %get3A_869, %get3A_870] {strides = array<i32>} : memref<8x100x16xf32, #tpu.memory_space<vmem>>, vector<1x1x16xf32>,
        %get3A_872 = vector.shape_cast %get3A_871 : vector<1x1x16xf32> to vector<16xf32>
        %add3A_873 = arith.addf %add3A_862, %get3A_872 : vector<16xf32>
        %scan3A_874 = arith.constant 3 : i32
        %scan3A_875 = arith.addi %scan3A_841, %scan3A_874 : i32
        %add3A_876 = arith.constant 0 : i32
        %add3A_877 = arith.addi %add3A_876, %scan3A_875 : i32
        %get3A_878 = arith.constant 7 : i32
        %get3A_879 = arith.index_cast %get3A_878 : i32 to index
        %get3A_880 = arith.index_cast %add3A_877 : i32 to index
        %get3A_881 = arith.constant 0 : index
        %get3A_882 = tpu.vector_load %arg6[%get3A_879, %get3A_880, %get3A_881] {strides = array<i32>} : memref<8x100x16xf32, #tpu.memory_space<vmem>>, vector<1x1x16xf32>,
        %get3A_883 = vector.shape_cast %get3A_882 : vector<1x1x16xf32> to vector<16xf32>
        %add3A_884 = arith.addf %add3A_873, %get3A_883 : vector<16xf32>
        scf.yield %add3A_884 : vector<16xf32>
      }
      %scan3A_768 = arith.constant 48 : i32
      %scan3A_769 = arith.addi %scan3A_763, %scan3A_768 : i32
      %add3A_770 = arith.constant 0 : i32
      %add3A_771 = arith.addi %add3A_770, %scan3A_769 : i32
      %get3A_772 = arith.constant 7 : i32
      %get3A_773 = arith.index_cast %get3A_772 : i32 to index
      %get3A_774 = arith.index_cast %add3A_771 : i32 to index
      %get3A_775 = arith.constant 0 : index
      %get3A_776 = tpu.vector_load %arg6[%get3A_773, %get3A_774, %get3A_775] {strides = array<i32>} : memref<8x100x16xf32, #tpu.memory_space<vmem>>, vector<1x1x16xf32>,
      %get3A_777 = vector.shape_cast %get3A_776 : vector<1x1x16xf32> to vector<16xf32>
      %add3A_778 = arith.addf %scan3A_767, %get3A_777 : vector<16xf32>
      %scan3A_779 = arith.constant 49 : i32
      %scan3A_780 = arith.addi %scan3A_763, %scan3A_779 : i32
      %add3A_781 = arith.constant 0 : i32
      %add3A_782 = arith.addi %add3A_781, %scan3A_780 : i32
      %get3A_783 = arith.constant 7 : i32
      %get3A_784 = arith.index_cast %get3A_783 : i32 to index
      %get3A_785 = arith.index_cast %add3A_782 : i32 to index
      %get3A_786 = arith.constant 0 : index
      %get3A_787 = tpu.vector_load %arg6[%get3A_784, %get3A_785, %get3A_786] {strides = array<i32>} : memref<8x100x16xf32, #tpu.memory_space<vmem>>, vector<1x1x16xf32>,
      %get3A_788 = vector.shape_cast %get3A_787 : vector<1x1x16xf32> to vector<16xf32>
      %add3A_789 = arith.addf %add3A_778, %get3A_788 : vector<16xf32>
      %scan3A_790 = arith.constant 50 : i32
      %scan3A_791 = arith.constant 0 : i32
      %scan3A_792 = arith.constant 48 : i32
      %scan3A_793 = arith.addi %scan3A_791, %scan3A_792 : i32
      %scan3A_794 = arith.constant 4 : i32
      %scan3A_795 = scf.for %scan3A_841 = %scan3A_791 to %scan3A_793 step %scan3A_794 iter_args(%scan3A_842 = %broadcast_in_dim3A_98) -> (vector<16xf32>)  : i32 {
        %add3A_843 = arith.constant 50 : i32
        %add3A_844 = arith.addi %add3A_843, %scan3A_841 : i32
        %get3A_845 = arith.constant 7 : i32
        %get3A_846 = arith.index_cast %get3A_845 : i32 to index
        %get3A_847 = arith.index_cast %add3A_844 : i32 to index
        %get3A_848 = arith.constant 0 : index
        %get3A_849 = tpu.vector_load %arg6[%get3A_846, %get3A_847, %get3A_848] {strides = array<i32>} : memref<8x100x16xf32, #tpu.memory_space<vmem>>, vector<1x1x16xf32>,
        %get3A_850 = vector.shape_cast %get3A_849 : vector<1x1x16xf32> to vector<16xf32>
        %add3A_851 = arith.addf %scan3A_842, %get3A_850 : vector<16xf32>
        %scan3A_852 = arith.constant 1 : i32
        %scan3A_853 = arith.addi %scan3A_841, %scan3A_852 : i32
        %add3A_854 = arith.constant 50 : i32
        %add3A_855 = arith.addi %add3A_854, %scan3A_853 : i32
        %get3A_856 = arith.constant 7 : i32
        %get3A_857 = arith.index_cast %get3A_856 : i32 to index
        %get3A_858 = arith.index_cast %add3A_855 : i32 to index
        %get3A_859 = arith.constant 0 : index
        %get3A_860 = tpu.vector_load %arg6[%get3A_857, %get3A_858, %get3A_859] {strides = array<i32>} : memref<8x100x16xf32, #tpu.memory_space<vmem>>, vector<1x1x16xf32>,
        %get3A_861 = vector.shape_cast %get3A_860 : vector<1x1x16xf32> to vector<16xf32>
        %add3A_862 = arith.addf %add3A_851, %get3A_861 : vector<16xf32>
        %scan3A_863 = arith.constant 2 : i32
        %scan3A_864 = arith.addi %scan3A_841, %scan3A_863 : i32
        %add3A_865 = arith.constant 50 : i32
        %add3A_866 = arith.addi %add3A_865, %scan3A_864 : i32
        %get3A_867 = arith.constant 7 : i32
        %get3A_868 = arith.index_cast %get3A_867 : i32 to index
        %get3A_869 = arith.index_cast %add3A_866 : i32 to index
        %get3A_870 = arith.constant 0 : index
        %get3A_871 = tpu.vector_load %arg6[%get3A_868, %get3A_869, %get3A_870] {strides = array<i32>} : memref<8x100x16xf32, #tpu.memory_space<vmem>>, vector<1x1x16xf32>,
        %get3A_872 = vector.shape_cast %get3A_871 : vector<1x1x16xf32> to vector<16xf32>
        %add3A_873 = arith.addf %add3A_862, %get3A_872 : vector<16xf32>
        %scan3A_874 = arith.constant 3 : i32
        %scan3A_875 = arith.addi %scan3A_841, %scan3A_874 : i32
        %add3A_876 = arith.constant 50 : i32
        %add3A_877 = arith.addi %add3A_876, %scan3A_875 : i32
        %get3A_878 = arith.constant 7 : i32
        %get3A_879 = arith.index_cast %get3A_878 : i32 to index
        %get3A_880 = arith.index_cast %add3A_877 : i32 to index
        %get3A_881 = arith.constant 0 : index
        %get3A_882 = tpu.vector_load %arg6[%get3A_879, %get3A_880, %get3A_881] {strides = array<i32>} : memref<8x100x16xf32, #tpu.memory_space<vmem>>, vector<1x1x16xf32>,
        %get3A_883 = vector.shape_cast %get3A_882 : vector<1x1x16xf32> to vector<16xf32>
        %add3A_884 = arith.addf %add3A_873, %get3A_883 : vector<16xf32>
        scf.yield %add3A_884 : vector<16xf32>
      }
      %scan3A_796 = arith.constant 48 : i32
      %scan3A_797 = arith.addi %scan3A_791, %scan3A_796 : i32
      %add3A_798 = arith.constant 50 : i32
      %add3A_799 = arith.addi %add3A_798, %scan3A_797 : i32
      %get3A_800 = arith.constant 7 : i32
      %get3A_801 = arith.index_cast %get3A_800 : i32 to index
      %get3A_802 = arith.index_cast %add3A_799 : i32 to index
      %get3A_803 = arith.constant 0 : index
      %get3A_804 = tpu.vector_load %arg6[%get3A_801, %get3A_802, %get3A_803] {strides = array<i32>} : memref<8x100x16xf32, #tpu.memory_space<vmem>>, vector<1x1x16xf32>,
      %get3A_805 = vector.shape_cast %get3A_804 : vector<1x1x16xf32> to vector<16xf32>
      %add3A_806 = arith.addf %scan3A_795, %get3A_805 : vector<16xf32>
      %scan3A_807 = arith.constant 49 : i32
      %scan3A_808 = arith.addi %scan3A_791, %scan3A_807 : i32
      %add3A_809 = arith.constant 50 : i32
      %add3A_810 = arith.addi %add3A_809, %scan3A_808 : i32
      %get3A_811 = arith.constant 7 : i32
      %get3A_812 = arith.index_cast %get3A_811 : i32 to index
      %get3A_813 = arith.index_cast %add3A_810 : i32 to index
      %get3A_814 = arith.constant 0 : index
      %get3A_815 = tpu.vector_load %arg6[%get3A_812, %get3A_813, %get3A_814] {strides = array<i32>} : memref<8x100x16xf32, #tpu.memory_space<vmem>>, vector<1x1x16xf32>,
      %get3A_816 = vector.shape_cast %get3A_815 : vector<1x1x16xf32> to vector<16xf32>
      %add3A_817 = arith.addf %add3A_806, %get3A_816 : vector<16xf32>
      %scan3A_818 = arith.constant 50 : i32
      %broadcast_in_dim3A_819 = vector.shape_cast %rem3A_102 : vector<16xi32> to vector<16x1xi32>
      %gather3A_820 = vector.shape_cast %broadcast_in_dim3A_819 : vector<16x1xi32> to vector<16xi32>
      %gather3A_821 = tpu.dynamic_gather %add3A_817[%gather3A_820] in [0] : vector<16xf32>, vector<16xi32> -> vector<16xf32>
      %select_n3A_822 = arith.select %lt3A_100, %add3A_789, %gather3A_821 : vector<16xi1>, vector<16xf32>
      %shift_right_logical3A_823 = arith.constant 3 : i32
      %shift_right_logical3A_824 = arith.shrui %add3A_750, %shift_right_logical3A_823 : i32
      %and3A_825 = arith.constant 7 : i32
      %and3A_826 = arith.andi %add3A_750, %and3A_825 : i32
      %mul3A_827 = arith.constant 16 : i32
      %mul3A_828 = arith.muli %and3A_826, %mul3A_827 : i32
      %swap3A_829 = arith.index_cast %shift_right_logical3A_824 : i32 to index
      %swap3A_830 = arith.index_cast %mul3A_828 : i32 to index
      %swap3A_831 = tpu.vector_load %arg7[%swap3A_829, %swap3A_830] {strides = array<i32>} : memref<32x128xf32, #tpu.memory_space<vmem>>, vector<1x16xf32>,
      %swap3A_832 = vector.shape_cast %swap3A_831 : vector<1x16xf32> to vector<16xf32>
      %swap3A_833 = vector.shape_cast %select_n3A_822 : vector<16xf32> to vector<1x16xf32>
      tpu.vector_store %arg7[%swap3A_829, %swap3A_830], %swap3A_833 {strides = array<i32>} : memref<32x128xf32, #tpu.memory_space<vmem>>, vector<1x16xf32>,
      %add3A_834 = arith.constant 8 : i32
      %add3A_835 = arith.addi %add3A_750, %add3A_834 : i32
      %lt3A_836 = arith.constant 256 : i32
      %lt3A_837 = arith.cmpi slt, %add3A_835, %lt3A_836 : i32
      %convert_element_type3A_838 = arith.extui %lt3A_837 : i1 to i32
      %cond3A_839 = arith.constant 0 : i32
      %cond3A_840 = arith.cmpi ne, %convert_element_type3A_838, %cond3A_839 : i32
      scf.if %cond3A_840 {
        %add3A_841 = arith.constant 8 : i32
        %add3A_842 = arith.addi %add3A_750, %add3A_841 : i32
        %dma_start3A_843 = arith.constant 7 : i32
        %dma_start3A_844 = arith.constant 0 : i32
        %dma_start3A_845 = arith.constant 0 : i32
        %dma_start3A_846 = tpu.memref_slice %arg6[%dma_start3A_843, %dma_start3A_844, %dma_start3A_845] : memref<8x100x16xf32, #tpu.memory_space<vmem>> -> memref<1x100x16xf32, #tpu.memory_space<vmem>>
        %dma_start3A_847 = tpu.memref_squeeze %dma_start3A_846 : memref<1x100x16xf32, #tpu.memory_space<vmem>> -> memref<100x16xf32, #tpu.memory_space<vmem>>
        %dma_start3A_848 = arith.constant 0 : i32
        %dma_start3A_849 = tpu.memref_slice %arg5[%add3A_842, %dma_start3A_848] : memref<256x100xi32, #tpu.memory_space<vmem>> -> memref<1x100xi32, #tpu.memory_space<vmem>>
        %dma_start3A_850 = tpu.memref_squeeze %dma_start3A_849 : memref<1x100xi32, #tpu.memory_space<vmem>> -> memref<100xi32, #tpu.memory_space<vmem>>
        %dma_start3A_851 = arith.constant 0 : i32
        %dma_start3A_852 = arith.constant 0 : i32
        %dma_start3A_853 = tpu.memref_slice %arg3[%dma_start3A_851, %dma_start3A_852] : memref<1048576x16xf32, #tpu.memory_space<hbm>> -> memref<1048576x16xf32, #tpu.memory_space<hbm>>
        tpu.enqueue_indirect_dma source(%dma_start3A_853 : memref<1048576x16xf32, #tpu.memory_space<hbm>>) target(%dma_start3A_847 : memref<100x16xf32, #tpu.memory_space<vmem>>) offsets(%dma_start3A_850 : memref<100xi32, #tpu.memory_space<vmem>>) semaphore(%arg15 : memref<!tpu.dma_semaphore, #tpu.memory_space<semaphore_mem>>)
      } else {
      }
    }
    %scan3A_106 = arith.constant 32 : i32
    %mul3A_107 = arith.constant 32 : i32
    %mul3A_108 = arith.muli %add3A, %mul3A_107 : i32
    "tpu.region"() ({
      %run_scoped3A = tpu.sem_alloc : memref<!tpu.dma_semaphore, #tpu.memory_space<semaphore_mem>>
      %dma_start3A_109 = arith.constant 0 : i32
      %dma_start3A_110 = tpu.memref_slice %arg4[%mul3A_108, %dma_start3A_109] : memref<1024x128xf32, #tpu.memory_space<hbm>> -> memref<32x128xf32, #tpu.memory_space<hbm>>
      %dma_start3A_111 = arith.constant 0 : i32
      %dma_start3A_112 = tpu.memref_slice %arg4[%mul3A_108, %dma_start3A_111] : memref<1024x128xf32, #tpu.memory_space<hbm>> -> memref<32x128xf32, #tpu.memory_space<hbm>>
      tpu.enqueue_dma source(%arg7 : memref<32x128xf32, #tpu.memory_space<vmem>>) target(%dma_start3A_112 : memref<32x128xf32, #tpu.memory_space<hbm>>) target_semaphore(%run_scoped3A : memref<!tpu.dma_semaphore, #tpu.memory_space<semaphore_mem>>)
      %dma_wait3A = arith.constant 0 : i32
      %dma_wait3A_113 = tpu.memref_slice %arg4[%mul3A_108, %dma_wait3A] : memref<1024x128xf32, #tpu.memory_space<hbm>> -> memref<32x128xf32, #tpu.memory_space<hbm>>
      %dma_wait3A_114 = arith.constant 0 : i32
      %dma_wait3A_115 = tpu.memref_slice %arg4[%mul3A_108, %dma_wait3A_114] : memref<1024x128xf32, #tpu.memory_space<hbm>> -> memref<32x128xf32, #tpu.memory_space<hbm>>
      tpu.wait_dma2 semaphore(%run_scoped3A : memref<!tpu.dma_semaphore, #tpu.memory_space<semaphore_mem>>) src(%arg7 : memref<32x128xf32, #tpu.memory_space<vmem>>) dst(%dma_wait3A_115 : memref<32x128xf32, #tpu.memory_space<hbm>>)
      tpu.yield
    }) : () -> ()
    return
  }
}

module attributes {stable_mosaic.version = 14 : i64} {
  func.func @_tc_proj_body(%arg0: i32, %arg1: memref<64x65536xf32, #tpu.memory_space<vmem>>, %arg2: memref<64x128xf32, #tpu.memory_space<vmem>>, %arg3: memref<1x128xf32, #tpu.memory_space<vmem>>, %arg4: memref<8192x128xf32, #tpu.memory_space<vmem>>) attributes {dimension_semantics = [#tpu.dimension_semantics<arbitrary>], iteration_bounds = array<i64: 16>, scalar_prefetch = 0 : i64, scratch_operands = 0 : i64, tpu.core_type = #tpu.core_type<tc>, window_params = [{transform_indices = @transform_0, window_bounds = array<i64: 64, 65536>}, {pipeline_mode = #tpu.pipeline_mode<synchronous>, transform_indices = @transform_1, window_bounds = array<i64: 64, 128>}, {pipeline_mode = #tpu.pipeline_mode<synchronous>, transform_indices = @transform_2, window_bounds = array<i64: 1, 128>}, {transform_indices = @transform_3, window_bounds = array<i64: 8192, 128>}]} {
    %get3A = arith.constant 0 : index
    %get3A_0 = arith.constant 0 : index
    %get3A_1 = vector.load %arg1[%get3A, %get3A_0] : memref<64x65536xf32, #tpu.memory_space<vmem>>, vector<64x65536xf32>
    %convert_element_type3A = arith.truncf %get3A_1 : vector<64x65536xf32> to vector<64x65536xbf16>
    %get3A_2 = arith.constant 0 : index
    %get3A_3 = arith.constant 0 : index
    %get3A_4 = vector.load %arg2[%get3A_2, %get3A_3] : memref<64x128xf32, #tpu.memory_space<vmem>>, vector<64x128xf32>
    %convert_element_type3A_5 = arith.truncf %get3A_4 : vector<64x128xf32> to vector<64x128xbf16>
    %dot_general3A = arith.constant dense<0.000000e+00> : vector<65536x128xf32>
    %dot_general3A_6 = tpu.matmul %convert_element_type3A, %convert_element_type3A_5, %dot_general3A {dimension_numbers = #tpu.dot_dimension_numbers<[0], [0], [1], [1], [0, 1, 1, 1], [], []>, transpose_lhs_hint = true} : vector<64x65536xbf16>, vector<64x128xbf16>, vector<65536x128xf32> -> vector<65536x128xf32>
    %get3A_7 = arith.constant 0 : index
    %get3A_8 = arith.constant 0 : index
    %get3A_9 = vector.load %arg3[%get3A_7, %get3A_8] : memref<1x128xf32, #tpu.memory_space<vmem>>, vector<1x128xf32>
    %add3A = vector.broadcast %get3A_9 : vector<1x128xf32> to vector<65536x128xf32>
    %add3A_10 = arith.addf %dot_general3A_6, %add3A : vector<65536x128xf32>
    %iota3A = tpu.iota {dimensions = array<i32: 1>} : vector<8192x128xi32>
    %shift_right_logical3A = arith.constant 4 : i32
    %shift_right_logical3A_11 = vector.broadcast %shift_right_logical3A : i32 to vector<8192x128xi32>
    %shift_right_logical3A_12 = arith.shrui %iota3A, %shift_right_logical3A_11 : vector<8192x128xi32>
    %broadcast_in_dim3A = arith.constant 0.000000e+00 : f32
    %broadcast_in_dim3A_13 = vector.broadcast %broadcast_in_dim3A : f32 to vector<8192x128xf32>
    %eq3A = arith.constant 0 : i32
    %eq3A_14 = vector.broadcast %eq3A : i32 to vector<8192x128xi32>
    %eq3A_15 = arith.cmpi eq, %shift_right_logical3A_12, %eq3A_14 : vector<8192x128xi32>
    %slice3A = vector.extract_strided_slice %add3A_10 {offsets = [0, 0], sizes = [8192, 128], strides = [1, 1]} : vector<65536x128xf32> to vector<8192x128xf32>
    %jit3A = arith.constant 0.000000e+00 : f32
    %broadcast_in_dim3A_16 = vector.broadcast %jit3A : f32 to vector<8192x128xf32>
    %select_n3A = arith.select %eq3A_15, %slice3A, %broadcast_in_dim3A_16 : vector<8192x128xi1>, vector<8192x128xf32>
    %add3A_17 = arith.addf %broadcast_in_dim3A_13, %select_n3A : vector<8192x128xf32>
    %eq3A_18 = arith.constant 1 : i32
    %eq3A_19 = vector.broadcast %eq3A_18 : i32 to vector<8192x128xi32>
    %eq3A_20 = arith.cmpi eq, %shift_right_logical3A_12, %eq3A_19 : vector<8192x128xi32>
    %slice3A_21 = vector.extract_strided_slice %add3A_10 {offsets = [8192, 0], sizes = [8192, 128], strides = [1, 1]} : vector<65536x128xf32> to vector<8192x128xf32>
    %jit3A_22 = arith.constant 0.000000e+00 : f32
    %broadcast_in_dim3A_23 = vector.broadcast %jit3A_22 : f32 to vector<8192x128xf32>
    %select_n3A_24 = arith.select %eq3A_20, %slice3A_21, %broadcast_in_dim3A_23 : vector<8192x128xi1>, vector<8192x128xf32>
    %add3A_25 = arith.addf %add3A_17, %select_n3A_24 : vector<8192x128xf32>
    %eq3A_26 = arith.constant 2 : i32
    %eq3A_27 = vector.broadcast %eq3A_26 : i32 to vector<8192x128xi32>
    %eq3A_28 = arith.cmpi eq, %shift_right_logical3A_12, %eq3A_27 : vector<8192x128xi32>
    %slice3A_29 = vector.extract_strided_slice %add3A_10 {offsets = [16384, 0], sizes = [8192, 128], strides = [1, 1]} : vector<65536x128xf32> to vector<8192x128xf32>
    %jit3A_30 = arith.constant 0.000000e+00 : f32
    %broadcast_in_dim3A_31 = vector.broadcast %jit3A_30 : f32 to vector<8192x128xf32>
    %select_n3A_32 = arith.select %eq3A_28, %slice3A_29, %broadcast_in_dim3A_31 : vector<8192x128xi1>, vector<8192x128xf32>
    %add3A_33 = arith.addf %add3A_25, %select_n3A_32 : vector<8192x128xf32>
    %eq3A_34 = arith.constant 3 : i32
    %eq3A_35 = vector.broadcast %eq3A_34 : i32 to vector<8192x128xi32>
    %eq3A_36 = arith.cmpi eq, %shift_right_logical3A_12, %eq3A_35 : vector<8192x128xi32>
    %slice3A_37 = vector.extract_strided_slice %add3A_10 {offsets = [24576, 0], sizes = [8192, 128], strides = [1, 1]} : vector<65536x128xf32> to vector<8192x128xf32>
    %jit3A_38 = arith.constant 0.000000e+00 : f32
    %broadcast_in_dim3A_39 = vector.broadcast %jit3A_38 : f32 to vector<8192x128xf32>
    %select_n3A_40 = arith.select %eq3A_36, %slice3A_37, %broadcast_in_dim3A_39 : vector<8192x128xi1>, vector<8192x128xf32>
    %add3A_41 = arith.addf %add3A_33, %select_n3A_40 : vector<8192x128xf32>
    %eq3A_42 = arith.constant 4 : i32
    %eq3A_43 = vector.broadcast %eq3A_42 : i32 to vector<8192x128xi32>
    %eq3A_44 = arith.cmpi eq, %shift_right_logical3A_12, %eq3A_43 : vector<8192x128xi32>
    %slice3A_45 = vector.extract_strided_slice %add3A_10 {offsets = [32768, 0], sizes = [8192, 128], strides = [1, 1]} : vector<65536x128xf32> to vector<8192x128xf32>
    %jit3A_46 = arith.constant 0.000000e+00 : f32
    %broadcast_in_dim3A_47 = vector.broadcast %jit3A_46 : f32 to vector<8192x128xf32>
    %select_n3A_48 = arith.select %eq3A_44, %slice3A_45, %broadcast_in_dim3A_47 : vector<8192x128xi1>, vector<8192x128xf32>
    %add3A_49 = arith.addf %add3A_41, %select_n3A_48 : vector<8192x128xf32>
    %eq3A_50 = arith.constant 5 : i32
    %eq3A_51 = vector.broadcast %eq3A_50 : i32 to vector<8192x128xi32>
    %eq3A_52 = arith.cmpi eq, %shift_right_logical3A_12, %eq3A_51 : vector<8192x128xi32>
    %slice3A_53 = vector.extract_strided_slice %add3A_10 {offsets = [40960, 0], sizes = [8192, 128], strides = [1, 1]} : vector<65536x128xf32> to vector<8192x128xf32>
    %jit3A_54 = arith.constant 0.000000e+00 : f32
    %broadcast_in_dim3A_55 = vector.broadcast %jit3A_54 : f32 to vector<8192x128xf32>
    %select_n3A_56 = arith.select %eq3A_52, %slice3A_53, %broadcast_in_dim3A_55 : vector<8192x128xi1>, vector<8192x128xf32>
    %add3A_57 = arith.addf %add3A_49, %select_n3A_56 : vector<8192x128xf32>
    %eq3A_58 = arith.constant 6 : i32
    %eq3A_59 = vector.broadcast %eq3A_58 : i32 to vector<8192x128xi32>
    %eq3A_60 = arith.cmpi eq, %shift_right_logical3A_12, %eq3A_59 : vector<8192x128xi32>
    %slice3A_61 = vector.extract_strided_slice %add3A_10 {offsets = [49152, 0], sizes = [8192, 128], strides = [1, 1]} : vector<65536x128xf32> to vector<8192x128xf32>
    %jit3A_62 = arith.constant 0.000000e+00 : f32
    %broadcast_in_dim3A_63 = vector.broadcast %jit3A_62 : f32 to vector<8192x128xf32>
    %select_n3A_64 = arith.select %eq3A_60, %slice3A_61, %broadcast_in_dim3A_63 : vector<8192x128xi1>, vector<8192x128xf32>
    %add3A_65 = arith.addf %add3A_57, %select_n3A_64 : vector<8192x128xf32>
    %eq3A_66 = arith.constant 7 : i32
    %eq3A_67 = vector.broadcast %eq3A_66 : i32 to vector<8192x128xi32>
    %eq3A_68 = arith.cmpi eq, %shift_right_logical3A_12, %eq3A_67 : vector<8192x128xi32>
    %slice3A_69 = vector.extract_strided_slice %add3A_10 {offsets = [57344, 0], sizes = [8192, 128], strides = [1, 1]} : vector<65536x128xf32> to vector<8192x128xf32>
    %jit3A_70 = arith.constant 0.000000e+00 : f32
    %broadcast_in_dim3A_71 = vector.broadcast %jit3A_70 : f32 to vector<8192x128xf32>
    %select_n3A_72 = arith.select %eq3A_68, %slice3A_69, %broadcast_in_dim3A_71 : vector<8192x128xi1>, vector<8192x128xf32>
    %add3A_73 = arith.addf %add3A_65, %select_n3A_72 : vector<8192x128xf32>
    %swap3A = arith.constant 0 : index
    %swap3A_74 = arith.constant 0 : index
    %swap3A_75 = vector.load %arg4[%swap3A, %swap3A_74] : memref<8192x128xf32, #tpu.memory_space<vmem>>, vector<8192x128xf32>
    tpu.vector_store %arg4[%swap3A, %swap3A_74], %add3A_73 {strides = array<i32>} : memref<8192x128xf32, #tpu.memory_space<vmem>>, vector<8192x128xf32>,
    return
  }
  func.func @transform_0(%arg0: i32) -> (i32, i32) {
    %c0_i32 = arith.constant 0 : i32
    %c0_i32_0 = arith.constant 0 : i32
    return %c0_i32, %arg0 : i32, i32
  }
  func.func @transform_1(%arg0: i32) -> (i32, i32) {
    %c0_i32 = arith.constant 0 : i32
    %c0_i32_0 = arith.constant 0 : i32
    %c0_i32_1 = arith.constant 0 : i32
    return %c0_i32, %c0_i32_0 : i32, i32
  }
  func.func @transform_2(%arg0: i32) -> (i32, i32) {
    %c0_i32 = arith.constant 0 : i32
    %c0_i32_0 = arith.constant 0 : i32
    %c0_i32_1 = arith.constant 0 : i32
    return %c0_i32, %c0_i32_0 : i32, i32
  }
  func.func @transform_3(%arg0: i32) -> (i32, i32) {
    %c0_i32 = arith.constant 0 : i32
    %c0_i32_0 = arith.constant 0 : i32
    return %arg0, %c0_i32 : i32, i32
  }
}

</mosaic_0001>

<sc_bundles>
// kernel: kernel.4.cloned.1.call-start
scs
__scs_entry_jumppad:
0x0: {  	(pc) =	sbr.rel $0x88, $3  }
0x1: {  	(tag) =	ssettag $0x0;
	lr =	simm.s32 $0x1  }
0x2: {  	[smem:$0x3F9D] =	sst lr;
	_ =	strace $0xD0000000  }
0x3: {  	_ = 	snop  }
0x4: {  	_ = 	snop  }
0x5: {  	_ = 	snop  }
0x6: {  	_ = 	snop  }
0x7: {  	_ = 	snop  }
__scs_overlays_trampoline_lowered:
0x8: {  	[smem:$0x3FAC] =	sst s0  }
0x9: {  	[smem:$0x3FAD] =	sst s1  }
0xa: {  	[smem:$0x3FAE] =	sst s2  }
0xb: {  	[smem:$0x3FAF] =	sst s3  }
0xc: {  	[smem:$0x3FB0] =	sst s4  }
0xd: {  	[smem:$0x3FB1] =	sst s5  }
0xe: {  	[smem:$0x3FB2] =	sst s6  }
0xf: {  	[smem:$0x3FB3] =	sst s7  }
0x10: {  	[smem:$0x3FB4] =	sst s8  }
0x11: {  	[smem:$0x3FB5] =	sst s9;
	s0 =	simm.s32 @!p0 $0x0  }
0x12: {  	s1 =	sld [smem:$0x3F9B];
	s0 =	simm.s32 @p0 $0x1  }
0x13: {  	[smem:$0x3FB6] =	sst s0;
	s0 =	simm.s32 @!p1 $0x0  }
0x14: {  	s2 =	sld [smem:$0x3F9A];
	s0 =	simm.s32 @p1 $0x1  }
0x15: {  	[smem:$0x3FB7] =	sst s0;
	s0 =	simm.s32 @!p2 $0x0  }
0x16: {  	s3 =	sld [smem:$0x3FDB];
	s0 =	simm.s32 @p2 $0x1  }
0x17: {  	s4 =	simm.s32 $0x1BF5;
	[smem:$0x3FB9] =	sst s0  }
0x18: {  	s0 =	sld [smem:$0x3F9C];
	_ =	swait.ge [sflag:s4], $0x0  }
0x19: {  	s7 =	sld [smem:$0x3F9D]  }
0x1a: {  	s8 =	sadd.s32 $0xFFFFE003, lr  }
0x1b: {  	s9 =	sadd.s32 $0xFFFFFEF7, lr;
	s5 =	simm.s32 $0xFFFFFFFF;
	p2 =	slt.u32 s8, $0xFFFFF086  }
0x1c: {  	p1 =	slt.u32 s9, $0xF7A;
	s5 =	simm.s32 @!p2 $0x0  }
0x1d: {  	s5 =	simm.s32 @p1 $0x1;
	p0 =	seq.s32 s7, s2  }
0x1e: {  	s7 =	smul.u32 @!p0 $0xF7A, s2;
	p2 =	seq.s32 @!p0 s5, $0x0  }
0x1f: {  	s9 =	smul.u32 $0xF7A, s1;
	s8 =	simm.s32 @!p0 $0x1BF5;
	p2 =	por !p2, p0  }
0x20: {  	[sflag:s8] =	ssyncset.s32 @!p0 $0xFFFFF086;
	s6 =	sadd.s32 @!p0 s3, s7;
	s7 =	simm.s32 @!p0 $0x108  }
0x21: {  	s3 =	sadd.s32 s3, s9;
	s6 =	sadd.s32 @!p0 $0x88, s6;
	s7 =	simm.s32 @p2 $0x1082  }
0x22: {  	[simem:s7], [sflag:s8] =	dma.local @!p0 [hbm:s6], $0xF7A  }
0x23: {  	s9 =	sor.u32 $0xD0000000, s2;
	s6 =	simm.s32 $0x108;
	_ =	swait.ge @!p0 [sflag:s8], $0x0  }
0x24: {  	s3 =	sadd.s32 $0x88, s3;
	s6 =	simm.s32 @!p1 $0x1082;
	[sflag:s4] =	ssyncset.s32 $0xFFFFF086  }
0x25: {  	[simem:s6], [sflag:s4] =	dma.local [hbm:s3], $0xF7A  }
0x26: {  	[smem:$0x3F9D] =	sst s1;
	(tag) =	ssettag s2;
	_ =	strace s9  }
0x27: {  	s1 =	sld [smem:$0x3FAD]  }
0x28: {  	s2 =	sld [smem:$0x3FAE]  }
0x29: {  	s4 =	sld [smem:$0x3FB0]  }
0x2a: {  	p0 =	seq.s32 s5, $0x0;
	s5 =	sld [smem:$0x3FB1]  }
0x2b: {  	s6 =	sld [smem:$0x3FB2]  }
0x2c: {  	s7 =	sld [smem:$0x3FB3]  }
0x2d: {  	s3 =	simm.s32 $0x108;
	s8 =	sld [smem:$0x3FB4]  }
0x2e: {  	s3 =	simm.s32 @!p0 $0x1082;
	s9 =	sld [smem:$0x3FB5]  }
0x2f: {  	lr =	sadd.s32 s0, s3;
	s0 =	sld [smem:$0x3FAC]  }
0x30: {  	s3 =	sld [smem:$0x3FAF]  }
0x31: {  	[smem:$0x3FB8] =	sst s10  }
0x32: {  	s10 =	sld [smem:$0x3FB6];
	_ =	sdelay $0x3  }
0x33: {  	p0 =	seq.s32 s10, $0x1;
	s10 =	sld [smem:$0x3FB8];
	_ =	sdelay $0x3  }
0x34: {  	[smem:$0x3FB8] =	sst s10  }
0x35: {  	s10 =	sld [smem:$0x3FB7];
	_ =	sdelay $0x3  }
0x36: {  	p1 =	seq.s32 s10, $0x1;
	s10 =	sld [smem:$0x3FB8];
	_ =	sdelay $0x3  }
0x37: {  	[smem:$0x3FB8] =	sst s10  }
0x38: {  	s10 =	sld [smem:$0x3FB9]  }
0x39: {  	_ = 	snop;
	(pc) =	sbr.ind lr, $3  }
0x3a: {  	_ = 	snop  }
0x3b: {  	_ = 	snop  }
0x3c: {  	p2 =	seq.s32 s10, $0x1;
	s10 =	sld [smem:$0x3FB8]  }
0x3d: {  	_ =	shalt  }
0x3e: {  	_ =	shalt  }
0x3f: {  	_ =	shalt  }
0x40: {  	_ =	shalt  }
0x41: {  	_ =	shalt  }
0x42: {  	_ =	shalt  }
0x43: {  	_ =	shalt  }
0x44: {  	_ =	shalt  }
0x45: {  	_ =	shalt  }
0x46: {  	_ =	shalt  }
0x47: {  	_ =	shalt  }
0x48: {  	_ =	shalt  }
0x49: {  	_ =	shalt  }
0x4a: {  	_ =	shalt  }
0x4b: {  	_ =	shalt  }
0x4c: {  	_ =	shalt  }
0x4d: {  	_ =	shalt  }
0x4e: {  	_ =	shalt  }
0x4f: {  	_ =	shalt  }
0x50: {  	_ =	shalt  }
0x51: {  	_ =	shalt  }
0x52: {  	_ =	shalt  }
0x53: {  	_ =	shalt  }
0x54: {  	_ =	shalt  }
0x55: {  	_ =	shalt  }
0x56: {  	_ =	shalt  }
0x57: {  	_ =	shalt  }
0x58: {  	_ =	shalt  }
0x59: {  	_ =	shalt  }
0x5a: {  	_ =	shalt  }
0x5b: {  	_ =	shalt  }
0x5c: {  	_ =	shalt  }
0x5d: {  	_ =	shalt  }
0x5e: {  	_ =	shalt  }
0x5f: {  	_ =	shalt  }
0x60: {  	_ =	shalt  }
0x61: {  	_ =	shalt  }
0x62: {  	_ =	shalt  }
0x63: {  	_ =	shalt  }
0x64: {  	_ =	shalt  }
0x65: {  	_ =	shalt  }
0x66: {  	_ =	shalt  }
0x67: {  	_ =	shalt  }
0x68: {  	_ =	shalt  }
0x69: {  	_ =	shalt  }
0x6a: {  	_ =	shalt  }
0x6b: {  	_ =	shalt  }
0x6c: {  	_ =	shalt  }
0x6d: {  	_ =	shalt  }
0x6e: {  	_ =	shalt  }
0x6f: {  	_ =	shalt  }
0x70: {  	_ =	shalt  }
0x71: {  	_ =	shalt  }
0x72: {  	_ =	shalt  }
0x73: {  	_ =	shalt  }
0x74: {  	_ =	shalt  }
0x75: {  	_ =	shalt  }
0x76: {  	_ =	shalt  }
0x77: {  	_ =	shalt  }
0x78: {  	_ =	shalt  }
0x79: {  	_ =	shalt  }
0x7a: {  	_ =	shalt  }
0x7b: {  	_ =	shalt  }
0x7c: {  	_ =	shalt  }
0x7d: {  	_ =	shalt  }
0x7e: {  	_ =	shalt  }
0x7f: {  	_ =	shalt  }
0x80: {  	_ =	shalt  }
0x81: {  	_ =	shalt  }
0x82: {  	_ =	shalt  }
0x83: {  	_ =	shalt  }
0x84: {  	_ =	shalt  }
0x85: {  	_ =	shalt  }
0x86: {  	_ =	shalt  }
0x87: {  	_ =	shalt  }
.Lfunc_end0:
.L_simem_size_0:
called_computation_lowered:
.L_overlay_start_0:
0x88: {  	s2 =	sld [smem:$0x3FD9]  }
0x89: {  	s3 =	sld [smem:$0x3FFE];
	_ =	sdelay $0x1  }
0x8a: {  	s1 =	srdreg.scid  }
0x8b: {  	s0 =	sand.u32 $0x1, s1  }
0x8c: {  	s17 =	sshll.u32 s0, $0xA;
	s2 =	sadd.s32 s3, s2  }
0x8d: {  	s2 =	sadd.s32 s2, s17  }
0x8e: {  	[smem:$0x3FC4] =	sst s2  }
0x8f: {  	_ = 	snop  }
0x90: {  	s2 =	sld [smem:$0x3FD0];
	(tm) =	ssettm $0x1  }
0x91: {  	s18 =	sld [smem:$0x3FFB];
	_ =	sdelay $0x3  }
0x92: {  	_ =	strace s18  }
0x93: {  	s3 =	sld [smem:$0x3FFC];
	_ =	sdelay $0x3  }
0x94: {  	_ =	strace s3  }
0x95: {  	s3 =	sld [smem:$0x3FFD];
	_ =	sdelay $0x3  }
0x96: {  	_ =	strace s3  }
0x97: {  	_ =	strace $0x8FFFFFFF  }
0x98: {  	s19 =	sld [smem:$0x3FDB];
	_ =	sdelay $0x1  }
0x99: {  	s4 =	simm.s32 $_scs_section_size  }
0x9a: {  	s5 =	simm.s32 $_size__tile_overlayer_lowered;
	s6 =	simm.s32 $_tile_overlayer_lowered  }
0x9b: {  	s22 =	simm.s32 $0x1BFF;
	s21 =	sshll.u32 s6, $0x1;
	s3 =	sadd.s32 s4, s19  }
0x9c: {  	s7 =	simm.s32 $0x0;
	s20 =	sshll.u32 s5, $0x1;
	s5 =	sadd.s32 s21, s3  }
0x9d: {  	[timem:s7], [sflag:s22] =	dma.local [hbm:s5], s20  }
0x9e: {  	_ =	swait.ge [sflag:s22], s20  }
0x9f: {  	s4 =	ssub.s32 $0x0, s20;
	[sflag:s22] =	ssyncset.done $0x0  }
0xa0: {  	[sflag:s22] =	ssyncadd.s32 s4;
	_ =	sdelay $0x1  }
0xa1: {  	s23 =	simm.s32 $0x1B8B  }
0xa2: {  	_ =	swait.ge [sflag:s23], $0x1  }
0xa3: {  	[sflag:s23] =	ssyncset.done $0x0  }
0xa4: {  	s25 =	simm.s32 $0x1B8E;
	s24 =	sld [smem:$0x3FFE];
	[sflag:s23] =	ssyncadd.s32 $0xFFFFFFFF  }
0xa5: {  	s26 =	simm.s32 $execute0_lowered;
	[smem:$0x3FD2] =	sst s25  }
0xa6: {  	s5 =	sshll.u32 s26, $0x1;
	_ =	strace $0x80000046;
	[dreg:$0x1] =	wrdreg $0xFFFFFFFF  }
0xa7: {  	s28 =	simm.s32 $_size_execute0_lowered;
	s3 =	sadd.s32 s3, s5;
	[dreg:$0x0] =	wrdreg $0x0  }
0xa8: {  	s5 =	sshll.u32 s28, $0x1;
	[dreg:$0x2] =	wrdreg s3  }
0xa9: {  	[dreg:$0x3] =	wrdreg s5  }
0xaa: {  	[dreg:$0x4] =	wrdreg $0xC0  }
0xab: {  	_ =	task [dreg:s7], $0x5FFFF  }
0xac: {  	[dreg:$0x1] =	wrdreg $0xFFFFFFFF  }
0xad: {  	[dreg:$0x0] =	wrdreg $0x60  }
0xae: {  	[dreg:$0x2] =	wrdreg s24  }
0xaf: {  	[dreg:$0x3] =	wrdreg s2  }
0xb0: {  	[dreg:$0x4] =	wrdreg $0x9  }
0xb1: {  	_ =	task.clear_ibuf [dreg:s7], $0x5FFFF;
	_ =	strace $0x90000046  }
0xb2: {  	s29 =	simm.s32 $0x9;
	_ =	strace $0x80000048  }
0xb3: {  	_ =	swait.ge [sflag:s29], $0x1  }
0xb4: {  	[sflag:s29] =	ssyncadd.s32 $0xFFFFFFFF  }
0xb5: {  	_ =	strace $0x90000048  }
0xb6: {  	_ =	sfence  }
0xb7: {  	s30 =	sld [smem:$0x0];
	_ =	sdelay $0x2  }
0xb8: {  	s31 =	sshll.u32 s1, $0xD;
	s1 =	sshrl.u32 s1, $0x2  }
0xb9: {  	s3 =	sand.u32 $0x4000, s31;
	s1 =	sadd.s32 s1, s30  }
0xba: {  	s0 =	sor.u32 s3, s0;
	s1 =	sshll.u32 s1, $0x11  }
0xbb: {  	s0 =	sor.u32 s1, s0  }
0xbc: {  	s0 =	sadd.s32 $0x8F2B, s0  }
0xbd: {  	[sflag:s0] =	ssyncadd.remote.s32 $0x1  }
0xbe: {  	_ =	sfence.sel $0xFFFF  }
0xbf: {  	[dreg:$0x0] =	wrdreg $0xFFFFFFFF;
	(pc) =	sbr.abs _section_cstart, $3  }
0xc0: {  	[dreg:$0x1] =	wrdreg $0xFFFFFFFF  }
0xc1: {  	_ =	task.clear_ibuf [dreg:s7], $0x2FFFF;
	_ =	strace $0x9FFFFFFF  }
0xc2: {  	(tm) =	ssettm $0x7FFFFFFF  }
0xc3: {  	_ =	shalt  }
tec
execute0_lowered:
.L_overlay_start_1:
0x0: {  	(tag) =	ssettag $0x1  }
0x1: {  	s0 =	srdreg.scid;
	s1 =	rddreg [dreg:$0x0]  }
0x2: {  	s2 =	stileid.u32;
	s5 =	rddreg [dreg:$0x1];
	s8 =	simm.s32 $0x64  }
0x3: {  	s16 =	simm.s32 $0x1A0;
	s17 =	simm.s32 $0x8100;
	s18 =	simm.s32 $0x208  }
0x4: {  	s19 =	simm.s32 $0x8740;
	s20 =	simm.s32 $0x270;
	s21 =	simm.s32 $0x8D80  }
0x5: {  	s22 =	simm.s32 $0x2D8;
	s23 =	simm.s32 $0x93C0;
	s24 =	simm.s32 $0x1  }
0x6: {  	s25 =	simm.s32 $0x2;
	s28 =	simm.s32 $0x4;
	s29 =	simm.s32 $0x5  }
0x7: {  	s30 =	simm.s32 $0x6;
	s0 =	sand.u32 $0x1, s0;
	s2 =	sshll.u32 s2, $0x1  }
0x8: {  	s31 =	simm.s32 $0x7;
	s9 =	simm.s32 $0x0;
	s4 =	sor.u32 s0, s2  }
0x9: {  	s2 =	simm.s32 $0x0;
	s0 =	ssub.s32 $0x2, s0;
	s3 =	smul.u32 $0xD00, s4  }
.Ltmp0:
0xa: {  	[smem:$0x7FF] =	sst s2;
	s7 =	sshrl.u32 s0, $0x1;
	(pc) =	sbr.rel .LBB2_1-.Ltmp0, $4  }
0xb: {  	s26 =	sshll.u32 s4, $0x9;
	_ =	strace $0x80000047;
	s0 =	ssub.s32 s0, s7  }
0xc: {  	s5 =	sadd.s32 s5, s26;
	s7 =	simm.s32 $0x9;
	s26 =	simm.s32 $0x3  }
0xd: {  	v0 =	vlaneseq.u32;
	s6 =	sadd.s32 s3, s1;
	s3 =	sadd.s32 $0x1A400, s1;
	s1 =	simm.s32 $0x8  }
0xe: {  	vm0 =	vmmov $0xff;
	v0 =	vand.u32 $0x7, v0;
	s4 =	sadd.s32 $0x400, s6;
	s6 =	smax.u32 s0, $0x1;
	s0 =	simm.s32 $0x9A00  }
.LBB2_4:
0xf: {  	s9 =	sadd.s32 $0x1, s9  }
0x10: {  	p0 =	sne.s32 s9, s6  }
.Ltmp1:
0x11: {  	_ = 	snop;
	(pc) =	sbr.rel @!p0 .LBB2_5-.Ltmp1, $4  }
0x12: {  	[hbm4b:s5+s2] =	stream.linear.scatter [tilespmem:s0], [sflag:$0x9], $0x1000, $0x38;
	[tilespmem:$0xAA00] =	vst v63  }
0x13: {  	_ =	swait.ge [sflag:s7], $0x1000  }
0x14: {  	[sflag:s7] =	ssyncset.done $0x0  }
0x15: {  	[sflag:s7] =	ssyncadd.s32 $0xFFFFF000  }
.LBB2_1:
0x16: {  	[tilespmem:s2], [sflag:$0x9] =	stream.linear.gather [hbm4b:s4+s2], $0x6800, $0x38;
	[tilespmem:$0xAA00] =	vst v63  }
0x17: {  	_ =	swait.ge [sflag:s7], $0x6800  }
0x18: {  	[sflag:s7] =	ssyncset.done $0x0  }
0x19: {  	s10 =	simm.s32 $0x6800;
	[sflag:s7] =	ssyncadd.s32 $0xFFFF9800  }
0x1a: {  	[tilespmem:s10], [sflag:$0x1] =	stream.indirect.gather [hbm4b:s3+s8], $0x10, s2, s8, $0xb8;
	[tilespmem:$0xAA00] =	vst v63  }
0x1b: {  	s15 =	simm.s32 $0x68;
	s11 =	simm.s32 $0x6E40  }
0x1c: {  	[tilespmem:s11], [sflag:$0x2] =	stream.indirect.gather [hbm4b:s3+s8], $0x10, s15, s8, $0xb8;
	[tilespmem:$0xAA00] =	vst v63  }
0x1d: {  	s12 =	simm.s32 $0xD0;
	s13 =	simm.s32 $0x7480  }
0x1e: {  	[tilespmem:s13], [sflag:$0x3] =	stream.indirect.gather [hbm4b:s3+s8], $0x10, s12, s8, $0xb8;
	[tilespmem:$0xAA00] =	vst v63  }
0x1f: {  	s14 =	simm.s32 $0x138;
	s15 =	simm.s32 $0x7AC0  }
0x20: {  	[tilespmem:s15], [sflag:$0x4] =	stream.indirect.gather [hbm4b:s3+s8], $0x10, s14, s8, $0xb8;
	[tilespmem:$0xAA00] =	vst v63  }
0x21: {  	_ = 	snop  }
0x22: {  	[tilespmem:s17], [sflag:$0x5] =	stream.indirect.gather [hbm4b:s3+s8], $0x10, s16, s8, $0xb8;
	[tilespmem:$0xAA00] =	vst v63  }
0x23: {  	_ = 	snop  }
0x24: {  	[tilespmem:s19], [sflag:$0x6] =	stream.indirect.gather [hbm4b:s3+s8], $0x10, s18, s8, $0xb8;
	[tilespmem:$0xAA00] =	vst v63  }
0x25: {  	_ = 	snop  }
0x26: {  	[tilespmem:s21], [sflag:$0x7] =	stream.indirect.gather [hbm4b:s3+s8], $0x10, s20, s8, $0xb8;
	[tilespmem:$0xAA00] =	vst v63  }
0x27: {  	s10 =	simm.s32 $0x9A40;
	s11 =	simm.s32 $0x0  }
0x28: {  	[tilespmem:s23], [sflag:$0x8] =	stream.indirect.gather [hbm4b:s3+s8], $0x10, s22, s8, $0xb8;
	[tilespmem:$0xAA00] =	vst v63  }
.LBB2_2:
0x29: {  	_ =	swait.ge [sflag:s24], $0x640  }
0x2a: {  	[sflag:s24] =	ssyncset.done $0x0  }
0x2b: {  	[sflag:s24] =	ssyncadd.s32 $0xFFFFF9C0  }
0x2c: {  	v1 =	vld [tilespmem:$0x6B20]  }
0x2d: {  	v2 =	vld [tilespmem:$0x6800]  }
0x2e: {  	v3 =	vld [tilespmem:$0x6B30]  }
0x2f: {  	v4 =	vld [tilespmem:$0x6810]  }
0x30: {  	v5 =	vld [tilespmem:$0x6B40]  }
0x31: {  	v6 =	vld [tilespmem:$0x6820];
	v1 =	vadd.f32 $0.0e+00, v1  }
0x32: {  	v7 =	vld [tilespmem:$0x6B50]  }
0x33: {  	v8 =	vld [tilespmem:$0x6830];
	v2 =	vadd.f32 $0.0e+00, v2;
	v1 =	vadd.f32 v3, v1  }
0x34: {  	v3 =	vld [tilespmem:$0x6B60]  }
0x35: {  	v9 =	vld [tilespmem:$0x6840];
	v2 =	vadd.f32 v4, v2;
	v1 =	vadd.f32 v5, v1  }
0x36: {  	v59 =	vld [tilespmem:$0x6B70]  }
0x37: {  	v60 =	vld [tilespmem:$0x6850];
	v2 =	vadd.f32 v6, v2;
	v1 =	vadd.f32 v7, v1  }
0x38: {  	v61 =	vld [tilespmem:$0x6B80]  }
0x39: {  	v62 =	vld [tilespmem:$0x6860];
	v2 =	vadd.f32 v8, v2;
	v1 =	vadd.f32 v3, v1  }
0x3a: {  	v3 =	vld [tilespmem:$0x6B90]  }
0x3b: {  	v63 =	vld [tilespmem:$0x6870];
	v2 =	vadd.f32 v9, v2;
	v1 =	vadd.f32 v59, v1  }
0x3c: {  	v12 =	vld [tilespmem:$0x6BA0]  }
0x3d: {  	v13 =	vld [tilespmem:$0x6880];
	v2 =	vadd.f32 v60, v2;
	v1 =	vadd.f32 v61, v1  }
0x3e: {  	v14 =	vld [tilespmem:$0x6BB0]  }
0x3f: {  	v15 =	vld [tilespmem:$0x6890];
	v2 =	vadd.f32 v62, v2;
	v1 =	vadd.f32 v3, v1  }
0x40: {  	v3 =	vld [tilespmem:$0x6BC0]  }
0x41: {  	v16 =	vld [tilespmem:$0x68A0];
	v2 =	vadd.f32 v63, v2;
	v1 =	vadd.f32 v12, v1  }
0x42: {  	v17 =	vld [tilespmem:$0x6BD0]  }
0x43: {  	v18 =	vld [tilespmem:$0x68B0];
	v2 =	vadd.f32 v13, v2;
	v1 =	vadd.f32 v14, v1  }
0x44: {  	v19 =	vld [tilespmem:$0x6BE0]  }
0x45: {  	v20 =	vld [tilespmem:$0x68C0];
	v2 =	vadd.f32 v15, v2;
	v1 =	vadd.f32 v3, v1  }
0x46: {  	v3 =	vld [tilespmem:$0x6BF0]  }
0x47: {  	v21 =	vld [tilespmem:$0x68D0];
	v2 =	vadd.f32 v16, v2;
	v1 =	vadd.f32 v17, v1  }
0x48: {  	v22 =	vld [tilespmem:$0x6C00]  }
0x49: {  	v23 =	vld [tilespmem:$0x68E0];
	v2 =	vadd.f32 v18, v2;
	v1 =	vadd.f32 v19, v1  }
0x4a: {  	v24 =	vld [tilespmem:$0x6C10]  }
0x4b: {  	v25 =	vld [tilespmem:$0x68F0];
	v2 =	vadd.f32 v20, v2;
	v1 =	vadd.f32 v3, v1  }
0x4c: {  	v3 =	vld [tilespmem:$0x6C20]  }
0x4d: {  	v26 =	vld [tilespmem:$0x6900];
	v2 =	vadd.f32 v21, v2;
	v1 =	vadd.f32 v22, v1  }
0x4e: {  	v27 =	vld [tilespmem:$0x6C30]  }
0x4f: {  	v28 =	vld [tilespmem:$0x6910];
	v2 =	vadd.f32 v23, v2;
	v1 =	vadd.f32 v24, v1  }
0x50: {  	v29 =	vld [tilespmem:$0x6C40]  }
0x51: {  	v30 =	vld [tilespmem:$0x6920];
	v2 =	vadd.f32 v25, v2;
	v1 =	vadd.f32 v3, v1  }
0x52: {  	v3 =	vld [tilespmem:$0x6C50]  }
0x53: {  	v31 =	vld [tilespmem:$0x6930];
	v2 =	vadd.f32 v26, v2;
	v1 =	vadd.f32 v27, v1  }
0x54: {  	v32 =	vld [tilespmem:$0x6C60]  }
0x55: {  	v33 =	vld [tilespmem:$0x6940];
	v2 =	vadd.f32 v28, v2;
	v1 =	vadd.f32 v29, v1  }
0x56: {  	v34 =	vld [tilespmem:$0x6C70]  }
0x57: {  	v35 =	vld [tilespmem:$0x6950];
	v2 =	vadd.f32 v30, v2;
	v1 =	vadd.f32 v3, v1  }
0x58: {  	v3 =	vld [tilespmem:$0x6C80]  }
0x59: {  	v36 =	vld [tilespmem:$0x6960];
	v2 =	vadd.f32 v31, v2;
	v1 =	vadd.f32 v32, v1  }
0x5a: {  	v37 =	vld [tilespmem:$0x6C90]  }
0x5b: {  	v38 =	vld [tilespmem:$0x6970];
	v2 =	vadd.f32 v33, v2;
	v1 =	vadd.f32 v34, v1  }
0x5c: {  	v39 =	vld [tilespmem:$0x6CA0]  }
0x5d: {  	v40 =	vld [tilespmem:$0x6980];
	v2 =	vadd.f32 v35, v2;
	v1 =	vadd.f32 v3, v1  }
0x5e: {  	v3 =	vld [tilespmem:$0x6CB0]  }
0x5f: {  	v41 =	vld [tilespmem:$0x6990];
	v2 =	vadd.f32 v36, v2;
	v1 =	vadd.f32 v37, v1  }
0x60: {  	v42 =	vld [tilespmem:$0x6CC0]  }
0x61: {  	v43 =	vld [tilespmem:$0x69A0];
	v2 =	vadd.f32 v38, v2;
	v1 =	vadd.f32 v39, v1  }
0x62: {  	v44 =	vld [tilespmem:$0x6CD0]  }
0x63: {  	v45 =	vld [tilespmem:$0x69B0];
	v2 =	vadd.f32 v40, v2;
	v1 =	vadd.f32 v3, v1  }
0x64: {  	v3 =	vld [tilespmem:$0x6CE0]  }
0x65: {  	v46 =	vld [tilespmem:$0x69C0];
	v2 =	vadd.f32 v41, v2;
	v1 =	vadd.f32 v42, v1  }
0x66: {  	v47 =	vld [tilespmem:$0x6CF0]  }
0x67: {  	v48 =	vld [tilespmem:$0x69D0];
	v2 =	vadd.f32 v43, v2;
	v1 =	vadd.f32 v44, v1  }
0x68: {  	v49 =	vld [tilespmem:$0x6D00]  }
0x69: {  	v50 =	vld [tilespmem:$0x69E0];
	v2 =	vadd.f32 v45, v2;
	v1 =	vadd.f32 v3, v1  }
0x6a: {  	v3 =	vld [tilespmem:$0x6D10]  }
0x6b: {  	v51 =	vld [tilespmem:$0x69F0];
	v2 =	vadd.f32 v46, v2;
	v1 =	vadd.f32 v47, v1  }
0x6c: {  	v52 =	vld [tilespmem:$0x6D20]  }
0x6d: {  	v53 =	vld [tilespmem:$0x6A00];
	v2 =	vadd.f32 v48, v2;
	v1 =	vadd.f32 v49, v1  }
0x6e: {  	v54 =	vld [tilespmem:$0x6D30]  }
0x6f: {  	v55 =	vld [tilespmem:$0x6A10];
	v2 =	vadd.f32 v50, v2;
	v1 =	vadd.f32 v3, v1  }
0x70: {  	v3 =	vld [tilespmem:$0x6D40]  }
0x71: {  	v56 =	vld [tilespmem:$0x6A20];
	v2 =	vadd.f32 v51, v2;
	v1 =	vadd.f32 v52, v1  }
0x72: {  	v57 =	vld [tilespmem:$0x6D50]  }
0x73: {  	v58 =	vld [tilespmem:$0x6A30];
	v2 =	vadd.f32 v53, v2;
	v1 =	vadd.f32 v54, v1  }
0x74: {  	v59 =	vld [tilespmem:$0x6D60]  }
0x75: {  	v60 =	vld [tilespmem:$0x6A40];
	v2 =	vadd.f32 v55, v2;
	v1 =	vadd.f32 v3, v1  }
0x76: {  	v3 =	vld [tilespmem:$0x6D70]  }
0x77: {  	v61 =	vld [tilespmem:$0x6A50];
	v2 =	vadd.f32 v56, v2;
	v1 =	vadd.f32 v57, v1  }
0x78: {  	v62 =	vld [tilespmem:$0x6D80]  }
0x79: {  	v63 =	vld [tilespmem:$0x6A60];
	v2 =	vadd.f32 v58, v2;
	v1 =	vadd.f32 v59, v1  }
0x7a: {  	v12 =	vld [tilespmem:$0x6D90]  }
0x7b: {  	v13 =	vld [tilespmem:$0x6A70];
	v2 =	vadd.f32 v60, v2;
	v1 =	vadd.f32 v3, v1  }
0x7c: {  	v3 =	vld [tilespmem:$0x6DA0]  }
0x7d: {  	v14 =	vld [tilespmem:$0x6A80];
	v2 =	vadd.f32 v61, v2;
	v1 =	vadd.f32 v62, v1  }
0x7e: {  	v15 =	vld [tilespmem:$0x6DB0]  }
0x7f: {  	v16 =	vld [tilespmem:$0x6A90];
	v2 =	vadd.f32 v63, v2;
	v1 =	vadd.f32 v12, v1  }
0x80: {  	v17 =	vld [tilespmem:$0x6DC0]  }
0x81: {  	v18 =	vld [tilespmem:$0x6AA0];
	v2 =	vadd.f32 v13, v2;
	v1 =	vadd.f32 v3, v1  }
0x82: {  	v3 =	vld [tilespmem:$0x6DD0]  }
0x83: {  	v19 =	vld [tilespmem:$0x6AB0];
	v2 =	vadd.f32 v14, v2;
	v1 =	vadd.f32 v15, v1  }
0x84: {  	v20 =	vld [tilespmem:$0x6DE0]  }
0x85: {  	v21 =	vld [tilespmem:$0x6AC0];
	v2 =	vadd.f32 v16, v2;
	v1 =	vadd.f32 v17, v1  }
0x86: {  	v22 =	vld [tilespmem:$0x6DF0]  }
0x87: {  	v23 =	vld [tilespmem:$0x6AD0];
	v2 =	vadd.f32 v18, v2;
	v1 =	vadd.f32 v3, v1  }
0x88: {  	v3 =	vld [tilespmem:$0x6E00]  }
0x89: {  	v24 =	vld [tilespmem:$0x6AE0];
	v2 =	vadd.f32 v19, v2;
	v1 =	vadd.f32 v20, v1  }
0x8a: {  	v25 =	vld [tilespmem:$0x6E10]  }
0x8b: {  	v26 =	vld [tilespmem:$0x6AF0];
	v2 =	vadd.f32 v21, v2;
	v1 =	vadd.f32 v22, v1  }
0x8c: {  	v27 =	vld [tilespmem:$0x6E20]  }
0x8d: {  	v28 =	vld [tilespmem:$0x6B00];
	v2 =	vadd.f32 v23, v2;
	v1 =	vadd.f32 v3, v1  }
0x8e: {  	v3 =	vld [tilespmem:$0x6E30]  }
0x8f: {  	v2 =	vadd.f32 v24, v2;
	v1 =	vadd.f32 v25, v1  }
0x90: {  	v29 =	vld [tilespmem:$0x6B10]  }
0x91: {  	v2 =	vadd.f32 v26, v2;
	v1 =	vadd.f32 v27, v1;
	_ =	sdelay $0x1  }
0x92: {  	v2 =	vadd.f32 v28, v2;
	v1 =	vadd.f32 v3, v1;
	_ =	sdelay $0x1  }
0x93: {  	v2 =	vadd.f32 v29, v2;
	v1 =	vperm.xlane v1, v0  }
0x94: {  	p0 =	seq.s32 s11, $0x19300  }
0x95: {  	s12 =	sshra.s32 @!p0 s11, $0x2;
	v1 =	vsel vm0, v2, v1  }
0x96: {  	s13 =	simm.s32 @!p0 $0x64;
	s15 =	simm.s32 @!p0 $0x6800;
	s14 =	sadd.s32 @!p0 $0x340, s12;
	[tilespmem:s10+$0xFFFFFFC0] =	vst v1  }
0x97: {  	[tilespmem:s15], [sflag:$0x1] =	stream.indirect.gather @!p0 [hbm4b:s3+s13], $0x10, s14, s13, $0xb8;
	[tilespmem:$0xAA00] =	vst v63  }
0x98: {  	_ =	swait.ge [sflag:s25], $0x640  }
0x99: {  	[sflag:s25] =	ssyncset.done $0x0  }
0x9a: {  	[sflag:s25] =	ssyncadd.s32 $0xFFFFF9C0  }
0x9b: {  	v1 =	vld [tilespmem:$0x7160]  }
0x9c: {  	v2 =	vld [tilespmem:$0x6E40]  }
0x9d: {  	v3 =	vld [tilespmem:$0x7170]  }
0x9e: {  	v30 =	vld [tilespmem:$0x6E50]  }
0x9f: {  	v31 =	vld [tilespmem:$0x7180]  }
0xa0: {  	v32 =	vld [tilespmem:$0x6E60];
	v1 =	vadd.f32 $0.0e+00, v1  }
0xa1: {  	v33 =	vld [tilespmem:$0x7190]  }
0xa2: {  	v34 =	vld [tilespmem:$0x6E70];
	v2 =	vadd.f32 $0.0e+00, v2;
	v1 =	vadd.f32 v3, v1  }
0xa3: {  	v3 =	vld [tilespmem:$0x71A0]  }
0xa4: {  	v35 =	vld [tilespmem:$0x6E80];
	v2 =	vadd.f32 v30, v2;
	v1 =	vadd.f32 v31, v1  }
0xa5: {  	v36 =	vld [tilespmem:$0x71B0]  }
0xa6: {  	v37 =	vld [tilespmem:$0x6E90];
	v2 =	vadd.f32 v32, v2;
	v1 =	vadd.f32 v33, v1  }
0xa7: {  	v38 =	vld [tilespmem:$0x71C0]  }
0xa8: {  	v39 =	vld [tilespmem:$0x6EA0];
	v2 =	vadd.f32 v34, v2;
	v1 =	vadd.f32 v3, v1  }
0xa9: {  	v3 =	vld [tilespmem:$0x71D0]  }
0xaa: {  	v40 =	vld [tilespmem:$0x6EB0];
	v2 =	vadd.f32 v35, v2;
	v1 =	vadd.f32 v36, v1  }
0xab: {  	v41 =	vld [tilespmem:$0x71E0]  }
0xac: {  	v42 =	vld [tilespmem:$0x6EC0];
	v2 =	vadd.f32 v37, v2;
	v1 =	vadd.f32 v38, v1  }
0xad: {  	v43 =	vld [tilespmem:$0x71F0]  }
0xae: {  	v44 =	vld [tilespmem:$0x6ED0];
	v2 =	vadd.f32 v39, v2;
	v1 =	vadd.f32 v3, v1  }
0xaf: {  	v3 =	vld [tilespmem:$0x7200]  }
0xb0: {  	v45 =	vld [tilespmem:$0x6EE0];
	v2 =	vadd.f32 v40, v2;
	v1 =	vadd.f32 v41, v1  }
0xb1: {  	v46 =	vld [tilespmem:$0x7210]  }
0xb2: {  	v47 =	vld [tilespmem:$0x6EF0];
	v2 =	vadd.f32 v42, v2;
	v1 =	vadd.f32 v43, v1  }
0xb3: {  	v48 =	vld [tilespmem:$0x7220]  }
0xb4: {  	v49 =	vld [tilespmem:$0x6F00];
	v2 =	vadd.f32 v44, v2;
	v1 =	vadd.f32 v3, v1  }
0xb5: {  	v3 =	vld [tilespmem:$0x7230]  }
0xb6: {  	v50 =	vld [tilespmem:$0x6F10];
	v2 =	vadd.f32 v45, v2;
	v1 =	vadd.f32 v46, v1  }
0xb7: {  	v51 =	vld [tilespmem:$0x7240]  }
0xb8: {  	v52 =	vld [tilespmem:$0x6F20];
	v2 =	vadd.f32 v47, v2;
	v1 =	vadd.f32 v48, v1  }
0xb9: {  	v53 =	vld [tilespmem:$0x7250]  }
0xba: {  	v54 =	vld [tilespmem:$0x6F30];
	v2 =	vadd.f32 v49, v2;
	v1 =	vadd.f32 v3, v1  }
0xbb: {  	v3 =	vld [tilespmem:$0x7260]  }
0xbc: {  	v55 =	vld [tilespmem:$0x6F40];
	v2 =	vadd.f32 v50, v2;
	v1 =	vadd.f32 v51, v1  }
0xbd: {  	v56 =	vld [tilespmem:$0x7270]  }
0xbe: {  	v57 =	vld [tilespmem:$0x6F50];
	v2 =	vadd.f32 v52, v2;
	v1 =	vadd.f32 v53, v1  }
0xbf: {  	v58 =	vld [tilespmem:$0x7280]  }
0xc0: {  	v59 =	vld [tilespmem:$0x6F60];
	v2 =	vadd.f32 v54, v2;
	v1 =	vadd.f32 v3, v1  }
0xc1: {  	v3 =	vld [tilespmem:$0x7290]  }
0xc2: {  	v60 =	vld [tilespmem:$0x6F70];
	v2 =	vadd.f32 v55, v2;
	v1 =	vadd.f32 v56, v1  }
0xc3: {  	v61 =	vld [tilespmem:$0x72A0]  }
0xc4: {  	v62 =	vld [tilespmem:$0x6F80];
	v2 =	vadd.f32 v57, v2;
	v1 =	vadd.f32 v58, v1  }
0xc5: {  	v63 =	vld [tilespmem:$0x72B0]  }
0xc6: {  	v12 =	vld [tilespmem:$0x6F90];
	v2 =	vadd.f32 v59, v2;
	v1 =	vadd.f32 v3, v1  }
0xc7: {  	v3 =	vld [tilespmem:$0x72C0]  }
0xc8: {  	v13 =	vld [tilespmem:$0x6FA0];
	v2 =	vadd.f32 v60, v2;
	v1 =	vadd.f32 v61, v1  }
0xc9: {  	v14 =	vld [tilespmem:$0x72D0]  }
0xca: {  	v15 =	vld [tilespmem:$0x6FB0];
	v2 =	vadd.f32 v62, v2;
	v1 =	vadd.f32 v63, v1  }
0xcb: {  	v16 =	vld [tilespmem:$0x72E0]  }
0xcc: {  	v17 =	vld [tilespmem:$0x6FC0];
	v2 =	vadd.f32 v12, v2;
	v1 =	vadd.f32 v3, v1  }
0xcd: {  	v3 =	vld [tilespmem:$0x72F0]  }
0xce: {  	v18 =	vld [tilespmem:$0x6FD0];
	v2 =	vadd.f32 v13, v2;
	v1 =	vadd.f32 v14, v1  }
0xcf: {  	v19 =	vld [tilespmem:$0x7300]  }
0xd0: {  	v20 =	vld [tilespmem:$0x6FE0];
	v2 =	vadd.f32 v15, v2;
	v1 =	vadd.f32 v16, v1  }
0xd1: {  	v21 =	vld [tilespmem:$0x7310]  }
0xd2: {  	v22 =	vld [tilespmem:$0x6FF0];
	v2 =	vadd.f32 v17, v2;
	v1 =	vadd.f32 v3, v1  }
0xd3: {  	v3 =	vld [tilespmem:$0x7320]  }
0xd4: {  	v23 =	vld [tilespmem:$0x7000];
	v2 =	vadd.f32 v18, v2;
	v1 =	vadd.f32 v19, v1  }
0xd5: {  	v24 =	vld [tilespmem:$0x7330]  }
0xd6: {  	v25 =	vld [tilespmem:$0x7010];
	v2 =	vadd.f32 v20, v2;
	v1 =	vadd.f32 v21, v1  }
0xd7: {  	v26 =	vld [tilespmem:$0x7340]  }
0xd8: {  	v27 =	vld [tilespmem:$0x7020];
	v2 =	vadd.f32 v22, v2;
	v1 =	vadd.f32 v3, v1  }
0xd9: {  	v3 =	vld [tilespmem:$0x7350]  }
0xda: {  	v28 =	vld [tilespmem:$0x7030];
	v2 =	vadd.f32 v23, v2;
	v1 =	vadd.f32 v24, v1  }
0xdb: {  	v29 =	vld [tilespmem:$0x7360]  }
0xdc: {  	v30 =	vld [tilespmem:$0x7040];
	v2 =	vadd.f32 v25, v2;
	v1 =	vadd.f32 v26, v1  }
0xdd: {  	v31 =	vld [tilespmem:$0x7370]  }
0xde: {  	v32 =	vld [tilespmem:$0x7050];
	v2 =	vadd.f32 v27, v2;
	v1 =	vadd.f32 v3, v1  }
0xdf: {  	v3 =	vld [tilespmem:$0x7380]  }
0xe0: {  	v33 =	vld [tilespmem:$0x7060];
	v2 =	vadd.f32 v28, v2;
	v1 =	vadd.f32 v29, v1  }
0xe1: {  	v34 =	vld [tilespmem:$0x7390]  }
0xe2: {  	v35 =	vld [tilespmem:$0x7070];
	v2 =	vadd.f32 v30, v2;
	v1 =	vadd.f32 v31, v1  }
0xe3: {  	v36 =	vld [tilespmem:$0x73A0]  }
0xe4: {  	v37 =	vld [tilespmem:$0x7080];
	v2 =	vadd.f32 v32, v2;
	v1 =	vadd.f32 v3, v1  }
0xe5: {  	v3 =	vld [tilespmem:$0x73B0]  }
0xe6: {  	v38 =	vld [tilespmem:$0x7090];
	v2 =	vadd.f32 v33, v2;
	v1 =	vadd.f32 v34, v1  }
0xe7: {  	v39 =	vld [tilespmem:$0x73C0]  }
0xe8: {  	v40 =	vld [tilespmem:$0x70A0];
	v2 =	vadd.f32 v35, v2;
	v1 =	vadd.f32 v36, v1  }
0xe9: {  	v41 =	vld [tilespmem:$0x73D0]  }
0xea: {  	v42 =	vld [tilespmem:$0x70B0];
	v2 =	vadd.f32 v37, v2;
	v1 =	vadd.f32 v3, v1  }
0xeb: {  	v3 =	vld [tilespmem:$0x73E0]  }
0xec: {  	v43 =	vld [tilespmem:$0x70C0];
	v2 =	vadd.f32 v38, v2;
	v1 =	vadd.f32 v39, v1  }
0xed: {  	v44 =	vld [tilespmem:$0x73F0]  }
0xee: {  	v45 =	vld [tilespmem:$0x70D0];
	v2 =	vadd.f32 v40, v2;
	v1 =	vadd.f32 v41, v1  }
0xef: {  	v46 =	vld [tilespmem:$0x7400]  }
0xf0: {  	v47 =	vld [tilespmem:$0x70E0];
	v2 =	vadd.f32 v42, v2;
	v1 =	vadd.f32 v3, v1  }
0xf1: {  	v3 =	vld [tilespmem:$0x7410]  }
0xf2: {  	v48 =	vld [tilespmem:$0x70F0];
	v2 =	vadd.f32 v43, v2;
	v1 =	vadd.f32 v44, v1  }
0xf3: {  	v49 =	vld [tilespmem:$0x7420]  }
0xf4: {  	v50 =	vld [tilespmem:$0x7100];
	v2 =	vadd.f32 v45, v2;
	v1 =	vadd.f32 v46, v1  }
0xf5: {  	v51 =	vld [tilespmem:$0x7430]  }
0xf6: {  	v52 =	vld [tilespmem:$0x7110];
	v2 =	vadd.f32 v47, v2;
	v1 =	vadd.f32 v3, v1  }
0xf7: {  	v3 =	vld [tilespmem:$0x7440]  }
0xf8: {  	v53 =	vld [tilespmem:$0x7120];
	v2 =	vadd.f32 v48, v2;
	v1 =	vadd.f32 v49, v1  }
0xf9: {  	v54 =	vld [tilespmem:$0x7450]  }
0xfa: {  	v55 =	vld [tilespmem:$0x7130];
	v2 =	vadd.f32 v50, v2;
	v1 =	vadd.f32 v51, v1  }
0xfb: {  	v56 =	vld [tilespmem:$0x7460]  }
0xfc: {  	v57 =	vld [tilespmem:$0x7140];
	v2 =	vadd.f32 v52, v2;
	v1 =	vadd.f32 v3, v1  }
0xfd: {  	v3 =	vld [tilespmem:$0x7470]  }
0xfe: {  	v2 =	vadd.f32 v53, v2;
	v1 =	vadd.f32 v54, v1  }
0xff: {  	v58 =	vld [tilespmem:$0x7150]  }
0x100: {  	v2 =	vadd.f32 v55, v2;
	v1 =	vadd.f32 v56, v1;
	_ =	sdelay $0x1  }
0x101: {  	v2 =	vadd.f32 v57, v2;
	v1 =	vadd.f32 v3, v1;
	_ =	sdelay $0x1  }
0x102: {  	v2 =	vadd.f32 v58, v2;
	v1 =	vperm.xlane v1, v0;
	_ =	sdelay $0x1  }
0x103: {  	v1 =	vsel vm0, v2, v1  }
0x104: {  	s14 =	sadd.s32 @!p0 $0x3A8, s12;
	s15 =	simm.s32 @!p0 $0x6E40;
	[tilespmem:s10+$0xFFFFFFD0] =	vst v1  }
0x105: {  	[tilespmem:s15], [sflag:$0x2] =	stream.indirect.gather @!p0 [hbm4b:s3+s13], $0x10, s14, s13, $0xb8;
	[tilespmem:$0xAA00] =	vst v63  }
0x106: {  	_ =	swait.ge [sflag:s26], $0x640  }
0x107: {  	[sflag:s26] =	ssyncset.done $0x0  }
0x108: {  	[sflag:s26] =	ssyncadd.s32 $0xFFFFF9C0  }
0x109: {  	v1 =	vld [tilespmem:$0x77A0]  }
0x10a: {  	v2 =	vld [tilespmem:$0x7480]  }
0x10b: {  	v3 =	vld [tilespmem:$0x77B0]  }
0x10c: {  	v59 =	vld [tilespmem:$0x7490]  }
0x10d: {  	v60 =	vld [tilespmem:$0x77C0]  }
0x10e: {  	v61 =	vld [tilespmem:$0x74A0];
	v1 =	vadd.f32 $0.0e+00, v1  }
0x10f: {  	v62 =	vld [tilespmem:$0x77D0]  }
0x110: {  	v63 =	vld [tilespmem:$0x74B0];
	v2 =	vadd.f32 $0.0e+00, v2;
	v1 =	vadd.f32 v3, v1  }
0x111: {  	v3 =	vld [tilespmem:$0x77E0]  }
0x112: {  	v12 =	vld [tilespmem:$0x74C0];
	v2 =	vadd.f32 v59, v2;
	v1 =	vadd.f32 v60, v1  }
0x113: {  	v13 =	vld [tilespmem:$0x77F0]  }
0x114: {  	v14 =	vld [tilespmem:$0x74D0];
	v2 =	vadd.f32 v61, v2;
	v1 =	vadd.f32 v62, v1  }
0x115: {  	v15 =	vld [tilespmem:$0x7800]  }
0x116: {  	v16 =	vld [tilespmem:$0x74E0];
	v2 =	vadd.f32 v63, v2;
	v1 =	vadd.f32 v3, v1  }
0x117: {  	v3 =	vld [tilespmem:$0x7810]  }
0x118: {  	v17 =	vld [tilespmem:$0x74F0];
	v2 =	vadd.f32 v12, v2;
	v1 =	vadd.f32 v13, v1  }
0x119: {  	v18 =	vld [tilespmem:$0x7820]  }
0x11a: {  	v19 =	vld [tilespmem:$0x7500];
	v2 =	vadd.f32 v14, v2;
	v1 =	vadd.f32 v15, v1  }
0x11b: {  	v20 =	vld [tilespmem:$0x7830]  }
0x11c: {  	v21 =	vld [tilespmem:$0x7510];
	v2 =	vadd.f32 v16, v2;
	v1 =	vadd.f32 v3, v1  }
0x11d: {  	v3 =	vld [tilespmem:$0x7840]  }
0x11e: {  	v22 =	vld [tilespmem:$0x7520];
	v2 =	vadd.f32 v17, v2;
	v1 =	vadd.f32 v18, v1  }
0x11f: {  	v23 =	vld [tilespmem:$0x7850]  }
0x120: {  	v24 =	vld [tilespmem:$0x7530];
	v2 =	vadd.f32 v19, v2;
	v1 =	vadd.f32 v20, v1  }
0x121: {  	v25 =	vld [tilespmem:$0x7860]  }
0x122: {  	v26 =	vld [tilespmem:$0x7540];
	v2 =	vadd.f32 v21, v2;
	v1 =	vadd.f32 v3, v1  }
0x123: {  	v3 =	vld [tilespmem:$0x7870]  }
0x124: {  	v27 =	vld [tilespmem:$0x7550];
	v2 =	vadd.f32 v22, v2;
	v1 =	vadd.f32 v23, v1  }
0x125: {  	v28 =	vld [tilespmem:$0x7880]  }
0x126: {  	v29 =	vld [tilespmem:$0x7560];
	v2 =	vadd.f32 v24, v2;
	v1 =	vadd.f32 v25, v1  }
0x127: {  	v30 =	vld [tilespmem:$0x7890]  }
0x128: {  	v31 =	vld [tilespmem:$0x7570];
	v2 =	vadd.f32 v26, v2;
	v1 =	vadd.f32 v3, v1  }
0x129: {  	v3 =	vld [tilespmem:$0x78A0]  }
0x12a: {  	v32 =	vld [tilespmem:$0x7580];
	v2 =	vadd.f32 v27, v2;
	v1 =	vadd.f32 v28, v1  }
0x12b: {  	v33 =	vld [tilespmem:$0x78B0]  }
0x12c: {  	v34 =	vld [tilespmem:$0x7590];
	v2 =	vadd.f32 v29, v2;
	v1 =	vadd.f32 v30, v1  }
0x12d: {  	v35 =	vld [tilespmem:$0x78C0]  }
0x12e: {  	v36 =	vld [tilespmem:$0x75A0];
	v2 =	vadd.f32 v31, v2;
	v1 =	vadd.f32 v3, v1  }
0x12f: {  	v3 =	vld [tilespmem:$0x78D0]  }
0x130: {  	v37 =	vld [tilespmem:$0x75B0];
	v2 =	vadd.f32 v32, v2;
	v1 =	vadd.f32 v33, v1  }
0x131: {  	v38 =	vld [tilespmem:$0x78E0]  }
0x132: {  	v39 =	vld [tilespmem:$0x75C0];
	v2 =	vadd.f32 v34, v2;
	v1 =	vadd.f32 v35, v1  }
0x133: {  	v40 =	vld [tilespmem:$0x78F0]  }
0x134: {  	v41 =	vld [tilespmem:$0x75D0];
	v2 =	vadd.f32 v36, v2;
	v1 =	vadd.f32 v3, v1  }
0x135: {  	v3 =	vld [tilespmem:$0x7900]  }
0x136: {  	v42 =	vld [tilespmem:$0x75E0];
	v2 =	vadd.f32 v37, v2;
	v1 =	vadd.f32 v38, v1  }
0x137: {  	v43 =	vld [tilespmem:$0x7910]  }
0x138: {  	v44 =	vld [tilespmem:$0x75F0];
	v2 =	vadd.f32 v39, v2;
	v1 =	vadd.f32 v40, v1  }
0x139: {  	v45 =	vld [tilespmem:$0x7920]  }
0x13a: {  	v46 =	vld [tilespmem:$0x7600];
	v2 =	vadd.f32 v41, v2;
	v1 =	vadd.f32 v3, v1  }
0x13b: {  	v3 =	vld [tilespmem:$0x7930]  }
0x13c: {  	v47 =	vld [tilespmem:$0x7610];
	v2 =	vadd.f32 v42, v2;
	v1 =	vadd.f32 v43, v1  }
0x13d: {  	v48 =	vld [tilespmem:$0x7940]  }
0x13e: {  	v49 =	vld [tilespmem:$0x7620];
	v2 =	vadd.f32 v44, v2;
	v1 =	vadd.f32 v45, v1  }
0x13f: {  	v50 =	vld [tilespmem:$0x7950]  }
0x140: {  	v51 =	vld [tilespmem:$0x7630];
	v2 =	vadd.f32 v46, v2;
	v1 =	vadd.f32 v3, v1  }
0x141: {  	v3 =	vld [tilespmem:$0x7960]  }
0x142: {  	v52 =	vld [tilespmem:$0x7640];
	v2 =	vadd.f32 v47, v2;
	v1 =	vadd.f32 v48, v1  }
0x143: {  	v53 =	vld [tilespmem:$0x7970]  }
0x144: {  	v54 =	vld [tilespmem:$0x7650];
	v2 =	vadd.f32 v49, v2;
	v1 =	vadd.f32 v50, v1  }
0x145: {  	v55 =	vld [tilespmem:$0x7980]  }
0x146: {  	v56 =	vld [tilespmem:$0x7660];
	v2 =	vadd.f32 v51, v2;
	v1 =	vadd.f32 v3, v1  }
0x147: {  	v3 =	vld [tilespmem:$0x7990]  }
0x148: {  	v57 =	vld [tilespmem:$0x7670];
	v2 =	vadd.f32 v52, v2;
	v1 =	vadd.f32 v53, v1  }
0x149: {  	v58 =	vld [tilespmem:$0x79A0]  }
0x14a: {  	v59 =	vld [tilespmem:$0x7680];
	v2 =	vadd.f32 v54, v2;
	v1 =	vadd.f32 v55, v1  }
0x14b: {  	v60 =	vld [tilespmem:$0x79B0]  }
0x14c: {  	v61 =	vld [tilespmem:$0x7690];
	v2 =	vadd.f32 v56, v2;
	v1 =	vadd.f32 v3, v1  }
0x14d: {  	v3 =	vld [tilespmem:$0x79C0]  }
0x14e: {  	v62 =	vld [tilespmem:$0x76A0];
	v2 =	vadd.f32 v57, v2;
	v1 =	vadd.f32 v58, v1  }
0x14f: {  	v63 =	vld [tilespmem:$0x79D0]  }
0x150: {  	v12 =	vld [tilespmem:$0x76B0];
	v2 =	vadd.f32 v59, v2;
	v1 =	vadd.f32 v60, v1  }
0x151: {  	v13 =	vld [tilespmem:$0x79E0]  }
0x152: {  	v14 =	vld [tilespmem:$0x76C0];
	v2 =	vadd.f32 v61, v2;
	v1 =	vadd.f32 v3, v1  }
0x153: {  	v3 =	vld [tilespmem:$0x79F0]  }
0x154: {  	v15 =	vld [tilespmem:$0x76D0];
	v2 =	vadd.f32 v62, v2;
	v1 =	vadd.f32 v63, v1  }
0x155: {  	v16 =	vld [tilespmem:$0x7A00]  }
0x156: {  	v17 =	vld [tilespmem:$0x76E0];
	v2 =	vadd.f32 v12, v2;
	v1 =	vadd.f32 v13, v1  }
0x157: {  	v18 =	vld [tilespmem:$0x7A10]  }
0x158: {  	v19 =	vld [tilespmem:$0x76F0];
	v2 =	vadd.f32 v14, v2;
	v1 =	vadd.f32 v3, v1  }
0x159: {  	v3 =	vld [tilespmem:$0x7A20]  }
0x15a: {  	v20 =	vld [tilespmem:$0x7700];
	v2 =	vadd.f32 v15, v2;
	v1 =	vadd.f32 v16, v1  }
0x15b: {  	v21 =	vld [tilespmem:$0x7A30]  }
0x15c: {  	v22 =	vld [tilespmem:$0x7710];
	v2 =	vadd.f32 v17, v2;
	v1 =	vadd.f32 v18, v1  }
0x15d: {  	v23 =	vld [tilespmem:$0x7A40]  }
0x15e: {  	v24 =	vld [tilespmem:$0x7720];
	v2 =	vadd.f32 v19, v2;
	v1 =	vadd.f32 v3, v1  }
0x15f: {  	v3 =	vld [tilespmem:$0x7A50]  }
0x160: {  	v25 =	vld [tilespmem:$0x7730];
	v2 =	vadd.f32 v20, v2;
	v1 =	vadd.f32 v21, v1  }
0x161: {  	v26 =	vld [tilespmem:$0x7A60]  }
0x162: {  	v27 =	vld [tilespmem:$0x7740];
	v2 =	vadd.f32 v22, v2;
	v1 =	vadd.f32 v23, v1  }
0x163: {  	v28 =	vld [tilespmem:$0x7A70]  }
0x164: {  	v29 =	vld [tilespmem:$0x7750];
	v2 =	vadd.f32 v24, v2;
	v1 =	vadd.f32 v3, v1  }
0x165: {  	v3 =	vld [tilespmem:$0x7A80]  }
0x166: {  	v30 =	vld [tilespmem:$0x7760];
	v2 =	vadd.f32 v25, v2;
	v1 =	vadd.f32 v26, v1  }
0x167: {  	v31 =	vld [tilespmem:$0x7A90]  }
0x168: {  	v32 =	vld [tilespmem:$0x7770];
	v2 =	vadd.f32 v27, v2;
	v1 =	vadd.f32 v28, v1  }
0x169: {  	v33 =	vld [tilespmem:$0x7AA0]  }
0x16a: {  	v34 =	vld [tilespmem:$0x7780];
	v2 =	vadd.f32 v29, v2;
	v1 =	vadd.f32 v3, v1  }
0x16b: {  	v3 =	vld [tilespmem:$0x7AB0]  }
0x16c: {  	v2 =	vadd.f32 v30, v2;
	v1 =	vadd.f32 v31, v1  }
0x16d: {  	v35 =	vld [tilespmem:$0x7790]  }
0x16e: {  	v2 =	vadd.f32 v32, v2;
	v1 =	vadd.f32 v33, v1;
	_ =	sdelay $0x1  }
0x16f: {  	v2 =	vadd.f32 v34, v2;
	v1 =	vadd.f32 v3, v1;
	_ =	sdelay $0x1  }
0x170: {  	v2 =	vadd.f32 v35, v2;
	v1 =	vperm.xlane v1, v0;
	_ =	sdelay $0x1  }
0x171: {  	v1 =	vsel vm0, v2, v1  }
0x172: {  	s14 =	sadd.s32 @!p0 $0x410, s12;
	s15 =	simm.s32 @!p0 $0x7480;
	[tilespmem:s10+$0xFFFFFFE0] =	vst v1  }
0x173: {  	[tilespmem:s15], [sflag:$0x3] =	stream.indirect.gather @!p0 [hbm4b:s3+s13], $0x10, s14, s13, $0xb8;
	[tilespmem:$0xAA00] =	vst v63  }
0x174: {  	_ =	swait.ge [sflag:s28], $0x640  }
0x175: {  	[sflag:s28] =	ssyncset.done $0x0  }
0x176: {  	[sflag:s28] =	ssyncadd.s32 $0xFFFFF9C0  }
0x177: {  	v1 =	vld [tilespmem:$0x7AC0]  }
0x178: {  	v2 =	vld [tilespmem:$0x7AD0]  }
0x179: {  	v3 =	vld [tilespmem:$0x7AE0]  }
0x17a: {  	v36 =	vld [tilespmem:$0x7AF0]  }
0x17b: {  	v37 =	vld [tilespmem:$0x7B00]  }
0x17c: {  	v38 =	vld [tilespmem:$0x7B10]  }
0x17d: {  	v39 =	vld [tilespmem:$0x7B20]  }
0x17e: {  	v40 =	vld [tilespmem:$0x7B30]  }
0x17f: {  	v41 =	vld [tilespmem:$0x7B40]  }
0x180: {  	v10 =	vld [tilespmem:$0x7B50]  }
0x181: {  	v11 =	vld [tilespmem:$0x7B60]  }
0x182: {  	v12 =	vld [tilespmem:$0x7B70]  }
0x183: {  	v13 =	vld [tilespmem:$0x7B80]  }
0x184: {  	v14 =	vld [tilespmem:$0x7B90]  }
0x185: {  	v15 =	vld [tilespmem:$0x7BA0]  }
0x186: {  	v16 =	vld [tilespmem:$0x7BB0]  }
0x187: {  	v17 =	vld [tilespmem:$0x7BC0]  }
0x188: {  	v18 =	vld [tilespmem:$0x7BD0]  }
0x189: {  	v19 =	vld [tilespmem:$0x7DE0];
	_ =	sdelay $0x1  }
0x18a: {  	v20 =	vld [tilespmem:$0x7DF0];
	_ =	sdelay $0x1  }
0x18b: {  	v21 =	vld [tilespmem:$0x7E00]  }
0x18c: {  	v19 =	vadd.f32 $0.0e+00, v19  }
0x18d: {  	v22 =	vld [tilespmem:$0x7E10]  }
0x18e: {  	v1 =	vadd.f32 $0.0e+00, v1;
	v19 =	vadd.f32 v20, v19  }
0x18f: {  	v42 =	vld [tilespmem:$0x7E20]  }
0x190: {  	v1 =	vadd.f32 v2, v1;
	v19 =	vadd.f32 v21, v19  }
0x191: {  	v2 =	vld [tilespmem:$0x7E30]  }
0x192: {  	v1 =	vadd.f32 v3, v1;
	v19 =	vadd.f32 v22, v19  }
0x193: {  	v3 =	vld [tilespmem:$0x7E40]  }
0x194: {  	v1 =	vadd.f32 v36, v1;
	v19 =	vadd.f32 v42, v19  }
0x195: {  	v43 =	vld [tilespmem:$0x7E50]  }
0x196: {  	v1 =	vadd.f32 v37, v1;
	v2 =	vadd.f32 v2, v19  }
0x197: {  	v44 =	vld [tilespmem:$0x7E60]  }
0x198: {  	v1 =	vadd.f32 v38, v1;
	v2 =	vadd.f32 v3, v2  }
0x199: {  	v3 =	vld [tilespmem:$0x7E70]  }
0x19a: {  	v1 =	vadd.f32 v39, v1;
	v2 =	vadd.f32 v43, v2  }
0x19b: {  	v45 =	vld [tilespmem:$0x7E80]  }
0x19c: {  	v1 =	vadd.f32 v40, v1;
	v2 =	vadd.f32 v44, v2  }
0x19d: {  	v46 =	vld [tilespmem:$0x7E90]  }
0x19e: {  	v1 =	vadd.f32 v41, v1;
	v2 =	vadd.f32 v3, v2  }
0x19f: {  	v3 =	vld [tilespmem:$0x7EA0]  }
0x1a0: {  	v1 =	vadd.f32 v10, v1;
	v2 =	vadd.f32 v45, v2  }
0x1a1: {  	v47 =	vld [tilespmem:$0x7EB0]  }
0x1a2: {  	v1 =	vadd.f32 v11, v1;
	v2 =	vadd.f32 v46, v2  }
0x1a3: {  	v48 =	vld [tilespmem:$0x7EC0]  }
0x1a4: {  	v1 =	vadd.f32 v12, v1;
	v2 =	vadd.f32 v3, v2  }
0x1a5: {  	v3 =	vld [tilespmem:$0x7ED0]  }
0x1a6: {  	v1 =	vadd.f32 v13, v1;
	v2 =	vadd.f32 v47, v2  }
0x1a7: {  	v49 =	vld [tilespmem:$0x7EE0]  }
0x1a8: {  	v1 =	vadd.f32 v14, v1;
	v2 =	vadd.f32 v48, v2  }
0x1a9: {  	v50 =	vld [tilespmem:$0x7EF0]  }
0x1aa: {  	v1 =	vadd.f32 v15, v1;
	v2 =	vadd.f32 v3, v2  }
0x1ab: {  	v3 =	vld [tilespmem:$0x7F00]  }
0x1ac: {  	v51 =	vld [tilespmem:$0x7BE0];
	v1 =	vadd.f32 v16, v1;
	v2 =	vadd.f32 v49, v2  }
0x1ad: {  	v52 =	vld [tilespmem:$0x7F10]  }
0x1ae: {  	v53 =	vld [tilespmem:$0x7BF0];
	v1 =	vadd.f32 v17, v1;
	v2 =	vadd.f32 v50, v2  }
0x1af: {  	v54 =	vld [tilespmem:$0x7F20]  }
0x1b0: {  	v55 =	vld [tilespmem:$0x7C00];
	v1 =	vadd.f32 v18, v1;
	v2 =	vadd.f32 v3, v2  }
0x1b1: {  	v3 =	vld [tilespmem:$0x7F30]  }
0x1b2: {  	v56 =	vld [tilespmem:$0x7C10];
	v1 =	vadd.f32 v51, v1;
	v2 =	vadd.f32 v52, v2  }
0x1b3: {  	v57 =	vld [tilespmem:$0x7F40]  }
0x1b4: {  	v58 =	vld [tilespmem:$0x7C20];
	v1 =	vadd.f32 v53, v1;
	v2 =	vadd.f32 v54, v2  }
0x1b5: {  	v59 =	vld [tilespmem:$0x7F50]  }
0x1b6: {  	v60 =	vld [tilespmem:$0x7C30];
	v1 =	vadd.f32 v55, v1;
	v2 =	vadd.f32 v3, v2  }
0x1b7: {  	v3 =	vld [tilespmem:$0x7F60]  }
0x1b8: {  	v61 =	vld [tilespmem:$0x7C40];
	v1 =	vadd.f32 v56, v1;
	v2 =	vadd.f32 v57, v2  }
0x1b9: {  	v62 =	vld [tilespmem:$0x7F70]  }
0x1ba: {  	v63 =	vld [tilespmem:$0x7C50];
	v1 =	vadd.f32 v58, v1;
	v2 =	vadd.f32 v59, v2  }
0x1bb: {  	v12 =	vld [tilespmem:$0x7F80]  }
0x1bc: {  	v13 =	vld [tilespmem:$0x7C60];
	v1 =	vadd.f32 v60, v1;
	v2 =	vadd.f32 v3, v2  }
0x1bd: {  	v3 =	vld [tilespmem:$0x7F90]  }
0x1be: {  	v14 =	vld [tilespmem:$0x7C70];
	v1 =	vadd.f32 v61, v1;
	v2 =	vadd.f32 v62, v2  }
0x1bf: {  	v15 =	vld [tilespmem:$0x7FA0]  }
0x1c0: {  	v16 =	vld [tilespmem:$0x7C80];
	v1 =	vadd.f32 v63, v1;
	v2 =	vadd.f32 v12, v2  }
0x1c1: {  	v17 =	vld [tilespmem:$0x7FB0]  }
0x1c2: {  	v18 =	vld [tilespmem:$0x7C90];
	v1 =	vadd.f32 v13, v1;
	v2 =	vadd.f32 v3, v2  }
0x1c3: {  	v3 =	vld [tilespmem:$0x7FC0]  }
0x1c4: {  	v20 =	vld [tilespmem:$0x7FD0];
	v1 =	vadd.f32 v14, v1;
	v2 =	vadd.f32 v15, v2  }
0x1c5: {  	v19 =	vld [tilespmem:$0x7CA0]  }
0x1c6: {  	v21 =	vld [tilespmem:$0x7CB0];
	v1 =	vadd.f32 v16, v1;
	v2 =	vadd.f32 v17, v2  }
0x1c7: {  	v22 =	vld [tilespmem:$0x7FE0]  }
0x1c8: {  	v23 =	vld [tilespmem:$0x7CC0];
	v1 =	vadd.f32 v18, v1;
	v2 =	vadd.f32 v3, v2  }
0x1c9: {  	v3 =	vld [tilespmem:$0x7FF0]  }
0x1ca: {  	v24 =	vld [tilespmem:$0x7CD0];
	v1 =	vadd.f32 v19, v1;
	v2 =	vadd.f32 v20, v2  }
0x1cb: {  	v25 =	vld [tilespmem:$0x8000]  }
0x1cc: {  	v26 =	vld [tilespmem:$0x7CE0];
	v1 =	vadd.f32 v21, v1;
	v2 =	vadd.f32 v22, v2  }
0x1cd: {  	v27 =	vld [tilespmem:$0x8010]  }
0x1ce: {  	v28 =	vld [tilespmem:$0x7CF0];
	v1 =	vadd.f32 v23, v1;
	v2 =	vadd.f32 v3, v2  }
0x1cf: {  	v3 =	vld [tilespmem:$0x8020]  }
0x1d0: {  	v29 =	vld [tilespmem:$0x7D00];
	v1 =	vadd.f32 v24, v1;
	v2 =	vadd.f32 v25, v2  }
0x1d1: {  	v30 =	vld [tilespmem:$0x8030]  }
0x1d2: {  	v31 =	vld [tilespmem:$0x7D10];
	v1 =	vadd.f32 v26, v1;
	v2 =	vadd.f32 v27, v2  }
0x1d3: {  	v32 =	vld [tilespmem:$0x8040]  }
0x1d4: {  	v33 =	vld [tilespmem:$0x7D20];
	v1 =	vadd.f32 v28, v1;
	v2 =	vadd.f32 v3, v2  }
0x1d5: {  	v3 =	vld [tilespmem:$0x8050]  }
0x1d6: {  	v34 =	vld [tilespmem:$0x7D30];
	v1 =	vadd.f32 v29, v1;
	v2 =	vadd.f32 v30, v2  }
0x1d7: {  	v35 =	vld [tilespmem:$0x8060]  }
0x1d8: {  	v36 =	vld [tilespmem:$0x7D40];
	v1 =	vadd.f32 v31, v1;
	v2 =	vadd.f32 v32, v2  }
0x1d9: {  	v37 =	vld [tilespmem:$0x8070]  }
0x1da: {  	v38 =	vld [tilespmem:$0x7D50];
	v1 =	vadd.f32 v33, v1;
	v2 =	vadd.f32 v3, v2  }
0x1db: {  	v3 =	vld [tilespmem:$0x8080]  }
0x1dc: {  	v39 =	vld [tilespmem:$0x7D60];
	v1 =	vadd.f32 v34, v1;
	v2 =	vadd.f32 v35, v2  }
0x1dd: {  	v40 =	vld [tilespmem:$0x8090]  }
0x1de: {  	v42 =	vld [tilespmem:$0x80A0];
	v1 =	vadd.f32 v36, v1;
	v2 =	vadd.f32 v37, v2  }
0x1df: {  	v41 =	vld [tilespmem:$0x7D70]  }
0x1e0: {  	v43 =	vld [tilespmem:$0x7D80];
	v1 =	vadd.f32 v38, v1;
	v2 =	vadd.f32 v3, v2  }
0x1e1: {  	v3 =	vld [tilespmem:$0x80B0]  }
0x1e2: {  	v44 =	vld [tilespmem:$0x7D90];
	v1 =	vadd.f32 v39, v1;
	v2 =	vadd.f32 v40, v2  }
0x1e3: {  	v45 =	vld [tilespmem:$0x80C0]  }
0x1e4: {  	v46 =	vld [tilespmem:$0x7DA0];
	v1 =	vadd.f32 v41, v1;
	v2 =	vadd.f32 v42, v2  }
0x1e5: {  	v47 =	vld [tilespmem:$0x80D0]  }
0x1e6: {  	v48 =	vld [tilespmem:$0x7DB0];
	v1 =	vadd.f32 v43, v1;
	v2 =	vadd.f32 v3, v2  }
0x1e7: {  	v3 =	vld [tilespmem:$0x80E0]  }
0x1e8: {  	v49 =	vld [tilespmem:$0x7DC0];
	v1 =	vadd.f32 v44, v1;
	v2 =	vadd.f32 v45, v2  }
0x1e9: {  	v50 =	vld [tilespmem:$0x80F0]  }
0x1ea: {  	v1 =	vadd.f32 v46, v1;
	v2 =	vadd.f32 v47, v2  }
0x1eb: {  	v51 =	vld [tilespmem:$0x7DD0]  }
0x1ec: {  	v1 =	vadd.f32 v48, v1;
	v2 =	vadd.f32 v3, v2;
	_ =	sdelay $0x1  }
0x1ed: {  	v1 =	vadd.f32 v49, v1;
	v2 =	vadd.f32 v50, v2;
	_ =	sdelay $0x1  }
0x1ee: {  	v1 =	vadd.f32 v51, v1;
	v2 =	vperm.xlane v2, v0;
	_ =	sdelay $0x1  }
0x1ef: {  	v1 =	vsel vm0, v1, v2  }
0x1f0: {  	s14 =	sadd.s32 @!p0 $0x478, s12;
	s15 =	simm.s32 @!p0 $0x7AC0;
	[tilespmem:s10+$0xFFFFFFF0] =	vst v1  }
0x1f1: {  	[tilespmem:s15], [sflag:$0x4] =	stream.indirect.gather @!p0 [hbm4b:s3+s13], $0x10, s14, s13, $0xb8;
	[tilespmem:$0xAA00] =	vst v63  }
0x1f2: {  	_ =	swait.ge [sflag:s29], $0x640  }
0x1f3: {  	[sflag:s29] =	ssyncset.done $0x0  }
0x1f4: {  	[sflag:s29] =	ssyncadd.s32 $0xFFFFF9C0  }
0x1f5: {  	v1 =	vld [tilespmem:$0x8420]  }
0x1f6: {  	v2 =	vld [tilespmem:$0x8100]  }
0x1f7: {  	v3 =	vld [tilespmem:$0x8430]  }
0x1f8: {  	v52 =	vld [tilespmem:$0x8110]  }
0x1f9: {  	v53 =	vld [tilespmem:$0x8440]  }
0x1fa: {  	v54 =	vld [tilespmem:$0x8120];
	v1 =	vadd.f32 $0.0e+00, v1  }
0x1fb: {  	v55 =	vld [tilespmem:$0x8450]  }
0x1fc: {  	v56 =	vld [tilespmem:$0x8130];
	v2 =	vadd.f32 $0.0e+00, v2;
	v1 =	vadd.f32 v3, v1  }
0x1fd: {  	v3 =	vld [tilespmem:$0x8460]  }
0x1fe: {  	v57 =	vld [tilespmem:$0x8140];
	v2 =	vadd.f32 v52, v2;
	v1 =	vadd.f32 v53, v1  }
0x1ff: {  	v58 =	vld [tilespmem:$0x8470]  }
0x200: {  	v59 =	vld [tilespmem:$0x8150];
	v2 =	vadd.f32 v54, v2;
	v1 =	vadd.f32 v55, v1  }
0x201: {  	v60 =	vld [tilespmem:$0x8480]  }
0x202: {  	v61 =	vld [tilespmem:$0x8160];
	v2 =	vadd.f32 v56, v2;
	v1 =	vadd.f32 v3, v1  }
0x203: {  	v3 =	vld [tilespmem:$0x8490]  }
0x204: {  	v62 =	vld [tilespmem:$0x8170];
	v2 =	vadd.f32 v57, v2;
	v1 =	vadd.f32 v58, v1  }
0x205: {  	v63 =	vld [tilespmem:$0x84A0]  }
0x206: {  	v12 =	vld [tilespmem:$0x8180];
	v2 =	vadd.f32 v59, v2;
	v1 =	vadd.f32 v60, v1  }
0x207: {  	v13 =	vld [tilespmem:$0x84B0]  }
0x208: {  	v14 =	vld [tilespmem:$0x8190];
	v2 =	vadd.f32 v61, v2;
	v1 =	vadd.f32 v3, v1  }
0x209: {  	v3 =	vld [tilespmem:$0x84C0]  }
0x20a: {  	v15 =	vld [tilespmem:$0x81A0];
	v2 =	vadd.f32 v62, v2;
	v1 =	vadd.f32 v63, v1  }
0x20b: {  	v16 =	vld [tilespmem:$0x84D0]  }
0x20c: {  	v17 =	vld [tilespmem:$0x81B0];
	v2 =	vadd.f32 v12, v2;
	v1 =	vadd.f32 v13, v1  }
0x20d: {  	v18 =	vld [tilespmem:$0x84E0]  }
0x20e: {  	v19 =	vld [tilespmem:$0x81C0];
	v2 =	vadd.f32 v14, v2;
	v1 =	vadd.f32 v3, v1  }
0x20f: {  	v3 =	vld [tilespmem:$0x84F0]  }
0x210: {  	v20 =	vld [tilespmem:$0x81D0];
	v2 =	vadd.f32 v15, v2;
	v1 =	vadd.f32 v16, v1  }
0x211: {  	v21 =	vld [tilespmem:$0x8500]  }
0x212: {  	v22 =	vld [tilespmem:$0x81E0];
	v2 =	vadd.f32 v17, v2;
	v1 =	vadd.f32 v18, v1  }
0x213: {  	v23 =	vld [tilespmem:$0x8510]  }
0x214: {  	v24 =	vld [tilespmem:$0x81F0];
	v2 =	vadd.f32 v19, v2;
	v1 =	vadd.f32 v3, v1  }
0x215: {  	v3 =	vld [tilespmem:$0x8520]  }
0x216: {  	v25 =	vld [tilespmem:$0x8200];
	v2 =	vadd.f32 v20, v2;
	v1 =	vadd.f32 v21, v1  }
0x217: {  	v26 =	vld [tilespmem:$0x8530]  }
0x218: {  	v27 =	vld [tilespmem:$0x8210];
	v2 =	vadd.f32 v22, v2;
	v1 =	vadd.f32 v23, v1  }
0x219: {  	v28 =	vld [tilespmem:$0x8540]  }
0x21a: {  	v29 =	vld [tilespmem:$0x8220];
	v2 =	vadd.f32 v24, v2;
	v1 =	vadd.f32 v3, v1  }
0x21b: {  	v3 =	vld [tilespmem:$0x8550]  }
0x21c: {  	v30 =	vld [tilespmem:$0x8230];
	v2 =	vadd.f32 v25, v2;
	v1 =	vadd.f32 v26, v1  }
0x21d: {  	v31 =	vld [tilespmem:$0x8560]  }
0x21e: {  	v32 =	vld [tilespmem:$0x8240];
	v2 =	vadd.f32 v27, v2;
	v1 =	vadd.f32 v28, v1  }
0x21f: {  	v33 =	vld [tilespmem:$0x8570]  }
0x220: {  	v34 =	vld [tilespmem:$0x8250];
	v2 =	vadd.f32 v29, v2;
	v1 =	vadd.f32 v3, v1  }
0x221: {  	v3 =	vld [tilespmem:$0x8580]  }
0x222: {  	v35 =	vld [tilespmem:$0x8260];
	v2 =	vadd.f32 v30, v2;
	v1 =	vadd.f32 v31, v1  }
0x223: {  	v36 =	vld [tilespmem:$0x8590]  }
0x224: {  	v37 =	vld [tilespmem:$0x8270];
	v2 =	vadd.f32 v32, v2;
	v1 =	vadd.f32 v33, v1  }
0x225: {  	v38 =	vld [tilespmem:$0x85A0]  }
0x226: {  	v39 =	vld [tilespmem:$0x8280];
	v2 =	vadd.f32 v34, v2;
	v1 =	vadd.f32 v3, v1  }
0x227: {  	v3 =	vld [tilespmem:$0x85B0]  }
0x228: {  	v40 =	vld [tilespmem:$0x8290];
	v2 =	vadd.f32 v35, v2;
	v1 =	vadd.f32 v36, v1  }
0x229: {  	v41 =	vld [tilespmem:$0x85C0]  }
0x22a: {  	v42 =	vld [tilespmem:$0x82A0];
	v2 =	vadd.f32 v37, v2;
	v1 =	vadd.f32 v38, v1  }
0x22b: {  	v43 =	vld [tilespmem:$0x85D0]  }
0x22c: {  	v44 =	vld [tilespmem:$0x82B0];
	v2 =	vadd.f32 v39, v2;
	v1 =	vadd.f32 v3, v1  }
0x22d: {  	v3 =	vld [tilespmem:$0x85E0]  }
0x22e: {  	v45 =	vld [tilespmem:$0x82C0];
	v2 =	vadd.f32 v40, v2;
	v1 =	vadd.f32 v41, v1  }
0x22f: {  	v46 =	vld [tilespmem:$0x85F0]  }
0x230: {  	v47 =	vld [tilespmem:$0x82D0];
	v2 =	vadd.f32 v42, v2;
	v1 =	vadd.f32 v43, v1  }
0x231: {  	v48 =	vld [tilespmem:$0x8600]  }
0x232: {  	v49 =	vld [tilespmem:$0x82E0];
	v2 =	vadd.f32 v44, v2;
	v1 =	vadd.f32 v3, v1  }
0x233: {  	v3 =	vld [tilespmem:$0x8610]  }
0x234: {  	v50 =	vld [tilespmem:$0x82F0];
	v2 =	vadd.f32 v45, v2;
	v1 =	vadd.f32 v46, v1  }
0x235: {  	v51 =	vld [tilespmem:$0x8620]  }
0x236: {  	v52 =	vld [tilespmem:$0x8300];
	v2 =	vadd.f32 v47, v2;
	v1 =	vadd.f32 v48, v1  }
0x237: {  	v53 =	vld [tilespmem:$0x8630]  }
0x238: {  	v54 =	vld [tilespmem:$0x8310];
	v2 =	vadd.f32 v49, v2;
	v1 =	vadd.f32 v3, v1  }
0x239: {  	v3 =	vld [tilespmem:$0x8640]  }
0x23a: {  	v55 =	vld [tilespmem:$0x8320];
	v2 =	vadd.f32 v50, v2;
	v1 =	vadd.f32 v51, v1  }
0x23b: {  	v56 =	vld [tilespmem:$0x8650]  }
0x23c: {  	v57 =	vld [tilespmem:$0x8330];
	v2 =	vadd.f32 v52, v2;
	v1 =	vadd.f32 v53, v1  }
0x23d: {  	v58 =	vld [tilespmem:$0x8660]  }
0x23e: {  	v59 =	vld [tilespmem:$0x8340];
	v2 =	vadd.f32 v54, v2;
	v1 =	vadd.f32 v3, v1  }
0x23f: {  	v3 =	vld [tilespmem:$0x8670]  }
0x240: {  	v60 =	vld [tilespmem:$0x8350];
	v2 =	vadd.f32 v55, v2;
	v1 =	vadd.f32 v56, v1  }
0x241: {  	v61 =	vld [tilespmem:$0x8680]  }
0x242: {  	v62 =	vld [tilespmem:$0x8360];
	v2 =	vadd.f32 v57, v2;
	v1 =	vadd.f32 v58, v1  }
0x243: {  	v63 =	vld [tilespmem:$0x8690]  }
0x244: {  	v12 =	vld [tilespmem:$0x8370];
	v2 =	vadd.f32 v59, v2;
	v1 =	vadd.f32 v3, v1  }
0x245: {  	v3 =	vld [tilespmem:$0x86A0]  }
0x246: {  	v13 =	vld [tilespmem:$0x8380];
	v2 =	vadd.f32 v60, v2;
	v1 =	vadd.f32 v61, v1  }
0x247: {  	v14 =	vld [tilespmem:$0x86B0]  }
0x248: {  	v15 =	vld [tilespmem:$0x8390];
	v2 =	vadd.f32 v62, v2;
	v1 =	vadd.f32 v63, v1  }
0x249: {  	v16 =	vld [tilespmem:$0x86C0]  }
0x24a: {  	v17 =	vld [tilespmem:$0x83A0];
	v2 =	vadd.f32 v12, v2;
	v1 =	vadd.f32 v3, v1  }
0x24b: {  	v3 =	vld [tilespmem:$0x86D0]  }
0x24c: {  	v18 =	vld [tilespmem:$0x83B0];
	v2 =	vadd.f32 v13, v2;
	v1 =	vadd.f32 v14, v1  }
0x24d: {  	v19 =	vld [tilespmem:$0x86E0]  }
0x24e: {  	v20 =	vld [tilespmem:$0x83C0];
	v2 =	vadd.f32 v15, v2;
	v1 =	vadd.f32 v16, v1  }
0x24f: {  	v21 =	vld [tilespmem:$0x86F0]  }
0x250: {  	v22 =	vld [tilespmem:$0x83D0];
	v2 =	vadd.f32 v17, v2;
	v1 =	vadd.f32 v3, v1  }
0x251: {  	v3 =	vld [tilespmem:$0x8700]  }
0x252: {  	v23 =	vld [tilespmem:$0x83E0];
	v2 =	vadd.f32 v18, v2;
	v1 =	vadd.f32 v19, v1  }
0x253: {  	v24 =	vld [tilespmem:$0x8710]  }
0x254: {  	v25 =	vld [tilespmem:$0x83F0];
	v2 =	vadd.f32 v20, v2;
	v1 =	vadd.f32 v21, v1  }
0x255: {  	v26 =	vld [tilespmem:$0x8720]  }
0x256: {  	v27 =	vld [tilespmem:$0x8400];
	v2 =	vadd.f32 v22, v2;
	v1 =	vadd.f32 v3, v1  }
0x257: {  	v3 =	vld [tilespmem:$0x8730]  }
0x258: {  	v2 =	vadd.f32 v23, v2;
	v1 =	vadd.f32 v24, v1  }
0x259: {  	v28 =	vld [tilespmem:$0x8410]  }
0x25a: {  	v2 =	vadd.f32 v25, v2;
	v1 =	vadd.f32 v26, v1;
	_ =	sdelay $0x1  }
0x25b: {  	v2 =	vadd.f32 v27, v2;
	v1 =	vadd.f32 v3, v1;
	_ =	sdelay $0x1  }
0x25c: {  	v2 =	vadd.f32 v28, v2;
	v1 =	vperm.xlane v1, v0;
	_ =	sdelay $0x1  }
0x25d: {  	v1 =	vsel vm0, v2, v1  }
0x25e: {  	s14 =	sadd.s32 @!p0 $0x4E0, s12;
	s15 =	simm.s32 @!p0 $0x8100;
	[tilespmem:s10+$0x0] =	vst v1  }
0x25f: {  	[tilespmem:s15], [sflag:$0x5] =	stream.indirect.gather @!p0 [hbm4b:s3+s13], $0x10, s14, s13, $0xb8;
	[tilespmem:$0xAA00] =	vst v63  }
0x260: {  	_ =	swait.ge [sflag:s30], $0x640  }
0x261: {  	[sflag:s30] =	ssyncset.done $0x0  }
0x262: {  	[sflag:s30] =	ssyncadd.s32 $0xFFFFF9C0  }
0x263: {  	v1 =	vld [tilespmem:$0x8A60]  }
0x264: {  	v2 =	vld [tilespmem:$0x8740]  }
0x265: {  	v3 =	vld [tilespmem:$0x8A70]  }
0x266: {  	v29 =	vld [tilespmem:$0x8750]  }
0x267: {  	v30 =	vld [tilespmem:$0x8A80]  }
0x268: {  	v31 =	vld [tilespmem:$0x8760];
	v1 =	vadd.f32 $0.0e+00, v1  }
0x269: {  	v32 =	vld [tilespmem:$0x8A90]  }
0x26a: {  	v33 =	vld [tilespmem:$0x8770];
	v2 =	vadd.f32 $0.0e+00, v2;
	v1 =	vadd.f32 v3, v1  }
0x26b: {  	v3 =	vld [tilespmem:$0x8AA0]  }
0x26c: {  	v34 =	vld [tilespmem:$0x8780];
	v2 =	vadd.f32 v29, v2;
	v1 =	vadd.f32 v30, v1  }
0x26d: {  	v35 =	vld [tilespmem:$0x8AB0]  }
0x26e: {  	v36 =	vld [tilespmem:$0x8790];
	v2 =	vadd.f32 v31, v2;
	v1 =	vadd.f32 v32, v1  }
0x26f: {  	v37 =	vld [tilespmem:$0x8AC0]  }
0x270: {  	v38 =	vld [tilespmem:$0x87A0];
	v2 =	vadd.f32 v33, v2;
	v1 =	vadd.f32 v3, v1  }
0x271: {  	v3 =	vld [tilespmem:$0x8AD0]  }
0x272: {  	v39 =	vld [tilespmem:$0x87B0];
	v2 =	vadd.f32 v34, v2;
	v1 =	vadd.f32 v35, v1  }
0x273: {  	v40 =	vld [tilespmem:$0x8AE0]  }
0x274: {  	v41 =	vld [tilespmem:$0x87C0];
	v2 =	vadd.f32 v36, v2;
	v1 =	vadd.f32 v37, v1  }
0x275: {  	v42 =	vld [tilespmem:$0x8AF0]  }
0x276: {  	v43 =	vld [tilespmem:$0x87D0];
	v2 =	vadd.f32 v38, v2;
	v1 =	vadd.f32 v3, v1  }
0x277: {  	v3 =	vld [tilespmem:$0x8B00]  }
0x278: {  	v44 =	vld [tilespmem:$0x87E0];
	v2 =	vadd.f32 v39, v2;
	v1 =	vadd.f32 v40, v1  }
0x279: {  	v45 =	vld [tilespmem:$0x8B10]  }
0x27a: {  	v46 =	vld [tilespmem:$0x87F0];
	v2 =	vadd.f32 v41, v2;
	v1 =	vadd.f32 v42, v1  }
0x27b: {  	v47 =	vld [tilespmem:$0x8B20]  }
0x27c: {  	v48 =	vld [tilespmem:$0x8800];
	v2 =	vadd.f32 v43, v2;
	v1 =	vadd.f32 v3, v1  }
0x27d: {  	v3 =	vld [tilespmem:$0x8B30]  }
0x27e: {  	v49 =	vld [tilespmem:$0x8810];
	v2 =	vadd.f32 v44, v2;
	v1 =	vadd.f32 v45, v1  }
0x27f: {  	v50 =	vld [tilespmem:$0x8B40]  }
0x280: {  	v51 =	vld [tilespmem:$0x8820];
	v2 =	vadd.f32 v46, v2;
	v1 =	vadd.f32 v47, v1  }
0x281: {  	v52 =	vld [tilespmem:$0x8B50]  }
0x282: {  	v53 =	vld [tilespmem:$0x8830];
	v2 =	vadd.f32 v48, v2;
	v1 =	vadd.f32 v3, v1  }
0x283: {  	v3 =	vld [tilespmem:$0x8B60]  }
0x284: {  	v54 =	vld [tilespmem:$0x8840];
	v2 =	vadd.f32 v49, v2;
	v1 =	vadd.f32 v50, v1  }
0x285: {  	v55 =	vld [tilespmem:$0x8B70]  }
0x286: {  	v56 =	vld [tilespmem:$0x8850];
	v2 =	vadd.f32 v51, v2;
	v1 =	vadd.f32 v52, v1  }
0x287: {  	v57 =	vld [tilespmem:$0x8B80]  }
0x288: {  	v58 =	vld [tilespmem:$0x8860];
	v2 =	vadd.f32 v53, v2;
	v1 =	vadd.f32 v3, v1  }
0x289: {  	v3 =	vld [tilespmem:$0x8B90]  }
0x28a: {  	v59 =	vld [tilespmem:$0x8870];
	v2 =	vadd.f32 v54, v2;
	v1 =	vadd.f32 v55, v1  }
0x28b: {  	v60 =	vld [tilespmem:$0x8BA0]  }
0x28c: {  	v61 =	vld [tilespmem:$0x8880];
	v2 =	vadd.f32 v56, v2;
	v1 =	vadd.f32 v57, v1  }
0x28d: {  	v62 =	vld [tilespmem:$0x8BB0]  }
0x28e: {  	v63 =	vld [tilespmem:$0x8890];
	v2 =	vadd.f32 v58, v2;
	v1 =	vadd.f32 v3, v1  }
0x28f: {  	v3 =	vld [tilespmem:$0x8BC0]  }
0x290: {  	v12 =	vld [tilespmem:$0x88A0];
	v2 =	vadd.f32 v59, v2;
	v1 =	vadd.f32 v60, v1  }
0x291: {  	v13 =	vld [tilespmem:$0x8BD0]  }
0x292: {  	v14 =	vld [tilespmem:$0x88B0];
	v2 =	vadd.f32 v61, v2;
	v1 =	vadd.f32 v62, v1  }
0x293: {  	v15 =	vld [tilespmem:$0x8BE0]  }
0x294: {  	v16 =	vld [tilespmem:$0x88C0];
	v2 =	vadd.f32 v63, v2;
	v1 =	vadd.f32 v3, v1  }
0x295: {  	v3 =	vld [tilespmem:$0x8BF0]  }
0x296: {  	v17 =	vld [tilespmem:$0x88D0];
	v2 =	vadd.f32 v12, v2;
	v1 =	vadd.f32 v13, v1  }
0x297: {  	v18 =	vld [tilespmem:$0x8C00]  }
0x298: {  	v19 =	vld [tilespmem:$0x88E0];
	v2 =	vadd.f32 v14, v2;
	v1 =	vadd.f32 v15, v1  }
0x299: {  	v20 =	vld [tilespmem:$0x8C10]  }
0x29a: {  	v21 =	vld [tilespmem:$0x88F0];
	v2 =	vadd.f32 v16, v2;
	v1 =	vadd.f32 v3, v1  }
0x29b: {  	v3 =	vld [tilespmem:$0x8C20]  }
0x29c: {  	v22 =	vld [tilespmem:$0x8900];
	v2 =	vadd.f32 v17, v2;
	v1 =	vadd.f32 v18, v1  }
0x29d: {  	v23 =	vld [tilespmem:$0x8C30]  }
0x29e: {  	v24 =	vld [tilespmem:$0x8910];
	v2 =	vadd.f32 v19, v2;
	v1 =	vadd.f32 v20, v1  }
0x29f: {  	v25 =	vld [tilespmem:$0x8C40]  }
0x2a0: {  	v26 =	vld [tilespmem:$0x8920];
	v2 =	vadd.f32 v21, v2;
	v1 =	vadd.f32 v3, v1  }
0x2a1: {  	v3 =	vld [tilespmem:$0x8C50]  }
0x2a2: {  	v27 =	vld [tilespmem:$0x8930];
	v2 =	vadd.f32 v22, v2;
	v1 =	vadd.f32 v23, v1  }
0x2a3: {  	v28 =	vld [tilespmem:$0x8C60]  }
0x2a4: {  	v29 =	vld [tilespmem:$0x8940];
	v2 =	vadd.f32 v24, v2;
	v1 =	vadd.f32 v25, v1  }
0x2a5: {  	v30 =	vld [tilespmem:$0x8C70]  }
0x2a6: {  	v31 =	vld [tilespmem:$0x8950];
	v2 =	vadd.f32 v26, v2;
	v1 =	vadd.f32 v3, v1  }
0x2a7: {  	v3 =	vld [tilespmem:$0x8C80]  }
0x2a8: {  	v32 =	vld [tilespmem:$0x8960];
	v2 =	vadd.f32 v27, v2;
	v1 =	vadd.f32 v28, v1  }
0x2a9: {  	v33 =	vld [tilespmem:$0x8C90]  }
0x2aa: {  	v34 =	vld [tilespmem:$0x8970];
	v2 =	vadd.f32 v29, v2;
	v1 =	vadd.f32 v30, v1  }
0x2ab: {  	v35 =	vld [tilespmem:$0x8CA0]  }
0x2ac: {  	v36 =	vld [tilespmem:$0x8980];
	v2 =	vadd.f32 v31, v2;
	v1 =	vadd.f32 v3, v1  }
0x2ad: {  	v3 =	vld [tilespmem:$0x8CB0]  }
0x2ae: {  	v37 =	vld [tilespmem:$0x8990];
	v2 =	vadd.f32 v32, v2;
	v1 =	vadd.f32 v33, v1  }
0x2af: {  	v38 =	vld [tilespmem:$0x8CC0]  }
0x2b0: {  	v39 =	vld [tilespmem:$0x89A0];
	v2 =	vadd.f32 v34, v2;
	v1 =	vadd.f32 v35, v1  }
0x2b1: {  	v40 =	vld [tilespmem:$0x8CD0]  }
0x2b2: {  	v41 =	vld [tilespmem:$0x89B0];
	v2 =	vadd.f32 v36, v2;
	v1 =	vadd.f32 v3, v1  }
0x2b3: {  	v3 =	vld [tilespmem:$0x8CE0]  }
0x2b4: {  	v42 =	vld [tilespmem:$0x89C0];
	v2 =	vadd.f32 v37, v2;
	v1 =	vadd.f32 v38, v1  }
0x2b5: {  	v43 =	vld [tilespmem:$0x8CF0]  }
0x2b6: {  	v44 =	vld [tilespmem:$0x89D0];
	v2 =	vadd.f32 v39, v2;
	v1 =	vadd.f32 v40, v1  }
0x2b7: {  	v45 =	vld [tilespmem:$0x8D00]  }
0x2b8: {  	v46 =	vld [tilespmem:$0x89E0];
	v2 =	vadd.f32 v41, v2;
	v1 =	vadd.f32 v3, v1  }
0x2b9: {  	v3 =	vld [tilespmem:$0x8D10]  }
0x2ba: {  	v47 =	vld [tilespmem:$0x89F0];
	v2 =	vadd.f32 v42, v2;
	v1 =	vadd.f32 v43, v1  }
0x2bb: {  	v48 =	vld [tilespmem:$0x8D20]  }
0x2bc: {  	v49 =	vld [tilespmem:$0x8A00];
	v2 =	vadd.f32 v44, v2;
	v1 =	vadd.f32 v45, v1  }
0x2bd: {  	v50 =	vld [tilespmem:$0x8D30]  }
0x2be: {  	v51 =	vld [tilespmem:$0x8A10];
	v2 =	vadd.f32 v46, v2;
	v1 =	vadd.f32 v3, v1  }
0x2bf: {  	v3 =	vld [tilespmem:$0x8D40]  }
0x2c0: {  	v52 =	vld [tilespmem:$0x8A20];
	v2 =	vadd.f32 v47, v2;
	v1 =	vadd.f32 v48, v1  }
0x2c1: {  	v53 =	vld [tilespmem:$0x8D50]  }
0x2c2: {  	v54 =	vld [tilespmem:$0x8A30];
	v2 =	vadd.f32 v49, v2;
	v1 =	vadd.f32 v50, v1  }
0x2c3: {  	v55 =	vld [tilespmem:$0x8D60]  }
0x2c4: {  	v56 =	vld [tilespmem:$0x8A40];
	v2 =	vadd.f32 v51, v2;
	v1 =	vadd.f32 v3, v1  }
0x2c5: {  	v3 =	vld [tilespmem:$0x8D70]  }
0x2c6: {  	v2 =	vadd.f32 v52, v2;
	v1 =	vadd.f32 v53, v1  }
0x2c7: {  	v57 =	vld [tilespmem:$0x8A50]  }
0x2c8: {  	v2 =	vadd.f32 v54, v2;
	v1 =	vadd.f32 v55, v1;
	_ =	sdelay $0x1  }
0x2c9: {  	v2 =	vadd.f32 v56, v2;
	v1 =	vadd.f32 v3, v1;
	_ =	sdelay $0x1  }
0x2ca: {  	v2 =	vadd.f32 v57, v2;
	v1 =	vperm.xlane v1, v0;
	_ =	sdelay $0x1  }
0x2cb: {  	v1 =	vsel vm0, v2, v1  }
0x2cc: {  	s14 =	sadd.s32 @!p0 $0x548, s12;
	s15 =	simm.s32 @!p0 $0x8740;
	[tilespmem:s10+$0x10] =	vst v1  }
0x2cd: {  	[tilespmem:s15], [sflag:$0x6] =	stream.indirect.gather @!p0 [hbm4b:s3+s13], $0x10, s14, s13, $0xb8;
	[tilespmem:$0xAA00] =	vst v63  }
0x2ce: {  	_ =	swait.ge [sflag:s31], $0x640  }
0x2cf: {  	[sflag:s31] =	ssyncset.done $0x0  }
0x2d0: {  	[sflag:s31] =	ssyncadd.s32 $0xFFFFF9C0  }
0x2d1: {  	v1 =	vld [tilespmem:$0x90A0]  }
0x2d2: {  	v2 =	vld [tilespmem:$0x8D80]  }
0x2d3: {  	v3 =	vld [tilespmem:$0x90B0]  }
0x2d4: {  	v58 =	vld [tilespmem:$0x8D90]  }
0x2d5: {  	v59 =	vld [tilespmem:$0x90C0]  }
0x2d6: {  	v60 =	vld [tilespmem:$0x8DA0];
	v1 =	vadd.f32 $0.0e+00, v1  }
0x2d7: {  	v61 =	vld [tilespmem:$0x90D0]  }
0x2d8: {  	v62 =	vld [tilespmem:$0x8DB0];
	v2 =	vadd.f32 $0.0e+00, v2;
	v1 =	vadd.f32 v3, v1  }
0x2d9: {  	v3 =	vld [tilespmem:$0x90E0]  }
0x2da: {  	v63 =	vld [tilespmem:$0x8DC0];
	v2 =	vadd.f32 v58, v2;
	v1 =	vadd.f32 v59, v1  }
0x2db: {  	v12 =	vld [tilespmem:$0x90F0]  }
0x2dc: {  	v13 =	vld [tilespmem:$0x8DD0];
	v2 =	vadd.f32 v60, v2;
	v1 =	vadd.f32 v61, v1  }
0x2dd: {  	v14 =	vld [tilespmem:$0x9100]  }
0x2de: {  	v15 =	vld [tilespmem:$0x8DE0];
	v2 =	vadd.f32 v62, v2;
	v1 =	vadd.f32 v3, v1  }
0x2df: {  	v3 =	vld [tilespmem:$0x9110]  }
0x2e0: {  	v16 =	vld [tilespmem:$0x8DF0];
	v2 =	vadd.f32 v63, v2;
	v1 =	vadd.f32 v12, v1  }
0x2e1: {  	v17 =	vld [tilespmem:$0x9120]  }
0x2e2: {  	v18 =	vld [tilespmem:$0x8E00];
	v2 =	vadd.f32 v13, v2;
	v1 =	vadd.f32 v14, v1  }
0x2e3: {  	v19 =	vld [tilespmem:$0x9130]  }
0x2e4: {  	v20 =	vld [tilespmem:$0x8E10];
	v2 =	vadd.f32 v15, v2;
	v1 =	vadd.f32 v3, v1  }
0x2e5: {  	v3 =	vld [tilespmem:$0x9140]  }
0x2e6: {  	v21 =	vld [tilespmem:$0x8E20];
	v2 =	vadd.f32 v16, v2;
	v1 =	vadd.f32 v17, v1  }
0x2e7: {  	v22 =	vld [tilespmem:$0x9150]  }
0x2e8: {  	v23 =	vld [tilespmem:$0x8E30];
	v2 =	vadd.f32 v18, v2;
	v1 =	vadd.f32 v19, v1  }
0x2e9: {  	v24 =	vld [tilespmem:$0x9160]  }
0x2ea: {  	v25 =	vld [tilespmem:$0x8E40];
	v2 =	vadd.f32 v20, v2;
	v1 =	vadd.f32 v3, v1  }
0x2eb: {  	v3 =	vld [tilespmem:$0x9170]  }
0x2ec: {  	v26 =	vld [tilespmem:$0x8E50];
	v2 =	vadd.f32 v21, v2;
	v1 =	vadd.f32 v22, v1  }
0x2ed: {  	v27 =	vld [tilespmem:$0x9180]  }
0x2ee: {  	v28 =	vld [tilespmem:$0x8E60];
	v2 =	vadd.f32 v23, v2;
	v1 =	vadd.f32 v24, v1  }
0x2ef: {  	v29 =	vld [tilespmem:$0x9190]  }
0x2f0: {  	v30 =	vld [tilespmem:$0x8E70];
	v2 =	vadd.f32 v25, v2;
	v1 =	vadd.f32 v3, v1  }
0x2f1: {  	v3 =	vld [tilespmem:$0x91A0]  }
0x2f2: {  	v31 =	vld [tilespmem:$0x8E80];
	v2 =	vadd.f32 v26, v2;
	v1 =	vadd.f32 v27, v1  }
0x2f3: {  	v32 =	vld [tilespmem:$0x91B0]  }
0x2f4: {  	v33 =	vld [tilespmem:$0x8E90];
	v2 =	vadd.f32 v28, v2;
	v1 =	vadd.f32 v29, v1  }
0x2f5: {  	v34 =	vld [tilespmem:$0x91C0]  }
0x2f6: {  	v35 =	vld [tilespmem:$0x8EA0];
	v2 =	vadd.f32 v30, v2;
	v1 =	vadd.f32 v3, v1  }
0x2f7: {  	v3 =	vld [tilespmem:$0x91D0]  }
0x2f8: {  	v36 =	vld [tilespmem:$0x8EB0];
	v2 =	vadd.f32 v31, v2;
	v1 =	vadd.f32 v32, v1  }
0x2f9: {  	v37 =	vld [tilespmem:$0x91E0]  }
0x2fa: {  	v38 =	vld [tilespmem:$0x8EC0];
	v2 =	vadd.f32 v33, v2;
	v1 =	vadd.f32 v34, v1  }
0x2fb: {  	v39 =	vld [tilespmem:$0x91F0]  }
0x2fc: {  	v40 =	vld [tilespmem:$0x8ED0];
	v2 =	vadd.f32 v35, v2;
	v1 =	vadd.f32 v3, v1  }
0x2fd: {  	v3 =	vld [tilespmem:$0x9200]  }
0x2fe: {  	v41 =	vld [tilespmem:$0x8EE0];
	v2 =	vadd.f32 v36, v2;
	v1 =	vadd.f32 v37, v1  }
0x2ff: {  	v42 =	vld [tilespmem:$0x9210]  }
0x300: {  	v43 =	vld [tilespmem:$0x8EF0];
	v2 =	vadd.f32 v38, v2;
	v1 =	vadd.f32 v39, v1  }
0x301: {  	v44 =	vld [tilespmem:$0x9220]  }
0x302: {  	v45 =	vld [tilespmem:$0x8F00];
	v2 =	vadd.f32 v40, v2;
	v1 =	vadd.f32 v3, v1  }
0x303: {  	v3 =	vld [tilespmem:$0x9230]  }
0x304: {  	v46 =	vld [tilespmem:$0x8F10];
	v2 =	vadd.f32 v41, v2;
	v1 =	vadd.f32 v42, v1  }
0x305: {  	v47 =	vld [tilespmem:$0x9240]  }
0x306: {  	v48 =	vld [tilespmem:$0x8F20];
	v2 =	vadd.f32 v43, v2;
	v1 =	vadd.f32 v44, v1  }
0x307: {  	v49 =	vld [tilespmem:$0x9250]  }
0x308: {  	v50 =	vld [tilespmem:$0x8F30];
	v2 =	vadd.f32 v45, v2;
	v1 =	vadd.f32 v3, v1  }
0x309: {  	v3 =	vld [tilespmem:$0x9260]  }
0x30a: {  	v51 =	vld [tilespmem:$0x8F40];
	v2 =	vadd.f32 v46, v2;
	v1 =	vadd.f32 v47, v1  }
0x30b: {  	v52 =	vld [tilespmem:$0x9270]  }
0x30c: {  	v53 =	vld [tilespmem:$0x8F50];
	v2 =	vadd.f32 v48, v2;
	v1 =	vadd.f32 v49, v1  }
0x30d: {  	v54 =	vld [tilespmem:$0x9280]  }
0x30e: {  	v55 =	vld [tilespmem:$0x8F60];
	v2 =	vadd.f32 v50, v2;
	v1 =	vadd.f32 v3, v1  }
0x30f: {  	v3 =	vld [tilespmem:$0x9290]  }
0x310: {  	v56 =	vld [tilespmem:$0x8F70];
	v2 =	vadd.f32 v51, v2;
	v1 =	vadd.f32 v52, v1  }
0x311: {  	v57 =	vld [tilespmem:$0x92A0]  }
0x312: {  	v58 =	vld [tilespmem:$0x8F80];
	v2 =	vadd.f32 v53, v2;
	v1 =	vadd.f32 v54, v1  }
0x313: {  	v59 =	vld [tilespmem:$0x92B0]  }
0x314: {  	v60 =	vld [tilespmem:$0x8F90];
	v2 =	vadd.f32 v55, v2;
	v1 =	vadd.f32 v3, v1  }
0x315: {  	v3 =	vld [tilespmem:$0x92C0]  }
0x316: {  	v61 =	vld [tilespmem:$0x8FA0];
	v2 =	vadd.f32 v56, v2;
	v1 =	vadd.f32 v57, v1  }
0x317: {  	v62 =	vld [tilespmem:$0x92D0]  }
0x318: {  	v63 =	vld [tilespmem:$0x8FB0];
	v2 =	vadd.f32 v58, v2;
	v1 =	vadd.f32 v59, v1  }
0x319: {  	v12 =	vld [tilespmem:$0x92E0]  }
0x31a: {  	v13 =	vld [tilespmem:$0x8FC0];
	v2 =	vadd.f32 v60, v2;
	v1 =	vadd.f32 v3, v1  }
0x31b: {  	v3 =	vld [tilespmem:$0x92F0]  }
0x31c: {  	v14 =	vld [tilespmem:$0x8FD0];
	v2 =	vadd.f32 v61, v2;
	v1 =	vadd.f32 v62, v1  }
0x31d: {  	v15 =	vld [tilespmem:$0x9300]  }
0x31e: {  	v16 =	vld [tilespmem:$0x8FE0];
	v2 =	vadd.f32 v63, v2;
	v1 =	vadd.f32 v12, v1  }
0x31f: {  	v17 =	vld [tilespmem:$0x9310]  }
0x320: {  	v18 =	vld [tilespmem:$0x8FF0];
	v2 =	vadd.f32 v13, v2;
	v1 =	vadd.f32 v3, v1  }
0x321: {  	v3 =	vld [tilespmem:$0x9320]  }
0x322: {  	v19 =	vld [tilespmem:$0x9000];
	v2 =	vadd.f32 v14, v2;
	v1 =	vadd.f32 v15, v1  }
0x323: {  	v20 =	vld [tilespmem:$0x9330]  }
0x324: {  	v21 =	vld [tilespmem:$0x9010];
	v2 =	vadd.f32 v16, v2;
	v1 =	vadd.f32 v17, v1  }
0x325: {  	v22 =	vld [tilespmem:$0x9340]  }
0x326: {  	v23 =	vld [tilespmem:$0x9020];
	v2 =	vadd.f32 v18, v2;
	v1 =	vadd.f32 v3, v1  }
0x327: {  	v3 =	vld [tilespmem:$0x9350]  }
0x328: {  	v24 =	vld [tilespmem:$0x9030];
	v2 =	vadd.f32 v19, v2;
	v1 =	vadd.f32 v20, v1  }
0x329: {  	v25 =	vld [tilespmem:$0x9360]  }
0x32a: {  	v26 =	vld [tilespmem:$0x9040];
	v2 =	vadd.f32 v21, v2;
	v1 =	vadd.f32 v22, v1  }
0x32b: {  	v27 =	vld [tilespmem:$0x9370]  }
0x32c: {  	v28 =	vld [tilespmem:$0x9050];
	v2 =	vadd.f32 v23, v2;
	v1 =	vadd.f32 v3, v1  }
0x32d: {  	v3 =	vld [tilespmem:$0x9380]  }
0x32e: {  	v29 =	vld [tilespmem:$0x9060];
	v2 =	vadd.f32 v24, v2;
	v1 =	vadd.f32 v25, v1  }
0x32f: {  	v30 =	vld [tilespmem:$0x9390]  }
0x330: {  	v31 =	vld [tilespmem:$0x9070];
	v2 =	vadd.f32 v26, v2;
	v1 =	vadd.f32 v27, v1  }
0x331: {  	v32 =	vld [tilespmem:$0x93A0]  }
0x332: {  	v33 =	vld [tilespmem:$0x9080];
	v2 =	vadd.f32 v28, v2;
	v1 =	vadd.f32 v3, v1  }
0x333: {  	v3 =	vld [tilespmem:$0x93B0]  }
0x334: {  	v2 =	vadd.f32 v29, v2;
	v1 =	vadd.f32 v30, v1  }
0x335: {  	v34 =	vld [tilespmem:$0x9090]  }
0x336: {  	v2 =	vadd.f32 v31, v2;
	v1 =	vadd.f32 v32, v1;
	_ =	sdelay $0x1  }
0x337: {  	v2 =	vadd.f32 v33, v2;
	v1 =	vadd.f32 v3, v1;
	_ =	sdelay $0x1  }
0x338: {  	v2 =	vadd.f32 v34, v2;
	v1 =	vperm.xlane v1, v0;
	_ =	sdelay $0x1  }
0x339: {  	v1 =	vsel vm0, v2, v1  }
0x33a: {  	s12 =	sadd.s32 @!p0 $0x5B0, s12;
	s14 =	simm.s32 @!p0 $0x8D80;
	[tilespmem:s10+$0x20] =	vst v1  }
0x33b: {  	[tilespmem:s14], [sflag:$0x7] =	stream.indirect.gather @!p0 [hbm4b:s3+s13], $0x10, s12, s13, $0xb8;
	[tilespmem:$0xAA00] =	vst v63  }
0x33c: {  	_ =	swait.ge [sflag:s1], $0x640  }
0x33d: {  	[sflag:s1] =	ssyncset.done $0x0  }
0x33e: {  	[sflag:s1] =	ssyncadd.s32 $0xFFFFF9C0  }
0x33f: {  	v1 =	vld [tilespmem:$0x96E0]  }
0x340: {  	v2 =	vld [tilespmem:$0x93C0]  }
0x341: {  	v3 =	vld [tilespmem:$0x96F0]  }
0x342: {  	v35 =	vld [tilespmem:$0x93D0]  }
0x343: {  	v36 =	vld [tilespmem:$0x9700]  }
0x344: {  	v37 =	vld [tilespmem:$0x93E0];
	v1 =	vadd.f32 $0.0e+00, v1  }
0x345: {  	v38 =	vld [tilespmem:$0x9710]  }
0x346: {  	v39 =	vld [tilespmem:$0x93F0];
	v2 =	vadd.f32 $0.0e+00, v2;
	v1 =	vadd.f32 v3, v1  }
0x347: {  	v3 =	vld [tilespmem:$0x9720]  }
0x348: {  	v40 =	vld [tilespmem:$0x9400];
	v2 =	vadd.f32 v35, v2;
	v1 =	vadd.f32 v36, v1  }
0x349: {  	v41 =	vld [tilespmem:$0x9730]  }
0x34a: {  	v42 =	vld [tilespmem:$0x9410];
	v2 =	vadd.f32 v37, v2;
	v1 =	vadd.f32 v38, v1  }
0x34b: {  	v43 =	vld [tilespmem:$0x9740]  }
0x34c: {  	v44 =	vld [tilespmem:$0x9420];
	v2 =	vadd.f32 v39, v2;
	v1 =	vadd.f32 v3, v1  }
0x34d: {  	v3 =	vld [tilespmem:$0x9750]  }
0x34e: {  	v45 =	vld [tilespmem:$0x9430];
	v2 =	vadd.f32 v40, v2;
	v1 =	vadd.f32 v41, v1  }
0x34f: {  	v46 =	vld [tilespmem:$0x9760]  }
0x350: {  	v47 =	vld [tilespmem:$0x9440];
	v2 =	vadd.f32 v42, v2;
	v1 =	vadd.f32 v43, v1  }
0x351: {  	v48 =	vld [tilespmem:$0x9770]  }
0x352: {  	v49 =	vld [tilespmem:$0x9450];
	v2 =	vadd.f32 v44, v2;
	v1 =	vadd.f32 v3, v1  }
0x353: {  	v3 =	vld [tilespmem:$0x9780]  }
0x354: {  	v50 =	vld [tilespmem:$0x9460];
	v2 =	vadd.f32 v45, v2;
	v1 =	vadd.f32 v46, v1  }
0x355: {  	v51 =	vld [tilespmem:$0x9790]  }
0x356: {  	v52 =	vld [tilespmem:$0x9470];
	v2 =	vadd.f32 v47, v2;
	v1 =	vadd.f32 v48, v1  }
0x357: {  	v53 =	vld [tilespmem:$0x97A0]  }
0x358: {  	v54 =	vld [tilespmem:$0x9480];
	v2 =	vadd.f32 v49, v2;
	v1 =	vadd.f32 v3, v1  }
0x359: {  	v3 =	vld [tilespmem:$0x97B0]  }
0x35a: {  	v55 =	vld [tilespmem:$0x9490];
	v2 =	vadd.f32 v50, v2;
	v1 =	vadd.f32 v51, v1  }
0x35b: {  	v56 =	vld [tilespmem:$0x97C0]  }
0x35c: {  	v57 =	vld [tilespmem:$0x94A0];
	v2 =	vadd.f32 v52, v2;
	v1 =	vadd.f32 v53, v1  }
0x35d: {  	v58 =	vld [tilespmem:$0x97D0]  }
0x35e: {  	v59 =	vld [tilespmem:$0x94B0];
	v2 =	vadd.f32 v54, v2;
	v1 =	vadd.f32 v3, v1  }
0x35f: {  	v3 =	vld [tilespmem:$0x97E0]  }
0x360: {  	v60 =	vld [tilespmem:$0x94C0];
	v2 =	vadd.f32 v55, v2;
	v1 =	vadd.f32 v56, v1  }
0x361: {  	v61 =	vld [tilespmem:$0x97F0]  }
0x362: {  	v62 =	vld [tilespmem:$0x94D0];
	v2 =	vadd.f32 v57, v2;
	v1 =	vadd.f32 v58, v1  }
0x363: {  	v63 =	vld [tilespmem:$0x9800]  }
0x364: {  	v12 =	vld [tilespmem:$0x94E0];
	v2 =	vadd.f32 v59, v2;
	v1 =	vadd.f32 v3, v1  }
0x365: {  	v3 =	vld [tilespmem:$0x9810]  }
0x366: {  	v13 =	vld [tilespmem:$0x94F0];
	v2 =	vadd.f32 v60, v2;
	v1 =	vadd.f32 v61, v1  }
0x367: {  	v14 =	vld [tilespmem:$0x9820]  }
0x368: {  	v15 =	vld [tilespmem:$0x9500];
	v2 =	vadd.f32 v62, v2;
	v1 =	vadd.f32 v63, v1  }
0x369: {  	v16 =	vld [tilespmem:$0x9830]  }
0x36a: {  	v17 =	vld [tilespmem:$0x9510];
	v2 =	vadd.f32 v12, v2;
	v1 =	vadd.f32 v3, v1  }
0x36b: {  	v3 =	vld [tilespmem:$0x9840]  }
0x36c: {  	v18 =	vld [tilespmem:$0x9520];
	v2 =	vadd.f32 v13, v2;
	v1 =	vadd.f32 v14, v1  }
0x36d: {  	v19 =	vld [tilespmem:$0x9850]  }
0x36e: {  	v20 =	vld [tilespmem:$0x9530];
	v2 =	vadd.f32 v15, v2;
	v1 =	vadd.f32 v16, v1  }
0x36f: {  	v21 =	vld [tilespmem:$0x9860]  }
0x370: {  	v22 =	vld [tilespmem:$0x9540];
	v2 =	vadd.f32 v17, v2;
	v1 =	vadd.f32 v3, v1  }
0x371: {  	v3 =	vld [tilespmem:$0x9870]  }
0x372: {  	v23 =	vld [tilespmem:$0x9550];
	v2 =	vadd.f32 v18, v2;
	v1 =	vadd.f32 v19, v1  }
0x373: {  	v24 =	vld [tilespmem:$0x9880]  }
0x374: {  	v25 =	vld [tilespmem:$0x9560];
	v2 =	vadd.f32 v20, v2;
	v1 =	vadd.f32 v21, v1  }
0x375: {  	v26 =	vld [tilespmem:$0x9890]  }
0x376: {  	v27 =	vld [tilespmem:$0x9570];
	v2 =	vadd.f32 v22, v2;
	v1 =	vadd.f32 v3, v1  }
0x377: {  	v3 =	vld [tilespmem:$0x98A0]  }
0x378: {  	v28 =	vld [tilespmem:$0x9580];
	v2 =	vadd.f32 v23, v2;
	v1 =	vadd.f32 v24, v1  }
0x379: {  	v29 =	vld [tilespmem:$0x98B0]  }
0x37a: {  	v30 =	vld [tilespmem:$0x9590];
	v2 =	vadd.f32 v25, v2;
	v1 =	vadd.f32 v26, v1  }
0x37b: {  	v31 =	vld [tilespmem:$0x98C0]  }
0x37c: {  	v32 =	vld [tilespmem:$0x95A0];
	v2 =	vadd.f32 v27, v2;
	v1 =	vadd.f32 v3, v1  }
0x37d: {  	v3 =	vld [tilespmem:$0x98D0]  }
0x37e: {  	v33 =	vld [tilespmem:$0x95B0];
	v2 =	vadd.f32 v28, v2;
	v1 =	vadd.f32 v29, v1  }
0x37f: {  	v34 =	vld [tilespmem:$0x98E0]  }
0x380: {  	v35 =	vld [tilespmem:$0x95C0];
	v2 =	vadd.f32 v30, v2;
	v1 =	vadd.f32 v31, v1  }
0x381: {  	v36 =	vld [tilespmem:$0x98F0]  }
0x382: {  	v37 =	vld [tilespmem:$0x95D0];
	v2 =	vadd.f32 v32, v2;
	v1 =	vadd.f32 v3, v1  }
0x383: {  	v3 =	vld [tilespmem:$0x9900]  }
0x384: {  	v38 =	vld [tilespmem:$0x95E0];
	v2 =	vadd.f32 v33, v2;
	v1 =	vadd.f32 v34, v1  }
0x385: {  	v39 =	vld [tilespmem:$0x9910]  }
0x386: {  	v40 =	vld [tilespmem:$0x95F0];
	v2 =	vadd.f32 v35, v2;
	v1 =	vadd.f32 v36, v1  }
0x387: {  	v41 =	vld [tilespmem:$0x9920]  }
0x388: {  	v42 =	vld [tilespmem:$0x9600];
	v2 =	vadd.f32 v37, v2;
	v1 =	vadd.f32 v3, v1  }
0x389: {  	v3 =	vld [tilespmem:$0x9930]  }
0x38a: {  	v43 =	vld [tilespmem:$0x9610];
	v2 =	vadd.f32 v38, v2;
	v1 =	vadd.f32 v39, v1  }
0x38b: {  	v44 =	vld [tilespmem:$0x9940]  }
0x38c: {  	v45 =	vld [tilespmem:$0x9620];
	v2 =	vadd.f32 v40, v2;
	v1 =	vadd.f32 v41, v1  }
0x38d: {  	v46 =	vld [tilespmem:$0x9950]  }
0x38e: {  	v47 =	vld [tilespmem:$0x9630];
	v2 =	vadd.f32 v42, v2;
	v1 =	vadd.f32 v3, v1  }
0x38f: {  	v3 =	vld [tilespmem:$0x9960]  }
0x390: {  	v48 =	vld [tilespmem:$0x9640];
	v2 =	vadd.f32 v43, v2;
	v1 =	vadd.f32 v44, v1  }
0x391: {  	v49 =	vld [tilespmem:$0x9970]  }
0x392: {  	v50 =	vld [tilespmem:$0x9650];
	v2 =	vadd.f32 v45, v2;
	v1 =	vadd.f32 v46, v1  }
0x393: {  	v51 =	vld [tilespmem:$0x9980]  }
0x394: {  	v52 =	vld [tilespmem:$0x9660];
	v2 =	vadd.f32 v47, v2;
	v1 =	vadd.f32 v3, v1  }
0x395: {  	v3 =	vld [tilespmem:$0x9990]  }
0x396: {  	v53 =	vld [tilespmem:$0x9670];
	v2 =	vadd.f32 v48, v2;
	v1 =	vadd.f32 v49, v1  }
0x397: {  	v54 =	vld [tilespmem:$0x99A0]  }
0x398: {  	v55 =	vld [tilespmem:$0x9680];
	v2 =	vadd.f32 v50, v2;
	v1 =	vadd.f32 v51, v1  }
0x399: {  	v56 =	vld [tilespmem:$0x99B0]  }
0x39a: {  	v57 =	vld [tilespmem:$0x9690];
	v2 =	vadd.f32 v52, v2;
	v1 =	vadd.f32 v3, v1  }
0x39b: {  	v3 =	vld [tilespmem:$0x99C0]  }
0x39c: {  	v58 =	vld [tilespmem:$0x96A0];
	v2 =	vadd.f32 v53, v2;
	v1 =	vadd.f32 v54, v1  }
0x39d: {  	v59 =	vld [tilespmem:$0x99D0]  }
0x39e: {  	v60 =	vld [tilespmem:$0x96B0];
	v2 =	vadd.f32 v55, v2;
	v1 =	vadd.f32 v56, v1  }
0x39f: {  	v61 =	vld [tilespmem:$0x99E0]  }
0x3a0: {  	v62 =	vld [tilespmem:$0x96C0];
	v2 =	vadd.f32 v57, v2;
	v1 =	vadd.f32 v3, v1  }
0x3a1: {  	v3 =	vld [tilespmem:$0x99F0]  }
0x3a2: {  	v2 =	vadd.f32 v58, v2;
	v1 =	vadd.f32 v59, v1  }
0x3a3: {  	v63 =	vld [tilespmem:$0x96D0]  }
0x3a4: {  	v2 =	vadd.f32 v60, v2;
	v1 =	vadd.f32 v61, v1;
	_ =	sdelay $0x1  }
0x3a5: {  	v2 =	vadd.f32 v62, v2;
	v1 =	vadd.f32 v3, v1  }
.Ltmp2:
0x3a6: {  	_ = 	snop;
	(pc) =	sbr.rel @p0 .LBB2_4-.Ltmp2, $3  }
0x3a7: {  	v2 =	vadd.f32 v63, v2;
	v1 =	vperm.xlane v1, v0;
	_ =	sdelay $0x1  }
0x3a8: {  	v1 =	vsel vm0, v2, v1  }
0x3a9: {  	[tilespmem:s10+$0x30] =	vst v1  }
.Ltmp3:
0x3aa: {  	(pc) =	sbr.rel .LBB2_2-.Ltmp3, $4  }
0x3ab: {  	_ = 	snop  }
0x3ac: {  	s12 =	sshra.s32 s11, $0x2  }
0x3ad: {  	s11 =	sadd.s32 $0xD00, s11;
	s10 =	sadd.s32 $0x80, s10;
	s12 =	sadd.s32 $0x618, s12  }
0x3ae: {  	[tilespmem:s23], [sflag:$0x8] =	stream.indirect.gather [hbm4b:s3+s8], $0x10, s12, s8, $0xb8;
	[tilespmem:$0xAA00] =	vst v63  }
.LBB2_5:
0x3af: {  	_ =	sfence.sel $0x180000  }
0x3b0: {  	[bflag:$0x0] =	sbarrier.arrive $0xFFFF  }
0x3b1: {  	_ =	strace $0x90000047  }
0x3b2: {  	s0 =	stileid.u32;
	[bflag:$0x2] =	sbarrier.arrive $0xFFFF  }
0x3b3: {  	p0 =	sne.s32 s0, $0x0;
	s0 =	rddreg [dreg:$0x2]  }
0x3b4: {  	s0 =	sadd.s32 @!p0 $0x100000, s0  }
0x3b5: {  	[sflag:s0] =	ssyncadd.tile.s32 @!p0 $0x1;
	_ =	shalt  }
.Lfunc_end2:
_tile_overlayer_lowered:
.L_overlay_start_2:
0x3b6: {  	(tag) =	ssettag $0x2  }
0x3b7: {  	s0 =	rddreg [dreg:$0x0];
	s2 =	stileid.u32  }
0x3b8: {  	s1 =	rddreg [dreg:$0x1];
	p0 =	sne.s32 s2, $0x0  }
0x3b9: {  	s3 =	rddreg [dreg:$0x2];
	[bflag:$0x3] =	sbarrier.arrive $0xFFFF;
	s2 =	simm.s32 @!p0 $0x1C09  }
0x3ba: {  	[timem:s3], [sflag:s2] =	dma.local @!p0 [hbm:s0], s1  }
0x3bb: {  	s0 =	simm.s32 @!p0 $0x9  }
0x3bc: {  	_ =	swait.ge @!p0 [sflag:s0], s1  }
0x3bd: {  	s1 =	ssub.s32 @!p0 $0x0, s1;
	[sflag:s0] =	ssyncset.done @!p0 $0x0  }
0x3be: {  	[sflag:s0] =	ssyncadd.s32 @!p0 s1  }
0x3bf: {  	[bflag:$0x3] =	sbarrier.arrive $0xFFFF  }
0x3c0: {  	_ =	shalt  }

</sc_bundles>
